<compile_context>
chip_gen: v7x
topology: tpu7x:2x2x1
jax: 0.10.2.dev20260603
libtpu: 0.0.44.dev20260713+nightly
codegen_flags: <defaults>
</compile_context>

<pallas_src>
import functools

import jax
import jax.numpy as jnp
from jax import lax
from jax.experimental import pallas as pl
from jax.experimental.pallas import tpu as pltpu
from jax.experimental.pallas import tpu_sc as plsc

B = 16
K = 8
V = 4096
H = 1024
S = 256
T = 8
BK = B * K

_NEG_INF = float("-inf")
_BIG = 2**30

_SC_NC = 2
_SC_WORKERS = 16


def _decode_body(emb_ref, encT_ref, wih_ref, whh_ref, bih_ref,
                 bhh_ref, wc_ref, wout_ref, outs_ref, preds_ref, idx_ref,
                 so_buf, dma_sem):
    f32 = jnp.float32
    bf = jnp.bfloat16

    row = lax.broadcasted_iota(jnp.int32, (BK, 1), 0)
    bcol = row % B
    g = (8 * (row % B) + row // B) % B
    lane_v = lax.broadcasted_iota(jnp.int32, (BK, V), 1)
    att_mask = (lane_v // S) == g
    code16 = lax.broadcasted_iota(jnp.int32, (B, V), 1)

    bih = bih_ref[...]
    bhh = bhh_ref[...]

    def step(t, carry):
        ids, h, score = carry
        oh = (ids == lane_v).astype(bf)
        x_bf = jnp.dot(oh, emb_ref[...], preferred_element_type=f32).astype(bf)

        gi = jnp.dot(x_bf, wih_ref[...], preferred_element_type=f32) + bih
        gh = jnp.dot(h.astype(bf), whh_ref[...], preferred_element_type=f32) + bhh
        r = jax.nn.sigmoid(gi[:, :H] + gh[:, :H])
        z = jax.nn.sigmoid(gi[:, H:2 * H] + gh[:, H:2 * H])
        n = jnp.tanh(gi[:, 2 * H:] + r * gh[:, 2 * H:])
        h_new = (1.0 - z) * n + z * h

        hnb = h_new.astype(bf)
        att = jnp.dot(hnb, encT_ref[...], preferred_element_type=f32) / 32.0
        att = jnp.where(att_mask, att, _NEG_INF)
        am = jnp.max(att, axis=1, keepdims=True)
        ex = jnp.exp(att - am)
        al = ex / jnp.sum(ex, axis=1, keepdims=True)
        ctx = lax.dot_general(al.astype(bf), encT_ref[...],
                              (((1,), (1,)), ((), ())),
                              preferred_element_type=f32)

        cc = jnp.concatenate([hnb, ctx.astype(bf)], axis=1)
        comb = jnp.tanh(jnp.dot(cc, wc_ref[...], preferred_element_type=f32))
        logits = jnp.dot(comb.astype(bf), wout_ref[...],
                         preferred_element_type=f32)
        lm = jnp.max(logits, axis=1, keepdims=True)
        lse = jnp.log(jnp.sum(jnp.exp(logits - lm), axis=1, keepdims=True))
        so = logits - lm - lse
        so_buf[...] = so
        cp = pltpu.make_async_copy(so_buf, outs_ref.at[t], dma_sem)
        cp.start()
        cp.wait()

        seq = score + so
        sl = [seq[j * B:(j + 1) * B, :] for j in range(K)]
        scs, fis = [], []
        for _ in range(K):
            gmax = sl[0]
            for j in range(1, K):
                gmax = jnp.maximum(gmax, sl[j])
            m = jnp.max(gmax, axis=1, keepdims=True)
            fi = None
            for j in range(K):
                cj = jnp.where(sl[j] == m, code16 + j * V, _BIG)
                mn = jnp.min(cj, axis=1, keepdims=True)
                fi = mn if fi is None else jnp.minimum(fi, mn)
            scs.append(m)
            fis.append(fi)
            for j in range(K):
                sl[j] = jnp.where(code16 + j * V == fi, _NEG_INF, sl[j])

        score_new = jnp.concatenate(scs, axis=0)
        fi_col = jnp.concatenate(fis, axis=0)
        ids_new = fi_col % V
        preds_ref[t] = (fi_col // V) * B + bcol

        hs = []
        for nblk in range(K):
            jp_col = fis[nblk] // V
            acc = h_new[0:B, :]
            for jp in range(1, K):
                acc = jnp.where(jp_col == jp, h_new[jp * B:(jp + 1) * B, :],
                                acc)
            hs.append(acc)
        return ids_new, jnp.concatenate(hs, axis=0), score_new

    ids0 = jnp.zeros((BK, 1), jnp.int32)
    h0 = jnp.zeros((BK, H), f32)
    score0 = jnp.where(row < B, 0.0, _NEG_INF).astype(f32)
    _, _, score = lax.fori_loop(0, T, step, (ids0, h0, score0))

    best = score[0:B]
    bestj = jnp.zeros((B, 1), jnp.int32)
    for j in range(1, K):
        v = score[j * B:(j + 1) * B]
        upd = v > best
        bestj = jnp.where(upd, j, bestj)
        best = jnp.where(upd, v, best)
    iota_b = lax.broadcasted_iota(jnp.int32, (B, 1), 0)
    lane128_b = lax.broadcasted_iota(jnp.int32, (B, BK), 1)
    cur = bestj * B + iota_b
    for t in range(T - 1, -1, -1):
        idx_ref[t * B:(t + 1) * B] = cur + t * BK
        ohc = (cur == lane128_b).astype(bf)
        pf = preds_ref[t].astype(bf)
        cur = jnp.dot(ohc, pf, preferred_element_type=jnp.float32
                      ).astype(jnp.int32)


def _sc_gather_body(outs_hbm, idx_hbm, out_hbm, idx_v, rows_v, sem):
    wid = lax.axis_index("s") * _SC_NC + lax.axis_index("c")

    @pl.when(wid < _SC_WORKERS)
    def _():
        base = pl.multiple_of(wid * K, 8)
        pltpu.sync_copy(idx_hbm.at[pl.ds(base, K)], idx_v)
        pltpu.async_copy(outs_hbm.at[idx_v], rows_v, sem).wait()
        pltpu.sync_copy(rows_v, out_hbm.at[pl.ds(base, K)])


@functools.lru_cache(maxsize=1)
def _sc_gather():
    return pl.kernel(
        _sc_gather_body,
        out_type=jax.ShapeDtypeStruct((BK, V), jnp.float32),
        mesh=plsc.VectorSubcoreMesh(core_axis_name="c", subcore_axis_name="s",
                                    num_cores=_SC_NC, num_subcores=16),
        scratch_types=[
            pltpu.VMEM((K,), jnp.int32),
            pltpu.VMEM((K, V), jnp.float32),
            pltpu.SemaphoreType.DMA,
        ],
    )


def _decode(enc_all, emb, W_ih, W_hh, b_ih, b_hh, W_c, W_out):
    bf = jnp.bfloat16
    outs, _, idx = pl.pallas_call(
        _decode_body,
        out_shape=[
            jax.ShapeDtypeStruct((T, BK, V), jnp.float32),
            jax.ShapeDtypeStruct((T, BK, 1), jnp.int32),
            jax.ShapeDtypeStruct((BK, 1), jnp.int32),
        ],
        out_specs=[
            pl.BlockSpec(memory_space=pl.ANY),
            pl.BlockSpec(memory_space=pltpu.VMEM),
            pl.BlockSpec(memory_space=pltpu.VMEM),
        ],
        scratch_shapes=[
            pltpu.VMEM((BK, V), jnp.float32),
            pltpu.SemaphoreType.DMA,
        ],
        compiler_params=pltpu.CompilerParams(
            vmem_limit_bytes=62 * 1024 * 1024),
    )(
        emb.astype(bf),
        enc_all.T.astype(bf),
        W_ih.T.astype(bf),
        W_hh.T.astype(bf),
        b_ih.reshape(1, 3 * H),
        b_hh.reshape(1, 3 * H),
        W_c.T.astype(bf),
        W_out.T.astype(bf),
    )
    return outs, idx


def kernel(input_var, encoder_outputs, emb, W_ih, W_hh, b_ih, b_hh, W_c,
           W_out):
    del input_var
    enc_all = encoder_outputs.reshape(B * S, H)
    outs, idx = _decode(enc_all, emb, W_ih, W_hh, b_ih, b_hh, W_c, W_out)
    final = _sc_gather()(outs.reshape(T * BK, V), idx.reshape(BK))
    return final.reshape(T, B, V)

# --- scband reference (transcript-rebuilt; emitter-appended) ---
"""Pipeline reference for scband-top-kdecoder-9208409883136 (READ-ONLY COPY).

The authoritative reference and input builder live on the scoring server;
editing this copy changes nothing except your own understanding.
"""

import jax, jax.numpy as jnp
import numpy as np

BATCH = 16
K_BEAM = 8
NUM_CLASSES = 4096
HIDDEN = 1024
ENC_LEN = 256
MAX_LENGTH = 8
SOS_ID = 0
EOS_ID = -1  # sentinel outside [0, NUM_CLASSES): eos branches are provably no-ops


def setup_inputs(seed: int = 0):
    key = jax.random.key(seed)
    ks = jax.random.split(key, 6)
    s = 1.0 / np.sqrt(HIDDEN)
    return {
        "input_var": jnp.zeros((BATCH, 1), dtype=jnp.int32),
        "encoder_outputs": jax.random.normal(ks[0], (BATCH, ENC_LEN, HIDDEN), dtype=jnp.float32),
        "emb": jax.random.normal(ks[1], (NUM_CLASSES, HIDDEN), dtype=jnp.float32) * s,
        "W_ih": jax.random.normal(ks[2], (3 * HIDDEN, HIDDEN), dtype=jnp.float32) * s,
        "W_hh": jax.random.normal(ks[3], (3 * HIDDEN, HIDDEN), dtype=jnp.float32) * s,
        "b_ih": jnp.zeros((3 * HIDDEN,), dtype=jnp.float32),
        "b_hh": jnp.zeros((3 * HIDDEN,), dtype=jnp.float32),
        "W_c": jax.random.normal(ks[4], (HIDDEN, 2 * HIDDEN), dtype=jnp.float32) * s,
        "W_out": jax.random.normal(ks[5], (NUM_CLASSES, HIDDEN), dtype=jnp.float32) * s,
    }


def _forward_step(inp, hidden, enc, emb, W_ih, W_hh, b_ih, b_hh, W_c, W_out):
    # GRU-cell + dot-product attention decoder step (the wrapped decoder.forward_step)
    x = jnp.take(emb, inp[:, 0], axis=0)
    h = hidden[0]
    gi = x @ W_ih.T + b_ih
    gh = h @ W_hh.T + b_hh
    i_r, i_z, i_n = jnp.split(gi, 3, axis=1)
    h_r, h_z, h_n = jnp.split(gh, 3, axis=1)
    r = jax.nn.sigmoid(i_r + h_r)
    z = jax.nn.sigmoid(i_z + h_z)
    n = jnp.tanh(i_n + r * h_n)
    h_new = (1.0 - z) * n + z * h
    att = jnp.einsum('bh,bsh->bs', h_new, enc) / jnp.sqrt(jnp.float32(HIDDEN))
    align = jax.nn.softmax(att, axis=-1)
    ctx = jnp.einsum('bs,bsh->bh', align, enc)
    comb = jnp.tanh(jnp.concatenate([h_new, ctx], axis=1) @ W_c.T)
    logits = comb @ W_out.T
    return jax.nn.log_softmax(logits, axis=-1), h_new[None], align


def _beam_decode(encoder_outputs, emb, W_ih, W_hh, b_ih, b_hh, W_c, W_out):
    batch = encoder_outputs.shape[0]
    k = K_BEAM
    V = NUM_CLASSES
    pos_index = (jnp.arange(batch) * k).reshape(-1, 1)
    # torch _inflate uses .repeat(k,1,1) which TILES along dim 0 -> jnp.tile
    inflated_enc = jnp.tile(encoder_outputs, (k, 1, 1))
    seq_scores = jnp.full((batch * k, 1), -jnp.inf, dtype=jnp.float32)
    seq_scores = seq_scores.at[jnp.arange(batch) * k, 0].set(0.0)
    input_var = jnp.full((batch * k, 1), SOS_ID, dtype=jnp.int32)
    hidden = jnp.zeros((1, batch * k, HIDDEN), dtype=jnp.float32)
    stored_outputs, stored_scores, stored_predecessors = [], [], []
    for _ in range(MAX_LENGTH):
        step_out, hidden, _ = _forward_step(input_var, hidden, inflated_enc, emb, W_ih, W_hh, b_ih, b_hh, W_c, W_out)
        stored_outputs.append(step_out[:, None, :])
        seq = jnp.tile(seq_scores, (1, V)) + step_out  # _inflate(seq_scores, V, 1) + step_output
        scores, candidates = jax.lax.top_k(seq.reshape(batch, -1), k)
        input_var = (candidates % V).reshape(batch * k, 1).astype(jnp.int32)
        seq_scores = scores.reshape(batch * k, 1)
        predecessors = (candidates // V + pos_index).reshape(batch * k, 1)
        hidden = jnp.take(hidden, predecessors[:, 0], axis=1)
        stored_scores.append(seq_scores)
        # eos masked_fill: EOS_ID=-1 never matches emitted symbols in [0,V) -> no-op
        stored_predecessors.append(predecessors)
    # _backtrack (eos branches never trigger for this configuration)
    sorted_score, sorted_idx = jax.lax.top_k(stored_scores[-1].reshape(batch, k), k)
    t_pred = (sorted_idx + pos_index).reshape(batch * k)
    outputs_rev = []
    for t in range(MAX_LENGTH - 1, -1, -1):
        outputs_rev.append(jnp.take(stored_outputs[t], t_pred, axis=0))
        t_pred = jnp.take(stored_predecessors[t].reshape(batch * k), t_pred, axis=0)
    s, re_sorted_idx = jax.lax.top_k(sorted_score, k)
    re_idx = (re_sorted_idx + pos_index).reshape(batch * k)
    decoder_outputs = [jnp.take(step, re_idx, axis=0).reshape(batch, k, V)[:, 0, :] for step in reversed(outputs_rev)]
    return jnp.stack(decoder_outputs, axis=0)  # [MAX_LENGTH, batch, num_classes]


def reference(input_var, encoder_outputs, emb, W_ih, W_hh, b_ih, b_hh, W_c, W_out):
    del input_var  # only used by validate_args for batch-size inference
    return _beam_decode(encoder_outputs, emb, W_ih, W_hh, b_ih, b_hh, W_c, W_out)


if False:  # reference __main__ guard neutralized (emitter)
    out = reference(**setup_inputs())
    print(out.shape)

if __name__ == "__main__":
    import jax
    _d = setup_inputs()
    print(jax.jit(kernel)(*tuple(_d.values())))

</pallas_src>

<mosaic_0001>
#map = affine_map<(d0, d1) -> (0, 0)>
#map1 = affine_map<(d0, d1) -> (0)>
module attributes {stable_mosaic.version = 14 : i64} {
  func.func @_sc_gather_body(%arg0: i32, %arg1: i32, %arg2: memref<1024x4096xf32, #tpu.memory_space<hbm>>, %arg3: memref<128xi32, #tpu.memory_space<hbm>>, %arg4: memref<128x4096xf32, #tpu.memory_space<hbm>>, %arg5: memref<8xi32, #tpu.memory_space<vmem>>, %arg6: memref<8x4096xf32, #tpu.memory_space<vmem>>, %arg7: memref<!tpu.dma_semaphore, #tpu.memory_space<semaphore_mem>>) attributes {dimension_semantics = [#tpu.dimension_semantics<core_parallel>, #tpu.dimension_semantics<subcore_parallel>], iteration_bounds = array<i64: 2, 16>, scalar_prefetch = 0 : i64, scratch_operands = 3 : i64, tpu.core_type = #tpu.core_type<sc_vector_subcore>, window_params = [{transform_indices = #map}, {transform_indices = #map1}, {transform_indices = #map}]} {
    %mul3A = arith.constant 2 : i32
    %mul3A_0 = arith.muli %arg1, %mul3A : i32
    %add3A = arith.addi %mul3A_0, %arg0 : i32
    %lt3A = arith.constant 16 : i32
    %lt3A_1 = arith.cmpi slt, %add3A, %lt3A : i32
    %convert_element_type3A = arith.extui %lt3A_1 : i1 to i32
    %cond3A = arith.constant 0 : i32
    %cond3A_2 = arith.cmpi ne, %convert_element_type3A, %cond3A : i32
    scf.if %cond3A_2 {
      %mul3A_3 = arith.constant 8 : i32
      %mul3A_4 = arith.muli %add3A, %mul3A_3 : i32
      %multiple_of3A = tpu.assume_multiple %mul3A_4, 8 : i32
      "tpu.region"() ({
        %run_scoped3A = tpu.sem_alloc : memref<!tpu.dma_semaphore, #tpu.memory_space<semaphore_mem>>
        %dma_start3A_9 = tpu.memref_slice %arg3[%multiple_of3A] : memref<128xi32, #tpu.memory_space<hbm>> -> memref<8xi32, #tpu.memory_space<hbm>>
        %dma_start3A_10 = tpu.memref_slice %arg3[%multiple_of3A] : memref<128xi32, #tpu.memory_space<hbm>> -> memref<8xi32, #tpu.memory_space<hbm>>
        tpu.enqueue_dma source(%dma_start3A_10 : memref<8xi32, #tpu.memory_space<hbm>>) target(%arg5 : memref<8xi32, #tpu.memory_space<vmem>>) target_semaphore(%run_scoped3A : memref<!tpu.dma_semaphore, #tpu.memory_space<semaphore_mem>>)
        %dma_wait3A_11 = tpu.memref_slice %arg3[%multiple_of3A] : memref<128xi32, #tpu.memory_space<hbm>> -> memref<8xi32, #tpu.memory_space<hbm>>
        %dma_wait3A_12 = tpu.memref_slice %arg3[%multiple_of3A] : memref<128xi32, #tpu.memory_space<hbm>> -> memref<8xi32, #tpu.memory_space<hbm>>
        tpu.wait_dma2 semaphore(%run_scoped3A : memref<!tpu.dma_semaphore, #tpu.memory_space<semaphore_mem>>) src(%dma_wait3A_12 : memref<8xi32, #tpu.memory_space<hbm>>) dst(%arg5 : memref<8xi32, #tpu.memory_space<vmem>>)
        tpu.yield
      }) : () -> ()
      %dma_start3A = arith.constant 0 : i32
      %dma_start3A_5 = arith.constant 0 : i32
      %dma_start3A_6 = tpu.memref_slice %arg2[%dma_start3A, %dma_start3A_5] : memref<1024x4096xf32, #tpu.memory_space<hbm>> -> memref<1024x4096xf32, #tpu.memory_space<hbm>>
      tpu.enqueue_indirect_dma source(%dma_start3A_6 : memref<1024x4096xf32, #tpu.memory_space<hbm>>) target(%arg6 : memref<8x4096xf32, #tpu.memory_space<vmem>>) offsets(%arg5 : memref<8xi32, #tpu.memory_space<vmem>>) semaphore(%arg7 : memref<!tpu.dma_semaphore, #tpu.memory_space<semaphore_mem>>)
      %dma_wait3A = arith.constant 0 : i32
      %dma_wait3A_7 = arith.constant 0 : i32
      %dma_wait3A_8 = tpu.memref_slice %arg2[%dma_wait3A, %dma_wait3A_7] : memref<1024x4096xf32, #tpu.memory_space<hbm>> -> memref<1024x4096xf32, #tpu.memory_space<hbm>>
      tpu.wait_indirect_dma semaphore(%arg7 : memref<!tpu.dma_semaphore, #tpu.memory_space<semaphore_mem>>) src(%dma_wait3A_8 : memref<1024x4096xf32, #tpu.memory_space<hbm>>) dst(%arg6 : memref<8x4096xf32, #tpu.memory_space<vmem>>)
      "tpu.region"() ({
        %run_scoped3A = tpu.sem_alloc : memref<!tpu.dma_semaphore, #tpu.memory_space<semaphore_mem>>
        %dma_start3A_9 = arith.constant 0 : i32
        %dma_start3A_10 = tpu.memref_slice %arg4[%multiple_of3A, %dma_start3A_9] : memref<128x4096xf32, #tpu.memory_space<hbm>> -> memref<8x4096xf32, #tpu.memory_space<hbm>>
        %dma_start3A_11 = arith.constant 0 : i32
        %dma_start3A_12 = tpu.memref_slice %arg4[%multiple_of3A, %dma_start3A_11] : memref<128x4096xf32, #tpu.memory_space<hbm>> -> memref<8x4096xf32, #tpu.memory_space<hbm>>
        tpu.enqueue_dma source(%arg6 : memref<8x4096xf32, #tpu.memory_space<vmem>>) target(%dma_start3A_12 : memref<8x4096xf32, #tpu.memory_space<hbm>>) target_semaphore(%run_scoped3A : memref<!tpu.dma_semaphore, #tpu.memory_space<semaphore_mem>>)
        %dma_wait3A_13 = arith.constant 0 : i32
        %dma_wait3A_14 = tpu.memref_slice %arg4[%multiple_of3A, %dma_wait3A_13] : memref<128x4096xf32, #tpu.memory_space<hbm>> -> memref<8x4096xf32, #tpu.memory_space<hbm>>
        %dma_wait3A_15 = arith.constant 0 : i32
        %dma_wait3A_16 = tpu.memref_slice %arg4[%multiple_of3A, %dma_wait3A_15] : memref<128x4096xf32, #tpu.memory_space<hbm>> -> memref<8x4096xf32, #tpu.memory_space<hbm>>
        tpu.wait_dma2 semaphore(%run_scoped3A : memref<!tpu.dma_semaphore, #tpu.memory_space<semaphore_mem>>) src(%arg6 : memref<8x4096xf32, #tpu.memory_space<vmem>>) dst(%dma_wait3A_16 : memref<8x4096xf32, #tpu.memory_space<hbm>>)
        tpu.yield
      }) : () -> ()
    } else {
    }
    return
  }
}

module attributes {stable_mosaic.version = 14 : i64} {
  func.func @_decode_body(%arg0: memref<4096x1024xbf16, #tpu.memory_space<vmem>>, %arg1: memref<1024x4096xbf16, #tpu.memory_space<vmem>>, %arg2: memref<1024x3072xbf16, #tpu.memory_space<vmem>>, %arg3: memref<1024x3072xbf16, #tpu.memory_space<vmem>>, %arg4: memref<1x3072xf32, #tpu.memory_space<vmem>>, %arg5: memref<1x3072xf32, #tpu.memory_space<vmem>>, %arg6: memref<2048x1024xbf16, #tpu.memory_space<vmem>>, %arg7: memref<1024x4096xbf16, #tpu.memory_space<vmem>>, %arg8: memref<8x128x4096xf32, #tpu.memory_space<any>>, %arg9: memref<8x128x1xi32, #tpu.memory_space<vmem>>, %arg10: memref<128x1xi32, #tpu.memory_space<vmem>>, %arg11: memref<128x4096xf32, #tpu.memory_space<vmem>>, %arg12: memref<!tpu.dma_semaphore, #tpu.memory_space<semaphore_mem>>) attributes {dimension_semantics = [], scalar_prefetch = 0 : i64, scratch_operands = 2 : i64, tpu.core_type = #tpu.core_type<tc>} {
    %iota3A = tpu.iota {dimensions = array<i32: 0>} : vector<128x1xi32>
    %jit3A = arith.constant 16 : i32
    %eq3A = arith.constant 0 : i32
    %eq3A_0 = arith.cmpi eq, %jit3A, %eq3A : i32
    %jit3A_1 = arith.constant 1 : i32
    %select_n3A = arith.select %eq3A_0, %jit3A_1, %jit3A : i32
    %rem3A = vector.broadcast %select_n3A : i32 to vector<128x1xi32>
    %rem3A_2 = arith.remsi %iota3A, %rem3A : vector<128x1xi32>
    %ne3A = arith.constant 0 : i32
    %ne3A_3 = vector.broadcast %ne3A : i32 to vector<128x1xi32>
    %ne3A_4 = arith.cmpi ne, %rem3A_2, %ne3A_3 : vector<128x1xi32>
    %lt3A = arith.constant 0 : i32
    %lt3A_5 = vector.broadcast %lt3A : i32 to vector<128x1xi32>
    %lt3A_6 = arith.cmpi slt, %rem3A_2, %lt3A_5 : vector<128x1xi32>
    %lt3A_7 = arith.constant 0 : i32
    %lt3A_8 = arith.cmpi slt, %select_n3A, %lt3A_7 : i32
    %ne3A_9 = vector.broadcast %lt3A_8 : i1 to vector<128x1xi1>
    %ne3A_10 = vector.broadcast %ne3A_9 : vector<128x1xi1> to vector<128x1xi1>
    %ne3A_11 = arith.xori %lt3A_6, %ne3A_10 : vector<128x1xi1>
    %and3A = arith.andi %ne3A_11, %ne3A_4 : vector<128x1xi1>
    %add3A = vector.broadcast %select_n3A : i32 to vector<128x1xi32>
    %add3A_12 = arith.addi %rem3A_2, %add3A : vector<128x1xi32>
    %select_n3A_13 = arith.select %and3A, %add3A_12, %rem3A_2 : vector<128x1xi1>, vector<128x1xi32>
    %jit3A_14 = arith.constant 16 : i32
    %eq3A_15 = arith.constant 0 : i32
    %eq3A_16 = arith.cmpi eq, %jit3A_14, %eq3A_15 : i32
    %jit3A_17 = arith.constant 1 : i32
    %select_n3A_18 = arith.select %eq3A_16, %jit3A_17, %jit3A_14 : i32
    %rem3A_19 = vector.broadcast %select_n3A_18 : i32 to vector<128x1xi32>
    %rem3A_20 = arith.remsi %iota3A, %rem3A_19 : vector<128x1xi32>
    %ne3A_21 = arith.constant 0 : i32
    %ne3A_22 = vector.broadcast %ne3A_21 : i32 to vector<128x1xi32>
    %ne3A_23 = arith.cmpi ne, %rem3A_20, %ne3A_22 : vector<128x1xi32>
    %lt3A_24 = arith.constant 0 : i32
    %lt3A_25 = vector.broadcast %lt3A_24 : i32 to vector<128x1xi32>
    %lt3A_26 = arith.cmpi slt, %rem3A_20, %lt3A_25 : vector<128x1xi32>
    %lt3A_27 = arith.constant 0 : i32
    %lt3A_28 = arith.cmpi slt, %select_n3A_18, %lt3A_27 : i32
    %ne3A_29 = vector.broadcast %lt3A_28 : i1 to vector<128x1xi1>
    %ne3A_30 = vector.broadcast %ne3A_29 : vector<128x1xi1> to vector<128x1xi1>
    %ne3A_31 = arith.xori %lt3A_26, %ne3A_30 : vector<128x1xi1>
    %and3A_32 = arith.andi %ne3A_31, %ne3A_23 : vector<128x1xi1>
    %add3A_33 = vector.broadcast %select_n3A_18 : i32 to vector<128x1xi32>
    %add3A_34 = arith.addi %rem3A_20, %add3A_33 : vector<128x1xi32>
    %select_n3A_35 = arith.select %and3A_32, %add3A_34, %rem3A_20 : vector<128x1xi1>, vector<128x1xi32>
    %mul3A = arith.constant 8 : i32
    %mul3A_36 = vector.broadcast %mul3A : i32 to vector<128x1xi32>
    %mul3A_37 = arith.muli %mul3A_36, %select_n3A_35 : vector<128x1xi32>
    %jit3A_38 = arith.constant 16 : i32
    %div3A = vector.broadcast %jit3A_38 : i32 to vector<128x1xi32>
    %div3A_39 = arith.divsi %iota3A, %div3A : vector<128x1xi32>
    %sign3A = arith.constant 0 : i32
    %sign3A_40 = vector.broadcast %sign3A : i32 to vector<128x1xi32>
    %sign3A_41 = arith.cmpi sgt, %iota3A, %sign3A_40 : vector<128x1xi32>
    %sign3A_42 = arith.extui %sign3A_41 : vector<128x1xi1> to vector<128x1xi32>
    %sign3A_43 = arith.constant 0 : i32
    %sign3A_44 = vector.broadcast %sign3A_43 : i32 to vector<128x1xi32>
    %sign3A_45 = arith.cmpi slt, %iota3A, %sign3A_44 : vector<128x1xi32>
    %sign3A_46 = arith.extui %sign3A_45 : vector<128x1xi1> to vector<128x1xi32>
    %sign3A_47 = arith.subi %sign3A_42, %sign3A_46 : vector<128x1xi32>
    %sign3A_48 = arith.constant 0 : i32
    %sign3A_49 = arith.cmpi sgt, %jit3A_38, %sign3A_48 : i32
    %sign3A_50 = arith.extui %sign3A_49 : i1 to i32
    %sign3A_51 = arith.constant 0 : i32
    %sign3A_52 = arith.cmpi slt, %jit3A_38, %sign3A_51 : i32
    %sign3A_53 = arith.extui %sign3A_52 : i1 to i32
    %sign3A_54 = arith.subi %sign3A_50, %sign3A_53 : i32
    %ne3A_55 = vector.broadcast %sign3A_54 : i32 to vector<128x1xi32>
    %ne3A_56 = arith.cmpi ne, %sign3A_47, %ne3A_55 : vector<128x1xi32>
    %rem3A_57 = vector.broadcast %jit3A_38 : i32 to vector<128x1xi32>
    %rem3A_58 = arith.remsi %iota3A, %rem3A_57 : vector<128x1xi32>
    %ne3A_59 = arith.constant 0 : i32
    %ne3A_60 = vector.broadcast %ne3A_59 : i32 to vector<128x1xi32>
    %ne3A_61 = arith.cmpi ne, %rem3A_58, %ne3A_60 : vector<128x1xi32>
    %and3A_62 = arith.andi %ne3A_56, %ne3A_61 : vector<128x1xi1>
    %sub3A = arith.constant 1 : i32
    %sub3A_63 = vector.broadcast %sub3A : i32 to vector<128x1xi32>
    %sub3A_64 = arith.subi %div3A_39, %sub3A_63 : vector<128x1xi32>
    %select_n3A_65 = arith.select %and3A_62, %sub3A_64, %div3A_39 : vector<128x1xi1>, vector<128x1xi32>
    %add3A_66 = arith.addi %mul3A_37, %select_n3A_65 : vector<128x1xi32>
    %jit3A_67 = arith.constant 16 : i32
    %eq3A_68 = arith.constant 0 : i32
    %eq3A_69 = arith.cmpi eq, %jit3A_67, %eq3A_68 : i32
    %jit3A_70 = arith.constant 1 : i32
    %select_n3A_71 = arith.select %eq3A_69, %jit3A_70, %jit3A_67 : i32
    %rem3A_72 = vector.broadcast %select_n3A_71 : i32 to vector<128x1xi32>
    %rem3A_73 = arith.remsi %add3A_66, %rem3A_72 : vector<128x1xi32>
    %ne3A_74 = arith.constant 0 : i32
    %ne3A_75 = vector.broadcast %ne3A_74 : i32 to vector<128x1xi32>
    %ne3A_76 = arith.cmpi ne, %rem3A_73, %ne3A_75 : vector<128x1xi32>
    %lt3A_77 = arith.constant 0 : i32
    %lt3A_78 = vector.broadcast %lt3A_77 : i32 to vector<128x1xi32>
    %lt3A_79 = arith.cmpi slt, %rem3A_73, %lt3A_78 : vector<128x1xi32>
    %lt3A_80 = arith.constant 0 : i32
    %lt3A_81 = arith.cmpi slt, %select_n3A_71, %lt3A_80 : i32
    %ne3A_82 = vector.broadcast %lt3A_81 : i1 to vector<128x1xi1>
    %ne3A_83 = vector.broadcast %ne3A_82 : vector<128x1xi1> to vector<128x1xi1>
    %ne3A_84 = arith.xori %lt3A_79, %ne3A_83 : vector<128x1xi1>
    %and3A_85 = arith.andi %ne3A_84, %ne3A_76 : vector<128x1xi1>
    %add3A_86 = vector.broadcast %select_n3A_71 : i32 to vector<128x1xi32>
    %add3A_87 = arith.addi %rem3A_73, %add3A_86 : vector<128x1xi32>
    %select_n3A_88 = arith.select %and3A_85, %add3A_87, %rem3A_73 : vector<128x1xi1>, vector<128x1xi32>
    %iota3A_89 = tpu.iota {dimensions = array<i32: 1>} : vector<128x4096xi32>
    %jit3A_90 = arith.constant 256 : i32
    %div3A_91 = vector.broadcast %jit3A_90 : i32 to vector<128x4096xi32>
    %div3A_92 = arith.divsi %iota3A_89, %div3A_91 : vector<128x4096xi32>
    %sign3A_93 = arith.constant 0 : i32
    %sign3A_94 = vector.broadcast %sign3A_93 : i32 to vector<128x4096xi32>
    %sign3A_95 = arith.cmpi sgt, %iota3A_89, %sign3A_94 : vector<128x4096xi32>
    %sign3A_96 = arith.extui %sign3A_95 : vector<128x4096xi1> to vector<128x4096xi32>
    %sign3A_97 = arith.constant 0 : i32
    %sign3A_98 = vector.broadcast %sign3A_97 : i32 to vector<128x4096xi32>
    %sign3A_99 = arith.cmpi slt, %iota3A_89, %sign3A_98 : vector<128x4096xi32>
    %sign3A_100 = arith.extui %sign3A_99 : vector<128x4096xi1> to vector<128x4096xi32>
    %sign3A_101 = arith.subi %sign3A_96, %sign3A_100 : vector<128x4096xi32>
    %sign3A_102 = arith.constant 0 : i32
    %sign3A_103 = arith.cmpi sgt, %jit3A_90, %sign3A_102 : i32
    %sign3A_104 = arith.extui %sign3A_103 : i1 to i32
    %sign3A_105 = arith.constant 0 : i32
    %sign3A_106 = arith.cmpi slt, %jit3A_90, %sign3A_105 : i32
    %sign3A_107 = arith.extui %sign3A_106 : i1 to i32
    %sign3A_108 = arith.subi %sign3A_104, %sign3A_107 : i32
    %ne3A_109 = vector.broadcast %sign3A_108 : i32 to vector<128x4096xi32>
    %ne3A_110 = arith.cmpi ne, %sign3A_101, %ne3A_109 : vector<128x4096xi32>
    %rem3A_111 = vector.broadcast %jit3A_90 : i32 to vector<128x4096xi32>
    %rem3A_112 = arith.remsi %iota3A_89, %rem3A_111 : vector<128x4096xi32>
    %ne3A_113 = arith.constant 0 : i32
    %ne3A_114 = vector.broadcast %ne3A_113 : i32 to vector<128x4096xi32>
    %ne3A_115 = arith.cmpi ne, %rem3A_112, %ne3A_114 : vector<128x4096xi32>
    %and3A_116 = arith.andi %ne3A_110, %ne3A_115 : vector<128x4096xi1>
    %sub3A_117 = arith.constant 1 : i32
    %sub3A_118 = vector.broadcast %sub3A_117 : i32 to vector<128x4096xi32>
    %sub3A_119 = arith.subi %div3A_92, %sub3A_118 : vector<128x4096xi32>
    %select_n3A_120 = arith.select %and3A_116, %sub3A_119, %div3A_92 : vector<128x4096xi1>, vector<128x4096xi32>
    %eq3A_121 = vector.broadcast %select_n3A_88 : vector<128x1xi32> to vector<128x4096xi32>
    %eq3A_122 = arith.cmpi eq, %select_n3A_120, %eq3A_121 : vector<128x4096xi32>
    %iota3A_123 = tpu.iota {dimensions = array<i32: 1>} : vector<16x4096xi32>
    %get3A = arith.constant 0 : index
    %get3A_124 = arith.constant 0 : index
    %get3A_125 = vector.load %arg4[%get3A, %get3A_124] : memref<1x3072xf32, #tpu.memory_space<vmem>>, vector<1x3072xf32>
    %get3A_126 = arith.constant 0 : index
    %get3A_127 = arith.constant 0 : index
    %get3A_128 = vector.load %arg5[%get3A_126, %get3A_127] : memref<1x3072xf32, #tpu.memory_space<vmem>>, vector<1x3072xf32>
    %broadcast_in_dim3A = arith.constant 0 : i32
    %broadcast_in_dim3A_129 = vector.broadcast %broadcast_in_dim3A : i32 to vector<128x1xi32>
    %broadcast_in_dim3A_130 = arith.constant 0.000000e+00 : f32
    %broadcast_in_dim3A_131 = vector.broadcast %broadcast_in_dim3A_130 : f32 to vector<128x1024xf32>
    %lt3A_132 = arith.constant 16 : i32
    %lt3A_133 = vector.broadcast %lt3A_132 : i32 to vector<128x1xi32>
    %lt3A_134 = arith.cmpi slt, %iota3A, %lt3A_133 : vector<128x1xi32>
    %jit3A_135 = arith.constant 0.000000e+00 : f32
    %jit3A_136 = arith.constant 0xFF800000 : f32
    %broadcast_in_dim3A_137 = vector.broadcast %jit3A_135 : f32 to vector<128x1xf32>
    %broadcast_in_dim3A_138 = vector.broadcast %jit3A_136 : f32 to vector<128x1xf32>
    %select_n3A_139 = arith.select %lt3A_134, %broadcast_in_dim3A_137, %broadcast_in_dim3A_138 : vector<128x1xi1>, vector<128x1xf32>
    %scan3A = arith.constant 0 : i32
    %scan3A_140 = arith.constant 8 : i32
    %scan3A_141 = arith.addi %scan3A, %scan3A_140 : i32
    %scan3A_142 = arith.constant 1 : i32
    %scan3A_143:3 = scf.for %scan3A_336 = %scan3A to %scan3A_141 step %scan3A_142 iter_args(%scan3A_337 = %broadcast_in_dim3A_129, %scan3A_338 = %broadcast_in_dim3A_131, %scan3A_339 = %select_n3A_139) -> (vector<128x1xi32>, vector<128x1024xf32>, vector<128x1xf32>)  : i32 {
      %eq3A_340 = vector.broadcast %scan3A_337 : vector<128x1xi32> to vector<128x4096xi32>
      %eq3A_341 = arith.cmpi eq, %eq3A_340, %iota3A_89 : vector<128x4096xi32>
      %convert_element_type3A_342 = arith.extui %eq3A_341 : vector<128x4096xi1> to vector<128x4096xi32>
      %convert_element_type3A_343 = arith.sitofp %convert_element_type3A_342 : vector<128x4096xi32> to vector<128x4096xf32>
      %convert_element_type3A_344 = arith.truncf %convert_element_type3A_343 : vector<128x4096xf32> to vector<128x4096xbf16>
      %get3A_345 = arith.constant 0 : index
      %get3A_346 = arith.constant 0 : index
      %get3A_347 = vector.load %arg0[%get3A_345, %get3A_346] : memref<4096x1024xbf16, #tpu.memory_space<vmem>>, vector<4096x1024xbf16>
      %dot_general3A_348 = arith.constant dense<0.000000e+00> : vector<128x1024xf32>
      %dot_general3A_349 = tpu.matmul %convert_element_type3A_344, %get3A_347, %dot_general3A_348 {dimension_numbers = #tpu.dot_dimension_numbers<[1], [0], [0], [1], [0, 0, 1, 1], [], []>, transpose_lhs_hint = false} : vector<128x4096xbf16>, vector<4096x1024xbf16>, vector<128x1024xf32> -> vector<128x1024xf32>
      %convert_element_type3A_350 = arith.truncf %dot_general3A_349 : vector<128x1024xf32> to vector<128x1024xbf16>
      %get3A_351 = arith.constant 0 : index
      %get3A_352 = arith.constant 0 : index
      %get3A_353 = vector.load %arg2[%get3A_351, %get3A_352] : memref<1024x3072xbf16, #tpu.memory_space<vmem>>, vector<1024x3072xbf16>
      %dot_general3A_354 = arith.constant dense<0.000000e+00> : vector<128x3072xf32>
      %dot_general3A_355 = tpu.matmul %convert_element_type3A_350, %get3A_353, %dot_general3A_354 {dimension_numbers = #tpu.dot_dimension_numbers<[1], [0], [0], [1], [0, 0, 1, 1], [], []>, transpose_lhs_hint = false} : vector<128x1024xbf16>, vector<1024x3072xbf16>, vector<128x3072xf32> -> vector<128x3072xf32>
      %add3A_356 = vector.broadcast %get3A_125 : vector<1x3072xf32> to vector<128x3072xf32>
      %add3A_357 = arith.addf %dot_general3A_355, %add3A_356 : vector<128x3072xf32>
      %convert_element_type3A_358 = arith.truncf %scan3A_338 : vector<128x1024xf32> to vector<128x1024xbf16>
      %get3A_359 = arith.constant 0 : index
      %get3A_360 = arith.constant 0 : index
      %get3A_361 = vector.load %arg3[%get3A_359, %get3A_360] : memref<1024x3072xbf16, #tpu.memory_space<vmem>>, vector<1024x3072xbf16>
      %dot_general3A_362 = arith.constant dense<0.000000e+00> : vector<128x3072xf32>
      %dot_general3A_363 = tpu.matmul %convert_element_type3A_358, %get3A_361, %dot_general3A_362 {dimension_numbers = #tpu.dot_dimension_numbers<[1], [0], [0], [1], [0, 0, 1, 1], [], []>, transpose_lhs_hint = false} : vector<128x1024xbf16>, vector<1024x3072xbf16>, vector<128x3072xf32> -> vector<128x3072xf32>
      %add3A_364 = vector.broadcast %get3A_128 : vector<1x3072xf32> to vector<128x3072xf32>
      %add3A_365 = arith.addf %dot_general3A_363, %add3A_364 : vector<128x3072xf32>
      %slice3A_366 = vector.extract_strided_slice %add3A_357 {offsets = [0, 0], sizes = [128, 1024], strides = [1, 1]} : vector<128x3072xf32> to vector<128x1024xf32>
      %slice3A_367 = vector.extract_strided_slice %add3A_365 {offsets = [0, 0], sizes = [128, 1024], strides = [1, 1]} : vector<128x3072xf32> to vector<128x1024xf32>
      %add3A_368 = arith.addf %slice3A_366, %slice3A_367 : vector<128x1024xf32>
      %logistic3A = arith.negf %add3A_368 : vector<128x1024xf32>
      %logistic3A_369 = math.exp %logistic3A : vector<128x1024xf32>
      %logistic3A_370 = arith.constant 1.000000e+00 : f32
      %logistic3A_371 = vector.broadcast %logistic3A_370 : f32 to vector<128x1024xf32>
      %logistic3A_372 = arith.addf %logistic3A_371, %logistic3A_369 : vector<128x1024xf32>
      %logistic3A_373 = arith.divf %logistic3A_371, %logistic3A_372 : vector<128x1024xf32>
      %slice3A_374 = vector.extract_strided_slice %add3A_357 {offsets = [0, 1024], sizes = [128, 1024], strides = [1, 1]} : vector<128x3072xf32> to vector<128x1024xf32>
      %slice3A_375 = vector.extract_strided_slice %add3A_365 {offsets = [0, 1024], sizes = [128, 1024], strides = [1, 1]} : vector<128x3072xf32> to vector<128x1024xf32>
      %add3A_376 = arith.addf %slice3A_374, %slice3A_375 : vector<128x1024xf32>
      %logistic3A_377 = arith.negf %add3A_376 : vector<128x1024xf32>
      %logistic3A_378 = math.exp %logistic3A_377 : vector<128x1024xf32>
      %logistic3A_379 = arith.constant 1.000000e+00 : f32
      %logistic3A_380 = vector.broadcast %logistic3A_379 : f32 to vector<128x1024xf32>
      %logistic3A_381 = arith.addf %logistic3A_380, %logistic3A_378 : vector<128x1024xf32>
      %logistic3A_382 = arith.divf %logistic3A_380, %logistic3A_381 : vector<128x1024xf32>
      %slice3A_383 = vector.extract_strided_slice %add3A_357 {offsets = [0, 2048], sizes = [128, 1024], strides = [1, 1]} : vector<128x3072xf32> to vector<128x1024xf32>
      %slice3A_384 = vector.extract_strided_slice %add3A_365 {offsets = [0, 2048], sizes = [128, 1024], strides = [1, 1]} : vector<128x3072xf32> to vector<128x1024xf32>
      %mul3A_385 = arith.mulf %logistic3A_373, %slice3A_384 : vector<128x1024xf32>
      %add3A_386 = arith.addf %slice3A_383, %mul3A_385 : vector<128x1024xf32>
      %tanh3A = math.tanh %add3A_386 : vector<128x1024xf32>
      %sub3A_387 = arith.constant 1.000000e+00 : f32
      %sub3A_388 = vector.broadcast %sub3A_387 : f32 to vector<128x1024xf32>
      %sub3A_389 = arith.subf %sub3A_388, %logistic3A_382 : vector<128x1024xf32>
      %mul3A_390 = arith.mulf %sub3A_389, %tanh3A : vector<128x1024xf32>
      %mul3A_391 = arith.mulf %logistic3A_382, %scan3A_338 : vector<128x1024xf32>
      %add3A_392 = arith.addf %mul3A_390, %mul3A_391 : vector<128x1024xf32>
      %convert_element_type3A_393 = arith.truncf %add3A_392 : vector<128x1024xf32> to vector<128x1024xbf16>
      %get3A_394 = arith.constant 0 : index
      %get3A_395 = arith.constant 0 : index
      %get3A_396 = vector.load %arg1[%get3A_394, %get3A_395] : memref<1024x4096xbf16, #tpu.memory_space<vmem>>, vector<1024x4096xbf16>
      %dot_general3A_397 = arith.constant dense<0.000000e+00> : vector<128x4096xf32>
      %dot_general3A_398 = tpu.matmul %convert_element_type3A_393, %get3A_396, %dot_general3A_397 {dimension_numbers = #tpu.dot_dimension_numbers<[1], [0], [0], [1], [0, 0, 1, 1], [], []>, transpose_lhs_hint = false} : vector<128x1024xbf16>, vector<1024x4096xbf16>, vector<128x4096xf32> -> vector<128x4096xf32>
      %div3A_399 = arith.constant 3.200000e+01 : f32
      %div3A_400 = vector.broadcast %div3A_399 : f32 to vector<128x4096xf32>
      %div3A_401 = arith.divf %dot_general3A_398, %div3A_400 : vector<128x4096xf32>
      %jit3A_402 = arith.constant 0xFF800000 : f32
      %broadcast_in_dim3A_403 = vector.broadcast %jit3A_402 : f32 to vector<128x4096xf32>
      %select_n3A_404 = arith.select %eq3A_122, %div3A_401, %broadcast_in_dim3A_403 : vector<128x4096xi1>, vector<128x4096xf32>
      %reduce_max3A = arith.constant dense<0xFF800000> : vector<128xf32>
      %reduce_max3A_405 = vector.multi_reduction <maximumf>, %select_n3A_404, %reduce_max3A [1] : vector<128x4096xf32> to vector<128xf32>
      %broadcast_in_dim3A_406 = vector.shape_cast %reduce_max3A_405 : vector<128xf32> to vector<128x1xf32>
      %sub3A_407 = vector.broadcast %broadcast_in_dim3A_406 : vector<128x1xf32> to vector<128x4096xf32>
      %sub3A_408 = arith.subf %select_n3A_404, %sub3A_407 : vector<128x4096xf32>
      %exp3A = math.exp %sub3A_408 : vector<128x4096xf32>
      %reduce_sum3A = arith.constant dense<0.000000e+00> : vector<128xf32>
      %reduce_sum3A_409 = vector.multi_reduction <add>, %exp3A, %reduce_sum3A [1] : vector<128x4096xf32> to vector<128xf32>
      %broadcast_in_dim3A_410 = vector.shape_cast %reduce_sum3A_409 : vector<128xf32> to vector<128x1xf32>
      %div3A_411 = vector.broadcast %broadcast_in_dim3A_410 : vector<128x1xf32> to vector<128x4096xf32>
      %div3A_412 = arith.divf %exp3A, %div3A_411 : vector<128x4096xf32>
      %convert_element_type3A_413 = arith.truncf %div3A_412 : vector<128x4096xf32> to vector<128x4096xbf16>
      %get3A_414 = arith.constant 0 : index
      %get3A_415 = arith.constant 0 : index
      %get3A_416 = vector.load %arg1[%get3A_414, %get3A_415] : memref<1024x4096xbf16, #tpu.memory_space<vmem>>, vector<1024x4096xbf16>
      %dot_general3A_417 = arith.constant dense<0.000000e+00> : vector<128x1024xf32>
      %dot_general3A_418 = tpu.matmul %convert_element_type3A_413, %get3A_416, %dot_general3A_417 {dimension_numbers = #tpu.dot_dimension_numbers<[1], [1], [0], [0], [0, 0, 1, 0], [], []>, transpose_lhs_hint = false} : vector<128x4096xbf16>, vector<1024x4096xbf16>, vector<128x1024xf32> -> vector<128x1024xf32>
      %convert_element_type3A_419 = arith.truncf %dot_general3A_418 : vector<128x1024xf32> to vector<128x1024xbf16>
      %concatenate3A = tpu.concatenate %convert_element_type3A_393, %convert_element_type3A_419 in 1 : vector<128x1024xbf16>, vector<128x1024xbf16> -> vector<128x2048xbf16>
      %get3A_420 = arith.constant 0 : index
      %get3A_421 = arith.constant 0 : index
      %get3A_422 = vector.load %arg6[%get3A_420, %get3A_421] : memref<2048x1024xbf16, #tpu.memory_space<vmem>>, vector<2048x1024xbf16>
      %dot_general3A_423 = arith.constant dense<0.000000e+00> : vector<128x1024xf32>
      %dot_general3A_424 = tpu.matmul %concatenate3A, %get3A_422, %dot_general3A_423 {dimension_numbers = #tpu.dot_dimension_numbers<[1], [0], [0], [1], [0, 0, 1, 1], [], []>, transpose_lhs_hint = false} : vector<128x2048xbf16>, vector<2048x1024xbf16>, vector<128x1024xf32> -> vector<128x1024xf32>
      %tanh3A_425 = math.tanh %dot_general3A_424 : vector<128x1024xf32>
      %convert_element_type3A_426 = arith.truncf %tanh3A_425 : vector<128x1024xf32> to vector<128x1024xbf16>
      %get3A_427 = arith.constant 0 : index
      %get3A_428 = arith.constant 0 : index
      %get3A_429 = vector.load %arg7[%get3A_427, %get3A_428] : memref<1024x4096xbf16, #tpu.memory_space<vmem>>, vector<1024x4096xbf16>
      %dot_general3A_430 = arith.constant dense<0.000000e+00> : vector<128x4096xf32>
      %dot_general3A_431 = tpu.matmul %convert_element_type3A_426, %get3A_429, %dot_general3A_430 {dimension_numbers = #tpu.dot_dimension_numbers<[1], [0], [0], [1], [0, 0, 1, 1], [], []>, transpose_lhs_hint = false} : vector<128x1024xbf16>, vector<1024x4096xbf16>, vector<128x4096xf32> -> vector<128x4096xf32>
      %reduce_max3A_432 = arith.constant dense<0xFF800000> : vector<128xf32>
      %reduce_max3A_433 = vector.multi_reduction <maximumf>, %dot_general3A_431, %reduce_max3A_432 [1] : vector<128x4096xf32> to vector<128xf32>
      %broadcast_in_dim3A_434 = vector.shape_cast %reduce_max3A_433 : vector<128xf32> to vector<128x1xf32>
      %sub3A_435 = vector.broadcast %broadcast_in_dim3A_434 : vector<128x1xf32> to vector<128x4096xf32>
      %sub3A_436 = arith.subf %dot_general3A_431, %sub3A_435 : vector<128x4096xf32>
      %exp3A_437 = math.exp %sub3A_436 : vector<128x4096xf32>
      %reduce_sum3A_438 = arith.constant dense<0.000000e+00> : vector<128xf32>
      %reduce_sum3A_439 = vector.multi_reduction <add>, %exp3A_437, %reduce_sum3A_438 [1] : vector<128x4096xf32> to vector<128xf32>
      %broadcast_in_dim3A_440 = vector.shape_cast %reduce_sum3A_439 : vector<128xf32> to vector<128x1xf32>
      %log3A = math.log %broadcast_in_dim3A_440 : vector<128x1xf32>
      %sub3A_441 = vector.broadcast %broadcast_in_dim3A_434 : vector<128x1xf32> to vector<128x4096xf32>
      %sub3A_442 = arith.subf %dot_general3A_431, %sub3A_441 : vector<128x4096xf32>
      %sub3A_443 = vector.broadcast %log3A : vector<128x1xf32> to vector<128x4096xf32>
      %sub3A_444 = arith.subf %sub3A_442, %sub3A_443 : vector<128x4096xf32>
      %swap3A_445 = arith.constant 0 : index
      %swap3A_446 = arith.constant 0 : index
      %swap3A_447 = vector.load %arg11[%swap3A_445, %swap3A_446] : memref<128x4096xf32, #tpu.memory_space<vmem>>, vector<128x4096xf32>
      tpu.vector_store %arg11[%swap3A_445, %swap3A_446], %sub3A_444 {strides = array<i32>} : memref<128x4096xf32, #tpu.memory_space<vmem>>, vector<128x4096xf32>,
      %dma_start3A = arith.constant 0 : i32
      %dma_start3A_448 = arith.constant 0 : i32
      %dma_start3A_449 = tpu.memref_slice %arg8[%scan3A_336, %dma_start3A, %dma_start3A_448] : memref<8x128x4096xf32, #tpu.memory_space<any>> -> memref<1x128x4096xf32, #tpu.memory_space<any>>
      %dma_start3A_450 = tpu.memref_squeeze %dma_start3A_449 : memref<1x128x4096xf32, #tpu.memory_space<any>> -> memref<128x4096xf32, #tpu.memory_space<any>>
      tpu.enqueue_dma source(%arg11 : memref<128x4096xf32, #tpu.memory_space<vmem>>) target(%dma_start3A_450 : memref<128x4096xf32, #tpu.memory_space<any>>) target_semaphore(%arg12 : memref<!tpu.dma_semaphore, #tpu.memory_space<semaphore_mem>>)
      %dma_wait3A = arith.constant 0 : i32
      %dma_wait3A_451 = arith.constant 0 : i32
      %dma_wait3A_452 = tpu.memref_slice %arg8[%scan3A_336, %dma_wait3A, %dma_wait3A_451] : memref<8x128x4096xf32, #tpu.memory_space<any>> -> memref<1x128x4096xf32, #tpu.memory_space<any>>
      %dma_wait3A_453 = tpu.memref_squeeze %dma_wait3A_452 : memref<1x128x4096xf32, #tpu.memory_space<any>> -> memref<128x4096xf32, #tpu.memory_space<any>>
      tpu.wait_dma2 semaphore(%arg12 : memref<!tpu.dma_semaphore, #tpu.memory_space<semaphore_mem>>) src(%arg11 : memref<128x4096xf32, #tpu.memory_space<vmem>>) dst(%dma_wait3A_453 : memref<128x4096xf32, #tpu.memory_space<any>>)
      %add3A_454 = vector.broadcast %scan3A_339 : vector<128x1xf32> to vector<128x4096xf32>
      %add3A_455 = arith.addf %add3A_454, %sub3A_444 : vector<128x4096xf32>
      %slice3A_456 = vector.extract_strided_slice %add3A_455 {offsets = [0, 0], sizes = [16, 4096], strides = [1, 1]} : vector<128x4096xf32> to vector<16x4096xf32>
      %slice3A_457 = vector.extract_strided_slice %add3A_455 {offsets = [16, 0], sizes = [16, 4096], strides = [1, 1]} : vector<128x4096xf32> to vector<16x4096xf32>
      %slice3A_458 = vector.extract_strided_slice %add3A_455 {offsets = [32, 0], sizes = [16, 4096], strides = [1, 1]} : vector<128x4096xf32> to vector<16x4096xf32>
      %slice3A_459 = vector.extract_strided_slice %add3A_455 {offsets = [48, 0], sizes = [16, 4096], strides = [1, 1]} : vector<128x4096xf32> to vector<16x4096xf32>
      %slice3A_460 = vector.extract_strided_slice %add3A_455 {offsets = [64, 0], sizes = [16, 4096], strides = [1, 1]} : vector<128x4096xf32> to vector<16x4096xf32>
      %slice3A_461 = vector.extract_strided_slice %add3A_455 {offsets = [80, 0], sizes = [16, 4096], strides = [1, 1]} : vector<128x4096xf32> to vector<16x4096xf32>
      %slice3A_462 = vector.extract_strided_slice %add3A_455 {offsets = [96, 0], sizes = [16, 4096], strides = [1, 1]} : vector<128x4096xf32> to vector<16x4096xf32>
      %slice3A_463 = vector.extract_strided_slice %add3A_455 {offsets = [112, 0], sizes = [16, 4096], strides = [1, 1]} : vector<128x4096xf32> to vector<16x4096xf32>
      %max3A = arith.maximumf %slice3A_456, %slice3A_457 : vector<16x4096xf32>
      %max3A_464 = arith.maximumf %max3A, %slice3A_458 : vector<16x4096xf32>
      %max3A_465 = arith.maximumf %max3A_464, %slice3A_459 : vector<16x4096xf32>
      %max3A_466 = arith.maximumf %max3A_465, %slice3A_460 : vector<16x4096xf32>
      %max3A_467 = arith.maximumf %max3A_466, %slice3A_461 : vector<16x4096xf32>
      %max3A_468 = arith.maximumf %max3A_467, %slice3A_462 : vector<16x4096xf32>
      %max3A_469 = arith.maximumf %max3A_468, %slice3A_463 : vector<16x4096xf32>
      %reduce_max3A_470 = arith.constant dense<0xFF800000> : vector<16xf32>
      %reduce_max3A_471 = vector.multi_reduction <maximumf>, %max3A_469, %reduce_max3A_470 [1] : vector<16x4096xf32> to vector<16xf32>
      %broadcast_in_dim3A_472 = vector.shape_cast %reduce_max3A_471 : vector<16xf32> to vector<16x1xf32>
      %eq3A_473 = vector.broadcast %broadcast_in_dim3A_472 : vector<16x1xf32> to vector<16x4096xf32>
      %eq3A_474 = arith.cmpf oeq, %slice3A_456, %eq3A_473 : vector<16x4096xf32>
      %add3A_475 = arith.constant 0 : i32
      %add3A_476 = vector.broadcast %add3A_475 : i32 to vector<16x4096xi32>
      %add3A_477 = arith.addi %iota3A_123, %add3A_476 : vector<16x4096xi32>
      %jit3A_478 = arith.constant 1073741824 : i32
      %broadcast_in_dim3A_479 = vector.broadcast %jit3A_478 : i32 to vector<16x4096xi32>
      %select_n3A_480 = arith.select %eq3A_474, %add3A_477, %broadcast_in_dim3A_479 : vector<16x4096xi1>, vector<16x4096xi32>
      %reduce_min3A = arith.constant dense<2147483647> : vector<16xi32>
      %reduce_min3A_481 = vector.multi_reduction <minsi>, %select_n3A_480, %reduce_min3A [1] : vector<16x4096xi32> to vector<16xi32>
      %broadcast_in_dim3A_482 = vector.shape_cast %reduce_min3A_481 : vector<16xi32> to vector<16x1xi32>
      %eq3A_483 = vector.broadcast %broadcast_in_dim3A_472 : vector<16x1xf32> to vector<16x4096xf32>
      %eq3A_484 = arith.cmpf oeq, %slice3A_457, %eq3A_483 : vector<16x4096xf32>
      %add3A_485 = arith.constant 4096 : i32
      %add3A_486 = vector.broadcast %add3A_485 : i32 to vector<16x4096xi32>
      %add3A_487 = arith.addi %iota3A_123, %add3A_486 : vector<16x4096xi32>
      %jit3A_488 = arith.constant 1073741824 : i32
      %broadcast_in_dim3A_489 = vector.broadcast %jit3A_488 : i32 to vector<16x4096xi32>
      %select_n3A_490 = arith.select %eq3A_484, %add3A_487, %broadcast_in_dim3A_489 : vector<16x4096xi1>, vector<16x4096xi32>
      %reduce_min3A_491 = arith.constant dense<2147483647> : vector<16xi32>
      %reduce_min3A_492 = vector.multi_reduction <minsi>, %select_n3A_490, %reduce_min3A_491 [1] : vector<16x4096xi32> to vector<16xi32>
      %broadcast_in_dim3A_493 = vector.shape_cast %reduce_min3A_492 : vector<16xi32> to vector<16x1xi32>
      %min3A = arith.minsi %broadcast_in_dim3A_482, %broadcast_in_dim3A_493 : vector<16x1xi32>
      %eq3A_494 = vector.broadcast %broadcast_in_dim3A_472 : vector<16x1xf32> to vector<16x4096xf32>
      %eq3A_495 = arith.cmpf oeq, %slice3A_458, %eq3A_494 : vector<16x4096xf32>
      %add3A_496 = arith.constant 8192 : i32
      %add3A_497 = vector.broadcast %add3A_496 : i32 to vector<16x4096xi32>
      %add3A_498 = arith.addi %iota3A_123, %add3A_497 : vector<16x4096xi32>
      %jit3A_499 = arith.constant 1073741824 : i32
      %broadcast_in_dim3A_500 = vector.broadcast %jit3A_499 : i32 to vector<16x4096xi32>
      %select_n3A_501 = arith.select %eq3A_495, %add3A_498, %broadcast_in_dim3A_500 : vector<16x4096xi1>, vector<16x4096xi32>
      %reduce_min3A_502 = arith.constant dense<2147483647> : vector<16xi32>
      %reduce_min3A_503 = vector.multi_reduction <minsi>, %select_n3A_501, %reduce_min3A_502 [1] : vector<16x4096xi32> to vector<16xi32>
      %broadcast_in_dim3A_504 = vector.shape_cast %reduce_min3A_503 : vector<16xi32> to vector<16x1xi32>
      %min3A_505 = arith.minsi %min3A, %broadcast_in_dim3A_504 : vector<16x1xi32>
      %eq3A_506 = vector.broadcast %broadcast_in_dim3A_472 : vector<16x1xf32> to vector<16x4096xf32>
      %eq3A_507 = arith.cmpf oeq, %slice3A_459, %eq3A_506 : vector<16x4096xf32>
      %add3A_508 = arith.constant 12288 : i32
      %add3A_509 = vector.broadcast %add3A_508 : i32 to vector<16x4096xi32>
      %add3A_510 = arith.addi %iota3A_123, %add3A_509 : vector<16x4096xi32>
      %jit3A_511 = arith.constant 1073741824 : i32
      %broadcast_in_dim3A_512 = vector.broadcast %jit3A_511 : i32 to vector<16x4096xi32>
      %select_n3A_513 = arith.select %eq3A_507, %add3A_510, %broadcast_in_dim3A_512 : vector<16x4096xi1>, vector<16x4096xi32>
      %reduce_min3A_514 = arith.constant dense<2147483647> : vector<16xi32>
      %reduce_min3A_515 = vector.multi_reduction <minsi>, %select_n3A_513, %reduce_min3A_514 [1] : vector<16x4096xi32> to vector<16xi32>
      %broadcast_in_dim3A_516 = vector.shape_cast %reduce_min3A_515 : vector<16xi32> to vector<16x1xi32>
      %min3A_517 = arith.minsi %min3A_505, %broadcast_in_dim3A_516 : vector<16x1xi32>
      %eq3A_518 = vector.broadcast %broadcast_in_dim3A_472 : vector<16x1xf32> to vector<16x4096xf32>
      %eq3A_519 = arith.cmpf oeq, %slice3A_460, %eq3A_518 : vector<16x4096xf32>
      %add3A_520 = arith.constant 16384 : i32
      %add3A_521 = vector.broadcast %add3A_520 : i32 to vector<16x4096xi32>
      %add3A_522 = arith.addi %iota3A_123, %add3A_521 : vector<16x4096xi32>
      %jit3A_523 = arith.constant 1073741824 : i32
      %broadcast_in_dim3A_524 = vector.broadcast %jit3A_523 : i32 to vector<16x4096xi32>
      %select_n3A_525 = arith.select %eq3A_519, %add3A_522, %broadcast_in_dim3A_524 : vector<16x4096xi1>, vector<16x4096xi32>
      %reduce_min3A_526 = arith.constant dense<2147483647> : vector<16xi32>
      %reduce_min3A_527 = vector.multi_reduction <minsi>, %select_n3A_525, %reduce_min3A_526 [1] : vector<16x4096xi32> to vector<16xi32>
      %broadcast_in_dim3A_528 = vector.shape_cast %reduce_min3A_527 : vector<16xi32> to vector<16x1xi32>
      %min3A_529 = arith.minsi %min3A_517, %broadcast_in_dim3A_528 : vector<16x1xi32>
      %eq3A_530 = vector.broadcast %broadcast_in_dim3A_472 : vector<16x1xf32> to vector<16x4096xf32>
      %eq3A_531 = arith.cmpf oeq, %slice3A_461, %eq3A_530 : vector<16x4096xf32>
      %add3A_532 = arith.constant 20480 : i32
      %add3A_533 = vector.broadcast %add3A_532 : i32 to vector<16x4096xi32>
      %add3A_534 = arith.addi %iota3A_123, %add3A_533 : vector<16x4096xi32>
      %jit3A_535 = arith.constant 1073741824 : i32
      %broadcast_in_dim3A_536 = vector.broadcast %jit3A_535 : i32 to vector<16x4096xi32>
      %select_n3A_537 = arith.select %eq3A_531, %add3A_534, %broadcast_in_dim3A_536 : vector<16x4096xi1>, vector<16x4096xi32>
      %reduce_min3A_538 = arith.constant dense<2147483647> : vector<16xi32>
      %reduce_min3A_539 = vector.multi_reduction <minsi>, %select_n3A_537, %reduce_min3A_538 [1] : vector<16x4096xi32> to vector<16xi32>
      %broadcast_in_dim3A_540 = vector.shape_cast %reduce_min3A_539 : vector<16xi32> to vector<16x1xi32>
      %min3A_541 = arith.minsi %min3A_529, %broadcast_in_dim3A_540 : vector<16x1xi32>
      %eq3A_542 = vector.broadcast %broadcast_in_dim3A_472 : vector<16x1xf32> to vector<16x4096xf32>
      %eq3A_543 = arith.cmpf oeq, %slice3A_462, %eq3A_542 : vector<16x4096xf32>
      %add3A_544 = arith.constant 24576 : i32
      %add3A_545 = vector.broadcast %add3A_544 : i32 to vector<16x4096xi32>
      %add3A_546 = arith.addi %iota3A_123, %add3A_545 : vector<16x4096xi32>
      %jit3A_547 = arith.constant 1073741824 : i32
      %broadcast_in_dim3A_548 = vector.broadcast %jit3A_547 : i32 to vector<16x4096xi32>
      %select_n3A_549 = arith.select %eq3A_543, %add3A_546, %broadcast_in_dim3A_548 : vector<16x4096xi1>, vector<16x4096xi32>
      %reduce_min3A_550 = arith.constant dense<2147483647> : vector<16xi32>
      %reduce_min3A_551 = vector.multi_reduction <minsi>, %select_n3A_549, %reduce_min3A_550 [1] : vector<16x4096xi32> to vector<16xi32>
      %broadcast_in_dim3A_552 = vector.shape_cast %reduce_min3A_551 : vector<16xi32> to vector<16x1xi32>
      %min3A_553 = arith.minsi %min3A_541, %broadcast_in_dim3A_552 : vector<16x1xi32>
      %eq3A_554 = vector.broadcast %broadcast_in_dim3A_472 : vector<16x1xf32> to vector<16x4096xf32>
      %eq3A_555 = arith.cmpf oeq, %slice3A_463, %eq3A_554 : vector<16x4096xf32>
      %add3A_556 = arith.constant 28672 : i32
      %add3A_557 = vector.broadcast %add3A_556 : i32 to vector<16x4096xi32>
      %add3A_558 = arith.addi %iota3A_123, %add3A_557 : vector<16x4096xi32>
      %jit3A_559 = arith.constant 1073741824 : i32
      %broadcast_in_dim3A_560 = vector.broadcast %jit3A_559 : i32 to vector<16x4096xi32>
      %select_n3A_561 = arith.select %eq3A_555, %add3A_558, %broadcast_in_dim3A_560 : vector<16x4096xi1>, vector<16x4096xi32>
      %reduce_min3A_562 = arith.constant dense<2147483647> : vector<16xi32>
      %reduce_min3A_563 = vector.multi_reduction <minsi>, %select_n3A_561, %reduce_min3A_562 [1] : vector<16x4096xi32> to vector<16xi32>
      %broadcast_in_dim3A_564 = vector.shape_cast %reduce_min3A_563 : vector<16xi32> to vector<16x1xi32>
      %min3A_565 = arith.minsi %min3A_553, %broadcast_in_dim3A_564 : vector<16x1xi32>
      %add3A_566 = arith.constant 0 : i32
      %add3A_567 = vector.broadcast %add3A_566 : i32 to vector<16x4096xi32>
      %add3A_568 = arith.addi %iota3A_123, %add3A_567 : vector<16x4096xi32>
      %eq3A_569 = vector.broadcast %min3A_565 : vector<16x1xi32> to vector<16x4096xi32>
      %eq3A_570 = arith.cmpi eq, %add3A_568, %eq3A_569 : vector<16x4096xi32>
      %jit3A_571 = arith.constant 0xFF800000 : f32
      %broadcast_in_dim3A_572 = vector.broadcast %jit3A_571 : f32 to vector<16x4096xf32>
      %select_n3A_573 = arith.select %eq3A_570, %broadcast_in_dim3A_572, %slice3A_456 : vector<16x4096xi1>, vector<16x4096xf32>
      %add3A_574 = arith.constant 4096 : i32
      %add3A_575 = vector.broadcast %add3A_574 : i32 to vector<16x4096xi32>
      %add3A_576 = arith.addi %iota3A_123, %add3A_575 : vector<16x4096xi32>
      %eq3A_577 = vector.broadcast %min3A_565 : vector<16x1xi32> to vector<16x4096xi32>
      %eq3A_578 = arith.cmpi eq, %add3A_576, %eq3A_577 : vector<16x4096xi32>
      %jit3A_579 = arith.constant 0xFF800000 : f32
      %broadcast_in_dim3A_580 = vector.broadcast %jit3A_579 : f32 to vector<16x4096xf32>
      %select_n3A_581 = arith.select %eq3A_578, %broadcast_in_dim3A_580, %slice3A_457 : vector<16x4096xi1>, vector<16x4096xf32>
      %add3A_582 = arith.constant 8192 : i32
      %add3A_583 = vector.broadcast %add3A_582 : i32 to vector<16x4096xi32>
      %add3A_584 = arith.addi %iota3A_123, %add3A_583 : vector<16x4096xi32>
      %eq3A_585 = vector.broadcast %min3A_565 : vector<16x1xi32> to vector<16x4096xi32>
      %eq3A_586 = arith.cmpi eq, %add3A_584, %eq3A_585 : vector<16x4096xi32>
      %jit3A_587 = arith.constant 0xFF800000 : f32
      %broadcast_in_dim3A_588 = vector.broadcast %jit3A_587 : f32 to vector<16x4096xf32>
      %select_n3A_589 = arith.select %eq3A_586, %broadcast_in_dim3A_588, %slice3A_458 : vector<16x4096xi1>, vector<16x4096xf32>
      %add3A_590 = arith.constant 12288 : i32
      %add3A_591 = vector.broadcast %add3A_590 : i32 to vector<16x4096xi32>
      %add3A_592 = arith.addi %iota3A_123, %add3A_591 : vector<16x4096xi32>
      %eq3A_593 = vector.broadcast %min3A_565 : vector<16x1xi32> to vector<16x4096xi32>
      %eq3A_594 = arith.cmpi eq, %add3A_592, %eq3A_593 : vector<16x4096xi32>
      %jit3A_595 = arith.constant 0xFF800000 : f32
      %broadcast_in_dim3A_596 = vector.broadcast %jit3A_595 : f32 to vector<16x4096xf32>
      %select_n3A_597 = arith.select %eq3A_594, %broadcast_in_dim3A_596, %slice3A_459 : vector<16x4096xi1>, vector<16x4096xf32>
      %add3A_598 = arith.constant 16384 : i32
      %add3A_599 = vector.broadcast %add3A_598 : i32 to vector<16x4096xi32>
      %add3A_600 = arith.addi %iota3A_123, %add3A_599 : vector<16x4096xi32>
      %eq3A_601 = vector.broadcast %min3A_565 : vector<16x1xi32> to vector<16x4096xi32>
      %eq3A_602 = arith.cmpi eq, %add3A_600, %eq3A_601 : vector<16x4096xi32>
      %jit3A_603 = arith.constant 0xFF800000 : f32
      %broadcast_in_dim3A_604 = vector.broadcast %jit3A_603 : f32 to vector<16x4096xf32>
      %select_n3A_605 = arith.select %eq3A_602, %broadcast_in_dim3A_604, %slice3A_460 : vector<16x4096xi1>, vector<16x4096xf32>
      %add3A_606 = arith.constant 20480 : i32
      %add3A_607 = vector.broadcast %add3A_606 : i32 to vector<16x4096xi32>
      %add3A_608 = arith.addi %iota3A_123, %add3A_607 : vector<16x4096xi32>
      %eq3A_609 = vector.broadcast %min3A_565 : vector<16x1xi32> to vector<16x4096xi32>
      %eq3A_610 = arith.cmpi eq, %add3A_608, %eq3A_609 : vector<16x4096xi32>
      %jit3A_611 = arith.constant 0xFF800000 : f32
      %broadcast_in_dim3A_612 = vector.broadcast %jit3A_611 : f32 to vector<16x4096xf32>
      %select_n3A_613 = arith.select %eq3A_610, %broadcast_in_dim3A_612, %slice3A_461 : vector<16x4096xi1>, vector<16x4096xf32>
      %add3A_614 = arith.constant 24576 : i32
      %add3A_615 = vector.broadcast %add3A_614 : i32 to vector<16x4096xi32>
      %add3A_616 = arith.addi %iota3A_123, %add3A_615 : vector<16x4096xi32>
      %eq3A_617 = vector.broadcast %min3A_565 : vector<16x1xi32> to vector<16x4096xi32>
      %eq3A_618 = arith.cmpi eq, %add3A_616, %eq3A_617 : vector<16x4096xi32>
      %jit3A_619 = arith.constant 0xFF800000 : f32
      %broadcast_in_dim3A_620 = vector.broadcast %jit3A_619 : f32 to vector<16x4096xf32>
      %select_n3A_621 = arith.select %eq3A_618, %broadcast_in_dim3A_620, %slice3A_462 : vector<16x4096xi1>, vector<16x4096xf32>
      %add3A_622 = arith.constant 28672 : i32
      %add3A_623 = vector.broadcast %add3A_622 : i32 to vector<16x4096xi32>
      %add3A_624 = arith.addi %iota3A_123, %add3A_623 : vector<16x4096xi32>
      %eq3A_625 = vector.broadcast %min3A_565 : vector<16x1xi32> to vector<16x4096xi32>
      %eq3A_626 = arith.cmpi eq, %add3A_624, %eq3A_625 : vector<16x4096xi32>
      %jit3A_627 = arith.constant 0xFF800000 : f32
      %broadcast_in_dim3A_628 = vector.broadcast %jit3A_627 : f32 to vector<16x4096xf32>
      %select_n3A_629 = arith.select %eq3A_626, %broadcast_in_dim3A_628, %slice3A_463 : vector<16x4096xi1>, vector<16x4096xf32>
      %max3A_630 = arith.maximumf %select_n3A_573, %select_n3A_581 : vector<16x4096xf32>
      %max3A_631 = arith.maximumf %max3A_630, %select_n3A_589 : vector<16x4096xf32>
      %max3A_632 = arith.maximumf %max3A_631, %select_n3A_597 : vector<16x4096xf32>
      %max3A_633 = arith.maximumf %max3A_632, %select_n3A_605 : vector<16x4096xf32>
      %max3A_634 = arith.maximumf %max3A_633, %select_n3A_613 : vector<16x4096xf32>
      %max3A_635 = arith.maximumf %max3A_634, %select_n3A_621 : vector<16x4096xf32>
      %max3A_636 = arith.maximumf %max3A_635, %select_n3A_629 : vector<16x4096xf32>
      %reduce_max3A_637 = arith.constant dense<0xFF800000> : vector<16xf32>
      %reduce_max3A_638 = vector.multi_reduction <maximumf>, %max3A_636, %reduce_max3A_637 [1] : vector<16x4096xf32> to vector<16xf32>
      %broadcast_in_dim3A_639 = vector.shape_cast %reduce_max3A_638 : vector<16xf32> to vector<16x1xf32>
      %eq3A_640 = vector.broadcast %broadcast_in_dim3A_639 : vector<16x1xf32> to vector<16x4096xf32>
      %eq3A_641 = arith.cmpf oeq, %select_n3A_573, %eq3A_640 : vector<16x4096xf32>
      %add3A_642 = arith.constant 0 : i32
      %add3A_643 = vector.broadcast %add3A_642 : i32 to vector<16x4096xi32>
      %add3A_644 = arith.addi %iota3A_123, %add3A_643 : vector<16x4096xi32>
      %jit3A_645 = arith.constant 1073741824 : i32
      %broadcast_in_dim3A_646 = vector.broadcast %jit3A_645 : i32 to vector<16x4096xi32>
      %select_n3A_647 = arith.select %eq3A_641, %add3A_644, %broadcast_in_dim3A_646 : vector<16x4096xi1>, vector<16x4096xi32>
      %reduce_min3A_648 = arith.constant dense<2147483647> : vector<16xi32>
      %reduce_min3A_649 = vector.multi_reduction <minsi>, %select_n3A_647, %reduce_min3A_648 [1] : vector<16x4096xi32> to vector<16xi32>
      %broadcast_in_dim3A_650 = vector.shape_cast %reduce_min3A_649 : vector<16xi32> to vector<16x1xi32>
      %eq3A_651 = vector.broadcast %broadcast_in_dim3A_639 : vector<16x1xf32> to vector<16x4096xf32>
      %eq3A_652 = arith.cmpf oeq, %select_n3A_581, %eq3A_651 : vector<16x4096xf32>
      %add3A_653 = arith.constant 4096 : i32
      %add3A_654 = vector.broadcast %add3A_653 : i32 to vector<16x4096xi32>
      %add3A_655 = arith.addi %iota3A_123, %add3A_654 : vector<16x4096xi32>
      %jit3A_656 = arith.constant 1073741824 : i32
      %broadcast_in_dim3A_657 = vector.broadcast %jit3A_656 : i32 to vector<16x4096xi32>
      %select_n3A_658 = arith.select %eq3A_652, %add3A_655, %broadcast_in_dim3A_657 : vector<16x4096xi1>, vector<16x4096xi32>
      %reduce_min3A_659 = arith.constant dense<2147483647> : vector<16xi32>
      %reduce_min3A_660 = vector.multi_reduction <minsi>, %select_n3A_658, %reduce_min3A_659 [1] : vector<16x4096xi32> to vector<16xi32>
      %broadcast_in_dim3A_661 = vector.shape_cast %reduce_min3A_660 : vector<16xi32> to vector<16x1xi32>
      %min3A_662 = arith.minsi %broadcast_in_dim3A_650, %broadcast_in_dim3A_661 : vector<16x1xi32>
      %eq3A_663 = vector.broadcast %broadcast_in_dim3A_639 : vector<16x1xf32> to vector<16x4096xf32>
      %eq3A_664 = arith.cmpf oeq, %select_n3A_589, %eq3A_663 : vector<16x4096xf32>
      %add3A_665 = arith.constant 8192 : i32
      %add3A_666 = vector.broadcast %add3A_665 : i32 to vector<16x4096xi32>
      %add3A_667 = arith.addi %iota3A_123, %add3A_666 : vector<16x4096xi32>
      %jit3A_668 = arith.constant 1073741824 : i32
      %broadcast_in_dim3A_669 = vector.broadcast %jit3A_668 : i32 to vector<16x4096xi32>
      %select_n3A_670 = arith.select %eq3A_664, %add3A_667, %broadcast_in_dim3A_669 : vector<16x4096xi1>, vector<16x4096xi32>
      %reduce_min3A_671 = arith.constant dense<2147483647> : vector<16xi32>
      %reduce_min3A_672 = vector.multi_reduction <minsi>, %select_n3A_670, %reduce_min3A_671 [1] : vector<16x4096xi32> to vector<16xi32>
      %broadcast_in_dim3A_673 = vector.shape_cast %reduce_min3A_672 : vector<16xi32> to vector<16x1xi32>
      %min3A_674 = arith.minsi %min3A_662, %broadcast_in_dim3A_673 : vector<16x1xi32>
      %eq3A_675 = vector.broadcast %broadcast_in_dim3A_639 : vector<16x1xf32> to vector<16x4096xf32>
      %eq3A_676 = arith.cmpf oeq, %select_n3A_597, %eq3A_675 : vector<16x4096xf32>
      %add3A_677 = arith.constant 12288 : i32
      %add3A_678 = vector.broadcast %add3A_677 : i32 to vector<16x4096xi32>
      %add3A_679 = arith.addi %iota3A_123, %add3A_678 : vector<16x4096xi32>
      %jit3A_680 = arith.constant 1073741824 : i32
      %broadcast_in_dim3A_681 = vector.broadcast %jit3A_680 : i32 to vector<16x4096xi32>
      %select_n3A_682 = arith.select %eq3A_676, %add3A_679, %broadcast_in_dim3A_681 : vector<16x4096xi1>, vector<16x4096xi32>
      %reduce_min3A_683 = arith.constant dense<2147483647> : vector<16xi32>
      %reduce_min3A_684 = vector.multi_reduction <minsi>, %select_n3A_682, %reduce_min3A_683 [1] : vector<16x4096xi32> to vector<16xi32>
      %broadcast_in_dim3A_685 = vector.shape_cast %reduce_min3A_684 : vector<16xi32> to vector<16x1xi32>
      %min3A_686 = arith.minsi %min3A_674, %broadcast_in_dim3A_685 : vector<16x1xi32>
      %eq3A_687 = vector.broadcast %broadcast_in_dim3A_639 : vector<16x1xf32> to vector<16x4096xf32>
      %eq3A_688 = arith.cmpf oeq, %select_n3A_605, %eq3A_687 : vector<16x4096xf32>
      %add3A_689 = arith.constant 16384 : i32
      %add3A_690 = vector.broadcast %add3A_689 : i32 to vector<16x4096xi32>
      %add3A_691 = arith.addi %iota3A_123, %add3A_690 : vector<16x4096xi32>
      %jit3A_692 = arith.constant 1073741824 : i32
      %broadcast_in_dim3A_693 = vector.broadcast %jit3A_692 : i32 to vector<16x4096xi32>
      %select_n3A_694 = arith.select %eq3A_688, %add3A_691, %broadcast_in_dim3A_693 : vector<16x4096xi1>, vector<16x4096xi32>
      %reduce_min3A_695 = arith.constant dense<2147483647> : vector<16xi32>
      %reduce_min3A_696 = vector.multi_reduction <minsi>, %select_n3A_694, %reduce_min3A_695 [1] : vector<16x4096xi32> to vector<16xi32>
      %broadcast_in_dim3A_697 = vector.shape_cast %reduce_min3A_696 : vector<16xi32> to vector<16x1xi32>
      %min3A_698 = arith.minsi %min3A_686, %broadcast_in_dim3A_697 : vector<16x1xi32>
      %eq3A_699 = vector.broadcast %broadcast_in_dim3A_639 : vector<16x1xf32> to vector<16x4096xf32>
      %eq3A_700 = arith.cmpf oeq, %select_n3A_613, %eq3A_699 : vector<16x4096xf32>
      %add3A_701 = arith.constant 20480 : i32
      %add3A_702 = vector.broadcast %add3A_701 : i32 to vector<16x4096xi32>
      %add3A_703 = arith.addi %iota3A_123, %add3A_702 : vector<16x4096xi32>
      %jit3A_704 = arith.constant 1073741824 : i32
      %broadcast_in_dim3A_705 = vector.broadcast %jit3A_704 : i32 to vector<16x4096xi32>
      %select_n3A_706 = arith.select %eq3A_700, %add3A_703, %broadcast_in_dim3A_705 : vector<16x4096xi1>, vector<16x4096xi32>
      %reduce_min3A_707 = arith.constant dense<2147483647> : vector<16xi32>
      %reduce_min3A_708 = vector.multi_reduction <minsi>, %select_n3A_706, %reduce_min3A_707 [1] : vector<16x4096xi32> to vector<16xi32>
      %broadcast_in_dim3A_709 = vector.shape_cast %reduce_min3A_708 : vector<16xi32> to vector<16x1xi32>
      %min3A_710 = arith.minsi %min3A_698, %broadcast_in_dim3A_709 : vector<16x1xi32>
      %eq3A_711 = vector.broadcast %broadcast_in_dim3A_639 : vector<16x1xf32> to vector<16x4096xf32>
      %eq3A_712 = arith.cmpf oeq, %select_n3A_621, %eq3A_711 : vector<16x4096xf32>
      %add3A_713 = arith.constant 24576 : i32
      %add3A_714 = vector.broadcast %add3A_713 : i32 to vector<16x4096xi32>
      %add3A_715 = arith.addi %iota3A_123, %add3A_714 : vector<16x4096xi32>
      %jit3A_716 = arith.constant 1073741824 : i32
      %broadcast_in_dim3A_717 = vector.broadcast %jit3A_716 : i32 to vector<16x4096xi32>
      %select_n3A_718 = arith.select %eq3A_712, %add3A_715, %broadcast_in_dim3A_717 : vector<16x4096xi1>, vector<16x4096xi32>
      %reduce_min3A_719 = arith.constant dense<2147483647> : vector<16xi32>
      %reduce_min3A_720 = vector.multi_reduction <minsi>, %select_n3A_718, %reduce_min3A_719 [1] : vector<16x4096xi32> to vector<16xi32>
      %broadcast_in_dim3A_721 = vector.shape_cast %reduce_min3A_720 : vector<16xi32> to vector<16x1xi32>
      %min3A_722 = arith.minsi %min3A_710, %broadcast_in_dim3A_721 : vector<16x1xi32>
      %eq3A_723 = vector.broadcast %broadcast_in_dim3A_639 : vector<16x1xf32> to vector<16x4096xf32>
      %eq3A_724 = arith.cmpf oeq, %select_n3A_629, %eq3A_723 : vector<16x4096xf32>
      %add3A_725 = arith.constant 28672 : i32
      %add3A_726 = vector.broadcast %add3A_725 : i32 to vector<16x4096xi32>
      %add3A_727 = arith.addi %iota3A_123, %add3A_726 : vector<16x4096xi32>
      %jit3A_728 = arith.constant 1073741824 : i32
      %broadcast_in_dim3A_729 = vector.broadcast %jit3A_728 : i32 to vector<16x4096xi32>
      %select_n3A_730 = arith.select %eq3A_724, %add3A_727, %broadcast_in_dim3A_729 : vector<16x4096xi1>, vector<16x4096xi32>
      %reduce_min3A_731 = arith.constant dense<2147483647> : vector<16xi32>
      %reduce_min3A_732 = vector.multi_reduction <minsi>, %select_n3A_730, %reduce_min3A_731 [1] : vector<16x4096xi32> to vector<16xi32>
      %broadcast_in_dim3A_733 = vector.shape_cast %reduce_min3A_732 : vector<16xi32> to vector<16x1xi32>
      %min3A_734 = arith.minsi %min3A_722, %broadcast_in_dim3A_733 : vector<16x1xi32>
      %add3A_735 = arith.constant 0 : i32
      %add3A_736 = vector.broadcast %add3A_735 : i32 to vector<16x4096xi32>
      %add3A_737 = arith.addi %iota3A_123, %add3A_736 : vector<16x4096xi32>
      %eq3A_738 = vector.broadcast %min3A_734 : vector<16x1xi32> to vector<16x4096xi32>
      %eq3A_739 = arith.cmpi eq, %add3A_737, %eq3A_738 : vector<16x4096xi32>
      %jit3A_740 = arith.constant 0xFF800000 : f32
      %broadcast_in_dim3A_741 = vector.broadcast %jit3A_740 : f32 to vector<16x4096xf32>
      %select_n3A_742 = arith.select %eq3A_739, %broadcast_in_dim3A_741, %select_n3A_573 : vector<16x4096xi1>, vector<16x4096xf32>
      %add3A_743 = arith.constant 4096 : i32
      %add3A_744 = vector.broadcast %add3A_743 : i32 to vector<16x4096xi32>
      %add3A_745 = arith.addi %iota3A_123, %add3A_744 : vector<16x4096xi32>
      %eq3A_746 = vector.broadcast %min3A_734 : vector<16x1xi32> to vector<16x4096xi32>
      %eq3A_747 = arith.cmpi eq, %add3A_745, %eq3A_746 : vector<16x4096xi32>
      %jit3A_748 = arith.constant 0xFF800000 : f32
      %broadcast_in_dim3A_749 = vector.broadcast %jit3A_748 : f32 to vector<16x4096xf32>
      %select_n3A_750 = arith.select %eq3A_747, %broadcast_in_dim3A_749, %select_n3A_581 : vector<16x4096xi1>, vector<16x4096xf32>
      %add3A_751 = arith.constant 8192 : i32
      %add3A_752 = vector.broadcast %add3A_751 : i32 to vector<16x4096xi32>
      %add3A_753 = arith.addi %iota3A_123, %add3A_752 : vector<16x4096xi32>
      %eq3A_754 = vector.broadcast %min3A_734 : vector<16x1xi32> to vector<16x4096xi32>
      %eq3A_755 = arith.cmpi eq, %add3A_753, %eq3A_754 : vector<16x4096xi32>
      %jit3A_756 = arith.constant 0xFF800000 : f32
      %broadcast_in_dim3A_757 = vector.broadcast %jit3A_756 : f32 to vector<16x4096xf32>
      %select_n3A_758 = arith.select %eq3A_755, %broadcast_in_dim3A_757, %select_n3A_589 : vector<16x4096xi1>, vector<16x4096xf32>
      %add3A_759 = arith.constant 12288 : i32
      %add3A_760 = vector.broadcast %add3A_759 : i32 to vector<16x4096xi32>
      %add3A_761 = arith.addi %iota3A_123, %add3A_760 : vector<16x4096xi32>
      %eq3A_762 = vector.broadcast %min3A_734 : vector<16x1xi32> to vector<16x4096xi32>
      %eq3A_763 = arith.cmpi eq, %add3A_761, %eq3A_762 : vector<16x4096xi32>
      %jit3A_764 = arith.constant 0xFF800000 : f32
      %broadcast_in_dim3A_765 = vector.broadcast %jit3A_764 : f32 to vector<16x4096xf32>
      %select_n3A_766 = arith.select %eq3A_763, %broadcast_in_dim3A_765, %select_n3A_597 : vector<16x4096xi1>, vector<16x4096xf32>
      %add3A_767 = arith.constant 16384 : i32
      %add3A_768 = vector.broadcast %add3A_767 : i32 to vector<16x4096xi32>
      %add3A_769 = arith.addi %iota3A_123, %add3A_768 : vector<16x4096xi32>
      %eq3A_770 = vector.broadcast %min3A_734 : vector<16x1xi32> to vector<16x4096xi32>
      %eq3A_771 = arith.cmpi eq, %add3A_769, %eq3A_770 : vector<16x4096xi32>
      %jit3A_772 = arith.constant 0xFF800000 : f32
      %broadcast_in_dim3A_773 = vector.broadcast %jit3A_772 : f32 to vector<16x4096xf32>
      %select_n3A_774 = arith.select %eq3A_771, %broadcast_in_dim3A_773, %select_n3A_605 : vector<16x4096xi1>, vector<16x4096xf32>
      %add3A_775 = arith.constant 20480 : i32
      %add3A_776 = vector.broadcast %add3A_775 : i32 to vector<16x4096xi32>
      %add3A_777 = arith.addi %iota3A_123, %add3A_776 : vector<16x4096xi32>
      %eq3A_778 = vector.broadcast %min3A_734 : vector<16x1xi32> to vector<16x4096xi32>
      %eq3A_779 = arith.cmpi eq, %add3A_777, %eq3A_778 : vector<16x4096xi32>
      %jit3A_780 = arith.constant 0xFF800000 : f32
      %broadcast_in_dim3A_781 = vector.broadcast %jit3A_780 : f32 to vector<16x4096xf32>
      %select_n3A_782 = arith.select %eq3A_779, %broadcast_in_dim3A_781, %select_n3A_613 : vector<16x4096xi1>, vector<16x4096xf32>
      %add3A_783 = arith.constant 24576 : i32
      %add3A_784 = vector.broadcast %add3A_783 : i32 to vector<16x4096xi32>
      %add3A_785 = arith.addi %iota3A_123, %add3A_784 : vector<16x4096xi32>
      %eq3A_786 = vector.broadcast %min3A_734 : vector<16x1xi32> to vector<16x4096xi32>
      %eq3A_787 = arith.cmpi eq, %add3A_785, %eq3A_786 : vector<16x4096xi32>
      %jit3A_788 = arith.constant 0xFF800000 : f32
      %broadcast_in_dim3A_789 = vector.broadcast %jit3A_788 : f32 to vector<16x4096xf32>
      %select_n3A_790 = arith.select %eq3A_787, %broadcast_in_dim3A_789, %select_n3A_621 : vector<16x4096xi1>, vector<16x4096xf32>
      %add3A_791 = arith.constant 28672 : i32
      %add3A_792 = vector.broadcast %add3A_791 : i32 to vector<16x4096xi32>
      %add3A_793 = arith.addi %iota3A_123, %add3A_792 : vector<16x4096xi32>
      %eq3A_794 = vector.broadcast %min3A_734 : vector<16x1xi32> to vector<16x4096xi32>
      %eq3A_795 = arith.cmpi eq, %add3A_793, %eq3A_794 : vector<16x4096xi32>
      %jit3A_796 = arith.constant 0xFF800000 : f32
      %broadcast_in_dim3A_797 = vector.broadcast %jit3A_796 : f32 to vector<16x4096xf32>
      %select_n3A_798 = arith.select %eq3A_795, %broadcast_in_dim3A_797, %select_n3A_629 : vector<16x4096xi1>, vector<16x4096xf32>
      %max3A_799 = arith.maximumf %select_n3A_742, %select_n3A_750 : vector<16x4096xf32>
      %max3A_800 = arith.maximumf %max3A_799, %select_n3A_758 : vector<16x4096xf32>
      %max3A_801 = arith.maximumf %max3A_800, %select_n3A_766 : vector<16x4096xf32>
      %max3A_802 = arith.maximumf %max3A_801, %select_n3A_774 : vector<16x4096xf32>
      %max3A_803 = arith.maximumf %max3A_802, %select_n3A_782 : vector<16x4096xf32>
      %max3A_804 = arith.maximumf %max3A_803, %select_n3A_790 : vector<16x4096xf32>
      %max3A_805 = arith.maximumf %max3A_804, %select_n3A_798 : vector<16x4096xf32>
      %reduce_max3A_806 = arith.constant dense<0xFF800000> : vector<16xf32>
      %reduce_max3A_807 = vector.multi_reduction <maximumf>, %max3A_805, %reduce_max3A_806 [1] : vector<16x4096xf32> to vector<16xf32>
      %broadcast_in_dim3A_808 = vector.shape_cast %reduce_max3A_807 : vector<16xf32> to vector<16x1xf32>
      %eq3A_809 = vector.broadcast %broadcast_in_dim3A_808 : vector<16x1xf32> to vector<16x4096xf32>
      %eq3A_810 = arith.cmpf oeq, %select_n3A_742, %eq3A_809 : vector<16x4096xf32>
      %add3A_811 = arith.constant 0 : i32
      %add3A_812 = vector.broadcast %add3A_811 : i32 to vector<16x4096xi32>
      %add3A_813 = arith.addi %iota3A_123, %add3A_812 : vector<16x4096xi32>
      %jit3A_814 = arith.constant 1073741824 : i32
      %broadcast_in_dim3A_815 = vector.broadcast %jit3A_814 : i32 to vector<16x4096xi32>
      %select_n3A_816 = arith.select %eq3A_810, %add3A_813, %broadcast_in_dim3A_815 : vector<16x4096xi1>, vector<16x4096xi32>
      %reduce_min3A_817 = arith.constant dense<2147483647> : vector<16xi32>
      %reduce_min3A_818 = vector.multi_reduction <minsi>, %select_n3A_816, %reduce_min3A_817 [1] : vector<16x4096xi32> to vector<16xi32>
      %broadcast_in_dim3A_819 = vector.shape_cast %reduce_min3A_818 : vector<16xi32> to vector<16x1xi32>
      %eq3A_820 = vector.broadcast %broadcast_in_dim3A_808 : vector<16x1xf32> to vector<16x4096xf32>
      %eq3A_821 = arith.cmpf oeq, %select_n3A_750, %eq3A_820 : vector<16x4096xf32>
      %add3A_822 = arith.constant 4096 : i32
      %add3A_823 = vector.broadcast %add3A_822 : i32 to vector<16x4096xi32>
      %add3A_824 = arith.addi %iota3A_123, %add3A_823 : vector<16x4096xi32>
      %jit3A_825 = arith.constant 1073741824 : i32
      %broadcast_in_dim3A_826 = vector.broadcast %jit3A_825 : i32 to vector<16x4096xi32>
      %select_n3A_827 = arith.select %eq3A_821, %add3A_824, %broadcast_in_dim3A_826 : vector<16x4096xi1>, vector<16x4096xi32>
      %reduce_min3A_828 = arith.constant dense<2147483647> : vector<16xi32>
      %reduce_min3A_829 = vector.multi_reduction <minsi>, %select_n3A_827, %reduce_min3A_828 [1] : vector<16x4096xi32> to vector<16xi32>
      %broadcast_in_dim3A_830 = vector.shape_cast %reduce_min3A_829 : vector<16xi32> to vector<16x1xi32>
      %min3A_831 = arith.minsi %broadcast_in_dim3A_819, %broadcast_in_dim3A_830 : vector<16x1xi32>
      %eq3A_832 = vector.broadcast %broadcast_in_dim3A_808 : vector<16x1xf32> to vector<16x4096xf32>
      %eq3A_833 = arith.cmpf oeq, %select_n3A_758, %eq3A_832 : vector<16x4096xf32>
      %add3A_834 = arith.constant 8192 : i32
      %add3A_835 = vector.broadcast %add3A_834 : i32 to vector<16x4096xi32>
      %add3A_836 = arith.addi %iota3A_123, %add3A_835 : vector<16x4096xi32>
      %jit3A_837 = arith.constant 1073741824 : i32
      %broadcast_in_dim3A_838 = vector.broadcast %jit3A_837 : i32 to vector<16x4096xi32>
      %select_n3A_839 = arith.select %eq3A_833, %add3A_836, %broadcast_in_dim3A_838 : vector<16x4096xi1>, vector<16x4096xi32>
      %reduce_min3A_840 = arith.constant dense<2147483647> : vector<16xi32>
      %reduce_min3A_841 = vector.multi_reduction <minsi>, %select_n3A_839, %reduce_min3A_840 [1] : vector<16x4096xi32> to vector<16xi32>
      %broadcast_in_dim3A_842 = vector.shape_cast %reduce_min3A_841 : vector<16xi32> to vector<16x1xi32>
      %min3A_843 = arith.minsi %min3A_831, %broadcast_in_dim3A_842 : vector<16x1xi32>
      %eq3A_844 = vector.broadcast %broadcast_in_dim3A_808 : vector<16x1xf32> to vector<16x4096xf32>
      %eq3A_845 = arith.cmpf oeq, %select_n3A_766, %eq3A_844 : vector<16x4096xf32>
      %add3A_846 = arith.constant 12288 : i32
      %add3A_847 = vector.broadcast %add3A_846 : i32 to vector<16x4096xi32>
      %add3A_848 = arith.addi %iota3A_123, %add3A_847 : vector<16x4096xi32>
      %jit3A_849 = arith.constant 1073741824 : i32
      %broadcast_in_dim3A_850 = vector.broadcast %jit3A_849 : i32 to vector<16x4096xi32>
      %select_n3A_851 = arith.select %eq3A_845, %add3A_848, %broadcast_in_dim3A_850 : vector<16x4096xi1>, vector<16x4096xi32>
      %reduce_min3A_852 = arith.constant dense<2147483647> : vector<16xi32>
      %reduce_min3A_853 = vector.multi_reduction <minsi>, %select_n3A_851, %reduce_min3A_852 [1] : vector<16x4096xi32> to vector<16xi32>
      %broadcast_in_dim3A_854 = vector.shape_cast %reduce_min3A_853 : vector<16xi32> to vector<16x1xi32>
      %min3A_855 = arith.minsi %min3A_843, %broadcast_in_dim3A_854 : vector<16x1xi32>
      %eq3A_856 = vector.broadcast %broadcast_in_dim3A_808 : vector<16x1xf32> to vector<16x4096xf32>
      %eq3A_857 = arith.cmpf oeq, %select_n3A_774, %eq3A_856 : vector<16x4096xf32>
      %add3A_858 = arith.constant 16384 : i32
      %add3A_859 = vector.broadcast %add3A_858 : i32 to vector<16x4096xi32>
      %add3A_860 = arith.addi %iota3A_123, %add3A_859 : vector<16x4096xi32>
      %jit3A_861 = arith.constant 1073741824 : i32
      %broadcast_in_dim3A_862 = vector.broadcast %jit3A_861 : i32 to vector<16x4096xi32>
      %select_n3A_863 = arith.select %eq3A_857, %add3A_860, %broadcast_in_dim3A_862 : vector<16x4096xi1>, vector<16x4096xi32>
      %reduce_min3A_864 = arith.constant dense<2147483647> : vector<16xi32>
      %reduce_min3A_865 = vector.multi_reduction <minsi>, %select_n3A_863, %reduce_min3A_864 [1] : vector<16x4096xi32> to vector<16xi32>
      %broadcast_in_dim3A_866 = vector.shape_cast %reduce_min3A_865 : vector<16xi32> to vector<16x1xi32>
      %min3A_867 = arith.minsi %min3A_855, %broadcast_in_dim3A_866 : vector<16x1xi32>
      %eq3A_868 = vector.broadcast %broadcast_in_dim3A_808 : vector<16x1xf32> to vector<16x4096xf32>
      %eq3A_869 = arith.cmpf oeq, %select_n3A_782, %eq3A_868 : vector<16x4096xf32>
      %add3A_870 = arith.constant 20480 : i32
      %add3A_871 = vector.broadcast %add3A_870 : i32 to vector<16x4096xi32>
      %add3A_872 = arith.addi %iota3A_123, %add3A_871 : vector<16x4096xi32>
      %jit3A_873 = arith.constant 1073741824 : i32
      %broadcast_in_dim3A_874 = vector.broadcast %jit3A_873 : i32 to vector<16x4096xi32>
      %select_n3A_875 = arith.select %eq3A_869, %add3A_872, %broadcast_in_dim3A_874 : vector<16x4096xi1>, vector<16x4096xi32>
      %reduce_min3A_876 = arith.constant dense<2147483647> : vector<16xi32>
      %reduce_min3A_877 = vector.multi_reduction <minsi>, %select_n3A_875, %reduce_min3A_876 [1] : vector<16x4096xi32> to vector<16xi32>
      %broadcast_in_dim3A_878 = vector.shape_cast %reduce_min3A_877 : vector<16xi32> to vector<16x1xi32>
      %min3A_879 = arith.minsi %min3A_867, %broadcast_in_dim3A_878 : vector<16x1xi32>
      %eq3A_880 = vector.broadcast %broadcast_in_dim3A_808 : vector<16x1xf32> to vector<16x4096xf32>
      %eq3A_881 = arith.cmpf oeq, %select_n3A_790, %eq3A_880 : vector<16x4096xf32>
      %add3A_882 = arith.constant 24576 : i32
      %add3A_883 = vector.broadcast %add3A_882 : i32 to vector<16x4096xi32>
      %add3A_884 = arith.addi %iota3A_123, %add3A_883 : vector<16x4096xi32>
      %jit3A_885 = arith.constant 1073741824 : i32
      %broadcast_in_dim3A_886 = vector.broadcast %jit3A_885 : i32 to vector<16x4096xi32>
      %select_n3A_887 = arith.select %eq3A_881, %add3A_884, %broadcast_in_dim3A_886 : vector<16x4096xi1>, vector<16x4096xi32>
      %reduce_min3A_888 = arith.constant dense<2147483647> : vector<16xi32>
      %reduce_min3A_889 = vector.multi_reduction <minsi>, %select_n3A_887, %reduce_min3A_888 [1] : vector<16x4096xi32> to vector<16xi32>
      %broadcast_in_dim3A_890 = vector.shape_cast %reduce_min3A_889 : vector<16xi32> to vector<16x1xi32>
      %min3A_891 = arith.minsi %min3A_879, %broadcast_in_dim3A_890 : vector<16x1xi32>
      %eq3A_892 = vector.broadcast %broadcast_in_dim3A_808 : vector<16x1xf32> to vector<16x4096xf32>
      %eq3A_893 = arith.cmpf oeq, %select_n3A_798, %eq3A_892 : vector<16x4096xf32>
      %add3A_894 = arith.constant 28672 : i32
      %add3A_895 = vector.broadcast %add3A_894 : i32 to vector<16x4096xi32>
      %add3A_896 = arith.addi %iota3A_123, %add3A_895 : vector<16x4096xi32>
      %jit3A_897 = arith.constant 1073741824 : i32
      %broadcast_in_dim3A_898 = vector.broadcast %jit3A_897 : i32 to vector<16x4096xi32>
      %select_n3A_899 = arith.select %eq3A_893, %add3A_896, %broadcast_in_dim3A_898 : vector<16x4096xi1>, vector<16x4096xi32>
      %reduce_min3A_900 = arith.constant dense<2147483647> : vector<16xi32>
      %reduce_min3A_901 = vector.multi_reduction <minsi>, %select_n3A_899, %reduce_min3A_900 [1] : vector<16x4096xi32> to vector<16xi32>
      %broadcast_in_dim3A_902 = vector.shape_cast %reduce_min3A_901 : vector<16xi32> to vector<16x1xi32>
      %min3A_903 = arith.minsi %min3A_891, %broadcast_in_dim3A_902 : vector<16x1xi32>
      %add3A_904 = arith.constant 0 : i32
      %add3A_905 = vector.broadcast %add3A_904 : i32 to vector<16x4096xi32>
      %add3A_906 = arith.addi %iota3A_123, %add3A_905 : vector<16x4096xi32>
      %eq3A_907 = vector.broadcast %min3A_903 : vector<16x1xi32> to vector<16x4096xi32>
      %eq3A_908 = arith.cmpi eq, %add3A_906, %eq3A_907 : vector<16x4096xi32>
      %jit3A_909 = arith.constant 0xFF800000 : f32
      %broadcast_in_dim3A_910 = vector.broadcast %jit3A_909 : f32 to vector<16x4096xf32>
      %select_n3A_911 = arith.select %eq3A_908, %broadcast_in_dim3A_910, %select_n3A_742 : vector<16x4096xi1>, vector<16x4096xf32>
      %add3A_912 = arith.constant 4096 : i32
      %add3A_913 = vector.broadcast %add3A_912 : i32 to vector<16x4096xi32>
      %add3A_914 = arith.addi %iota3A_123, %add3A_913 : vector<16x4096xi32>
      %eq3A_915 = vector.broadcast %min3A_903 : vector<16x1xi32> to vector<16x4096xi32>
      %eq3A_916 = arith.cmpi eq, %add3A_914, %eq3A_915 : vector<16x4096xi32>
      %jit3A_917 = arith.constant 0xFF800000 : f32
      %broadcast_in_dim3A_918 = vector.broadcast %jit3A_917 : f32 to vector<16x4096xf32>
      %select_n3A_919 = arith.select %eq3A_916, %broadcast_in_dim3A_918, %select_n3A_750 : vector<16x4096xi1>, vector<16x4096xf32>
      %add3A_920 = arith.constant 8192 : i32
      %add3A_921 = vector.broadcast %add3A_920 : i32 to vector<16x4096xi32>
      %add3A_922 = arith.addi %iota3A_123, %add3A_921 : vector<16x4096xi32>
      %eq3A_923 = vector.broadcast %min3A_903 : vector<16x1xi32> to vector<16x4096xi32>
      %eq3A_924 = arith.cmpi eq, %add3A_922, %eq3A_923 : vector<16x4096xi32>
      %jit3A_925 = arith.constant 0xFF800000 : f32
      %broadcast_in_dim3A_926 = vector.broadcast %jit3A_925 : f32 to vector<16x4096xf32>
      %select_n3A_927 = arith.select %eq3A_924, %broadcast_in_dim3A_926, %select_n3A_758 : vector<16x4096xi1>, vector<16x4096xf32>
      %add3A_928 = arith.constant 12288 : i32
      %add3A_929 = vector.broadcast %add3A_928 : i32 to vector<16x4096xi32>
      %add3A_930 = arith.addi %iota3A_123, %add3A_929 : vector<16x4096xi32>
      %eq3A_931 = vector.broadcast %min3A_903 : vector<16x1xi32> to vector<16x4096xi32>
      %eq3A_932 = arith.cmpi eq, %add3A_930, %eq3A_931 : vector<16x4096xi32>
      %jit3A_933 = arith.constant 0xFF800000 : f32
      %broadcast_in_dim3A_934 = vector.broadcast %jit3A_933 : f32 to vector<16x4096xf32>
      %select_n3A_935 = arith.select %eq3A_932, %broadcast_in_dim3A_934, %select_n3A_766 : vector<16x4096xi1>, vector<16x4096xf32>
      %add3A_936 = arith.constant 16384 : i32
      %add3A_937 = vector.broadcast %add3A_936 : i32 to vector<16x4096xi32>
      %add3A_938 = arith.addi %iota3A_123, %add3A_937 : vector<16x4096xi32>
      %eq3A_939 = vector.broadcast %min3A_903 : vector<16x1xi32> to vector<16x4096xi32>
      %eq3A_940 = arith.cmpi eq, %add3A_938, %eq3A_939 : vector<16x4096xi32>
      %jit3A_941 = arith.constant 0xFF800000 : f32
      %broadcast_in_dim3A_942 = vector.broadcast %jit3A_941 : f32 to vector<16x4096xf32>
      %select_n3A_943 = arith.select %eq3A_940, %broadcast_in_dim3A_942, %select_n3A_774 : vector<16x4096xi1>, vector<16x4096xf32>
      %add3A_944 = arith.constant 20480 : i32
      %add3A_945 = vector.broadcast %add3A_944 : i32 to vector<16x4096xi32>
      %add3A_946 = arith.addi %iota3A_123, %add3A_945 : vector<16x4096xi32>
      %eq3A_947 = vector.broadcast %min3A_903 : vector<16x1xi32> to vector<16x4096xi32>
      %eq3A_948 = arith.cmpi eq, %add3A_946, %eq3A_947 : vector<16x4096xi32>
      %jit3A_949 = arith.constant 0xFF800000 : f32
      %broadcast_in_dim3A_950 = vector.broadcast %jit3A_949 : f32 to vector<16x4096xf32>
      %select_n3A_951 = arith.select %eq3A_948, %broadcast_in_dim3A_950, %select_n3A_782 : vector<16x4096xi1>, vector<16x4096xf32>
      %add3A_952 = arith.constant 24576 : i32
      %add3A_953 = vector.broadcast %add3A_952 : i32 to vector<16x4096xi32>
      %add3A_954 = arith.addi %iota3A_123, %add3A_953 : vector<16x4096xi32>
      %eq3A_955 = vector.broadcast %min3A_903 : vector<16x1xi32> to vector<16x4096xi32>
      %eq3A_956 = arith.cmpi eq, %add3A_954, %eq3A_955 : vector<16x4096xi32>
      %jit3A_957 = arith.constant 0xFF800000 : f32
      %broadcast_in_dim3A_958 = vector.broadcast %jit3A_957 : f32 to vector<16x4096xf32>
      %select_n3A_959 = arith.select %eq3A_956, %broadcast_in_dim3A_958, %select_n3A_790 : vector<16x4096xi1>, vector<16x4096xf32>
      %add3A_960 = arith.constant 28672 : i32
      %add3A_961 = vector.broadcast %add3A_960 : i32 to vector<16x4096xi32>
      %add3A_962 = arith.addi %iota3A_123, %add3A_961 : vector<16x4096xi32>
      %eq3A_963 = vector.broadcast %min3A_903 : vector<16x1xi32> to vector<16x4096xi32>
      %eq3A_964 = arith.cmpi eq, %add3A_962, %eq3A_963 : vector<16x4096xi32>
      %jit3A_965 = arith.constant 0xFF800000 : f32
      %broadcast_in_dim3A_966 = vector.broadcast %jit3A_965 : f32 to vector<16x4096xf32>
      %select_n3A_967 = arith.select %eq3A_964, %broadcast_in_dim3A_966, %select_n3A_798 : vector<16x4096xi1>, vector<16x4096xf32>
      %max3A_968 = arith.maximumf %select_n3A_911, %select_n3A_919 : vector<16x4096xf32>
      %max3A_969 = arith.maximumf %max3A_968, %select_n3A_927 : vector<16x4096xf32>
      %max3A_970 = arith.maximumf %max3A_969, %select_n3A_935 : vector<16x4096xf32>
      %max3A_971 = arith.maximumf %max3A_970, %select_n3A_943 : vector<16x4096xf32>
      %max3A_972 = arith.maximumf %max3A_971, %select_n3A_951 : vector<16x4096xf32>
      %max3A_973 = arith.maximumf %max3A_972, %select_n3A_959 : vector<16x4096xf32>
      %max3A_974 = arith.maximumf %max3A_973, %select_n3A_967 : vector<16x4096xf32>
      %reduce_max3A_975 = arith.constant dense<0xFF800000> : vector<16xf32>
      %reduce_max3A_976 = vector.multi_reduction <maximumf>, %max3A_974, %reduce_max3A_975 [1] : vector<16x4096xf32> to vector<16xf32>
      %broadcast_in_dim3A_977 = vector.shape_cast %reduce_max3A_976 : vector<16xf32> to vector<16x1xf32>
      %eq3A_978 = vector.broadcast %broadcast_in_dim3A_977 : vector<16x1xf32> to vector<16x4096xf32>
      %eq3A_979 = arith.cmpf oeq, %select_n3A_911, %eq3A_978 : vector<16x4096xf32>
      %add3A_980 = arith.constant 0 : i32
      %add3A_981 = vector.broadcast %add3A_980 : i32 to vector<16x4096xi32>
      %add3A_982 = arith.addi %iota3A_123, %add3A_981 : vector<16x4096xi32>
      %jit3A_983 = arith.constant 1073741824 : i32
      %broadcast_in_dim3A_984 = vector.broadcast %jit3A_983 : i32 to vector<16x4096xi32>
      %select_n3A_985 = arith.select %eq3A_979, %add3A_982, %broadcast_in_dim3A_984 : vector<16x4096xi1>, vector<16x4096xi32>
      %reduce_min3A_986 = arith.constant dense<2147483647> : vector<16xi32>
      %reduce_min3A_987 = vector.multi_reduction <minsi>, %select_n3A_985, %reduce_min3A_986 [1] : vector<16x4096xi32> to vector<16xi32>
      %broadcast_in_dim3A_988 = vector.shape_cast %reduce_min3A_987 : vector<16xi32> to vector<16x1xi32>
      %eq3A_989 = vector.broadcast %broadcast_in_dim3A_977 : vector<16x1xf32> to vector<16x4096xf32>
      %eq3A_990 = arith.cmpf oeq, %select_n3A_919, %eq3A_989 : vector<16x4096xf32>
      %add3A_991 = arith.constant 4096 : i32
      %add3A_992 = vector.broadcast %add3A_991 : i32 to vector<16x4096xi32>
      %add3A_993 = arith.addi %iota3A_123, %add3A_992 : vector<16x4096xi32>
      %jit3A_994 = arith.constant 1073741824 : i32
      %broadcast_in_dim3A_995 = vector.broadcast %jit3A_994 : i32 to vector<16x4096xi32>
      %select_n3A_996 = arith.select %eq3A_990, %add3A_993, %broadcast_in_dim3A_995 : vector<16x4096xi1>, vector<16x4096xi32>
      %reduce_min3A_997 = arith.constant dense<2147483647> : vector<16xi32>
      %reduce_min3A_998 = vector.multi_reduction <minsi>, %select_n3A_996, %reduce_min3A_997 [1] : vector<16x4096xi32> to vector<16xi32>
      %broadcast_in_dim3A_999 = vector.shape_cast %reduce_min3A_998 : vector<16xi32> to vector<16x1xi32>
      %min3A_1000 = arith.minsi %broadcast_in_dim3A_988, %broadcast_in_dim3A_999 : vector<16x1xi32>
      %eq3A_1001 = vector.broadcast %broadcast_in_dim3A_977 : vector<16x1xf32> to vector<16x4096xf32>
      %eq3A_1002 = arith.cmpf oeq, %select_n3A_927, %eq3A_1001 : vector<16x4096xf32>
      %add3A_1003 = arith.constant 8192 : i32
      %add3A_1004 = vector.broadcast %add3A_1003 : i32 to vector<16x4096xi32>
      %add3A_1005 = arith.addi %iota3A_123, %add3A_1004 : vector<16x4096xi32>
      %jit3A_1006 = arith.constant 1073741824 : i32
      %broadcast_in_dim3A_1007 = vector.broadcast %jit3A_1006 : i32 to vector<16x4096xi32>
      %select_n3A_1008 = arith.select %eq3A_1002, %add3A_1005, %broadcast_in_dim3A_1007 : vector<16x4096xi1>, vector<16x4096xi32>
      %reduce_min3A_1009 = arith.constant dense<2147483647> : vector<16xi32>
      %reduce_min3A_1010 = vector.multi_reduction <minsi>, %select_n3A_1008, %reduce_min3A_1009 [1] : vector<16x4096xi32> to vector<16xi32>
      %broadcast_in_dim3A_1011 = vector.shape_cast %reduce_min3A_1010 : vector<16xi32> to vector<16x1xi32>
      %min3A_1012 = arith.minsi %min3A_1000, %broadcast_in_dim3A_1011 : vector<16x1xi32>
      %eq3A_1013 = vector.broadcast %broadcast_in_dim3A_977 : vector<16x1xf32> to vector<16x4096xf32>
      %eq3A_1014 = arith.cmpf oeq, %select_n3A_935, %eq3A_1013 : vector<16x4096xf32>
      %add3A_1015 = arith.constant 12288 : i32
      %add3A_1016 = vector.broadcast %add3A_1015 : i32 to vector<16x4096xi32>
      %add3A_1017 = arith.addi %iota3A_123, %add3A_1016 : vector<16x4096xi32>
      %jit3A_1018 = arith.constant 1073741824 : i32
      %broadcast_in_dim3A_1019 = vector.broadcast %jit3A_1018 : i32 to vector<16x4096xi32>
      %select_n3A_1020 = arith.select %eq3A_1014, %add3A_1017, %broadcast_in_dim3A_1019 : vector<16x4096xi1>, vector<16x4096xi32>
      %reduce_min3A_1021 = arith.constant dense<2147483647> : vector<16xi32>
      %reduce_min3A_1022 = vector.multi_reduction <minsi>, %select_n3A_1020, %reduce_min3A_1021 [1] : vector<16x4096xi32> to vector<16xi32>
      %broadcast_in_dim3A_1023 = vector.shape_cast %reduce_min3A_1022 : vector<16xi32> to vector<16x1xi32>
      %min3A_1024 = arith.minsi %min3A_1012, %broadcast_in_dim3A_1023 : vector<16x1xi32>
      %eq3A_1025 = vector.broadcast %broadcast_in_dim3A_977 : vector<16x1xf32> to vector<16x4096xf32>
      %eq3A_1026 = arith.cmpf oeq, %select_n3A_943, %eq3A_1025 : vector<16x4096xf32>
      %add3A_1027 = arith.constant 16384 : i32
      %add3A_1028 = vector.broadcast %add3A_1027 : i32 to vector<16x4096xi32>
      %add3A_1029 = arith.addi %iota3A_123, %add3A_1028 : vector<16x4096xi32>
      %jit3A_1030 = arith.constant 1073741824 : i32
      %broadcast_in_dim3A_1031 = vector.broadcast %jit3A_1030 : i32 to vector<16x4096xi32>
      %select_n3A_1032 = arith.select %eq3A_1026, %add3A_1029, %broadcast_in_dim3A_1031 : vector<16x4096xi1>, vector<16x4096xi32>
      %reduce_min3A_1033 = arith.constant dense<2147483647> : vector<16xi32>
      %reduce_min3A_1034 = vector.multi_reduction <minsi>, %select_n3A_1032, %reduce_min3A_1033 [1] : vector<16x4096xi32> to vector<16xi32>
      %broadcast_in_dim3A_1035 = vector.shape_cast %reduce_min3A_1034 : vector<16xi32> to vector<16x1xi32>
      %min3A_1036 = arith.minsi %min3A_1024, %broadcast_in_dim3A_1035 : vector<16x1xi32>
      %eq3A_1037 = vector.broadcast %broadcast_in_dim3A_977 : vector<16x1xf32> to vector<16x4096xf32>
      %eq3A_1038 = arith.cmpf oeq, %select_n3A_951, %eq3A_1037 : vector<16x4096xf32>
      %add3A_1039 = arith.constant 20480 : i32
      %add3A_1040 = vector.broadcast %add3A_1039 : i32 to vector<16x4096xi32>
      %add3A_1041 = arith.addi %iota3A_123, %add3A_1040 : vector<16x4096xi32>
      %jit3A_1042 = arith.constant 1073741824 : i32
      %broadcast_in_dim3A_1043 = vector.broadcast %jit3A_1042 : i32 to vector<16x4096xi32>
      %select_n3A_1044 = arith.select %eq3A_1038, %add3A_1041, %broadcast_in_dim3A_1043 : vector<16x4096xi1>, vector<16x4096xi32>
      %reduce_min3A_1045 = arith.constant dense<2147483647> : vector<16xi32>
      %reduce_min3A_1046 = vector.multi_reduction <minsi>, %select_n3A_1044, %reduce_min3A_1045 [1] : vector<16x4096xi32> to vector<16xi32>
      %broadcast_in_dim3A_1047 = vector.shape_cast %reduce_min3A_1046 : vector<16xi32> to vector<16x1xi32>
      %min3A_1048 = arith.minsi %min3A_1036, %broadcast_in_dim3A_1047 : vector<16x1xi32>
      %eq3A_1049 = vector.broadcast %broadcast_in_dim3A_977 : vector<16x1xf32> to vector<16x4096xf32>
      %eq3A_1050 = arith.cmpf oeq, %select_n3A_959, %eq3A_1049 : vector<16x4096xf32>
      %add3A_1051 = arith.constant 24576 : i32
      %add3A_1052 = vector.broadcast %add3A_1051 : i32 to vector<16x4096xi32>
      %add3A_1053 = arith.addi %iota3A_123, %add3A_1052 : vector<16x4096xi32>
      %jit3A_1054 = arith.constant 1073741824 : i32
      %broadcast_in_dim3A_1055 = vector.broadcast %jit3A_1054 : i32 to vector<16x4096xi32>
      %select_n3A_1056 = arith.select %eq3A_1050, %add3A_1053, %broadcast_in_dim3A_1055 : vector<16x4096xi1>, vector<16x4096xi32>
      %reduce_min3A_1057 = arith.constant dense<2147483647> : vector<16xi32>
      %reduce_min3A_1058 = vector.multi_reduction <minsi>, %select_n3A_1056, %reduce_min3A_1057 [1] : vector<16x4096xi32> to vector<16xi32>
      %broadcast_in_dim3A_1059 = vector.shape_cast %reduce_min3A_1058 : vector<16xi32> to vector<16x1xi32>
      %min3A_1060 = arith.minsi %min3A_1048, %broadcast_in_dim3A_1059 : vector<16x1xi32>
      %eq3A_1061 = vector.broadcast %broadcast_in_dim3A_977 : vector<16x1xf32> to vector<16x4096xf32>
      %eq3A_1062 = arith.cmpf oeq, %select_n3A_967, %eq3A_1061 : vector<16x4096xf32>
      %add3A_1063 = arith.constant 28672 : i32
      %add3A_1064 = vector.broadcast %add3A_1063 : i32 to vector<16x4096xi32>
      %add3A_1065 = arith.addi %iota3A_123, %add3A_1064 : vector<16x4096xi32>
      %jit3A_1066 = arith.constant 1073741824 : i32
      %broadcast_in_dim3A_1067 = vector.broadcast %jit3A_1066 : i32 to vector<16x4096xi32>
      %select_n3A_1068 = arith.select %eq3A_1062, %add3A_1065, %broadcast_in_dim3A_1067 : vector<16x4096xi1>, vector<16x4096xi32>
      %reduce_min3A_1069 = arith.constant dense<2147483647> : vector<16xi32>
      %reduce_min3A_1070 = vector.multi_reduction <minsi>, %select_n3A_1068, %reduce_min3A_1069 [1] : vector<16x4096xi32> to vector<16xi32>
      %broadcast_in_dim3A_1071 = vector.shape_cast %reduce_min3A_1070 : vector<16xi32> to vector<16x1xi32>
      %min3A_1072 = arith.minsi %min3A_1060, %broadcast_in_dim3A_1071 : vector<16x1xi32>
      %add3A_1073 = arith.constant 0 : i32
      %add3A_1074 = vector.broadcast %add3A_1073 : i32 to vector<16x4096xi32>
      %add3A_1075 = arith.addi %iota3A_123, %add3A_1074 : vector<16x4096xi32>
      %eq3A_1076 = vector.broadcast %min3A_1072 : vector<16x1xi32> to vector<16x4096xi32>
      %eq3A_1077 = arith.cmpi eq, %add3A_1075, %eq3A_1076 : vector<16x4096xi32>
      %jit3A_1078 = arith.constant 0xFF800000 : f32
      %broadcast_in_dim3A_1079 = vector.broadcast %jit3A_1078 : f32 to vector<16x4096xf32>
      %select_n3A_1080 = arith.select %eq3A_1077, %broadcast_in_dim3A_1079, %select_n3A_911 : vector<16x4096xi1>, vector<16x4096xf32>
      %add3A_1081 = arith.constant 4096 : i32
      %add3A_1082 = vector.broadcast %add3A_1081 : i32 to vector<16x4096xi32>
      %add3A_1083 = arith.addi %iota3A_123, %add3A_1082 : vector<16x4096xi32>
      %eq3A_1084 = vector.broadcast %min3A_1072 : vector<16x1xi32> to vector<16x4096xi32>
      %eq3A_1085 = arith.cmpi eq, %add3A_1083, %eq3A_1084 : vector<16x4096xi32>
      %jit3A_1086 = arith.constant 0xFF800000 : f32
      %broadcast_in_dim3A_1087 = vector.broadcast %jit3A_1086 : f32 to vector<16x4096xf32>
      %select_n3A_1088 = arith.select %eq3A_1085, %broadcast_in_dim3A_1087, %select_n3A_919 : vector<16x4096xi1>, vector<16x4096xf32>
      %add3A_1089 = arith.constant 8192 : i32
      %add3A_1090 = vector.broadcast %add3A_1089 : i32 to vector<16x4096xi32>
      %add3A_1091 = arith.addi %iota3A_123, %add3A_1090 : vector<16x4096xi32>
      %eq3A_1092 = vector.broadcast %min3A_1072 : vector<16x1xi32> to vector<16x4096xi32>
      %eq3A_1093 = arith.cmpi eq, %add3A_1091, %eq3A_1092 : vector<16x4096xi32>
      %jit3A_1094 = arith.constant 0xFF800000 : f32
      %broadcast_in_dim3A_1095 = vector.broadcast %jit3A_1094 : f32 to vector<16x4096xf32>
      %select_n3A_1096 = arith.select %eq3A_1093, %broadcast_in_dim3A_1095, %select_n3A_927 : vector<16x4096xi1>, vector<16x4096xf32>
      %add3A_1097 = arith.constant 12288 : i32
      %add3A_1098 = vector.broadcast %add3A_1097 : i32 to vector<16x4096xi32>
      %add3A_1099 = arith.addi %iota3A_123, %add3A_1098 : vector<16x4096xi32>
      %eq3A_1100 = vector.broadcast %min3A_1072 : vector<16x1xi32> to vector<16x4096xi32>
      %eq3A_1101 = arith.cmpi eq, %add3A_1099, %eq3A_1100 : vector<16x4096xi32>
      %jit3A_1102 = arith.constant 0xFF800000 : f32
      %broadcast_in_dim3A_1103 = vector.broadcast %jit3A_1102 : f32 to vector<16x4096xf32>
      %select_n3A_1104 = arith.select %eq3A_1101, %broadcast_in_dim3A_1103, %select_n3A_935 : vector<16x4096xi1>, vector<16x4096xf32>
      %add3A_1105 = arith.constant 16384 : i32
      %add3A_1106 = vector.broadcast %add3A_1105 : i32 to vector<16x4096xi32>
      %add3A_1107 = arith.addi %iota3A_123, %add3A_1106 : vector<16x4096xi32>
      %eq3A_1108 = vector.broadcast %min3A_1072 : vector<16x1xi32> to vector<16x4096xi32>
      %eq3A_1109 = arith.cmpi eq, %add3A_1107, %eq3A_1108 : vector<16x4096xi32>
      %jit3A_1110 = arith.constant 0xFF800000 : f32
      %broadcast_in_dim3A_1111 = vector.broadcast %jit3A_1110 : f32 to vector<16x4096xf32>
      %select_n3A_1112 = arith.select %eq3A_1109, %broadcast_in_dim3A_1111, %select_n3A_943 : vector<16x4096xi1>, vector<16x4096xf32>
      %add3A_1113 = arith.constant 20480 : i32
      %add3A_1114 = vector.broadcast %add3A_1113 : i32 to vector<16x4096xi32>
      %add3A_1115 = arith.addi %iota3A_123, %add3A_1114 : vector<16x4096xi32>
      %eq3A_1116 = vector.broadcast %min3A_1072 : vector<16x1xi32> to vector<16x4096xi32>
      %eq3A_1117 = arith.cmpi eq, %add3A_1115, %eq3A_1116 : vector<16x4096xi32>
      %jit3A_1118 = arith.constant 0xFF800000 : f32
      %broadcast_in_dim3A_1119 = vector.broadcast %jit3A_1118 : f32 to vector<16x4096xf32>
      %select_n3A_1120 = arith.select %eq3A_1117, %broadcast_in_dim3A_1119, %select_n3A_951 : vector<16x4096xi1>, vector<16x4096xf32>
      %add3A_1121 = arith.constant 24576 : i32
      %add3A_1122 = vector.broadcast %add3A_1121 : i32 to vector<16x4096xi32>
      %add3A_1123 = arith.addi %iota3A_123, %add3A_1122 : vector<16x4096xi32>
      %eq3A_1124 = vector.broadcast %min3A_1072 : vector<16x1xi32> to vector<16x4096xi32>
      %eq3A_1125 = arith.cmpi eq, %add3A_1123, %eq3A_1124 : vector<16x4096xi32>
      %jit3A_1126 = arith.constant 0xFF800000 : f32
      %broadcast_in_dim3A_1127 = vector.broadcast %jit3A_1126 : f32 to vector<16x4096xf32>
      %select_n3A_1128 = arith.select %eq3A_1125, %broadcast_in_dim3A_1127, %select_n3A_959 : vector<16x4096xi1>, vector<16x4096xf32>
      %add3A_1129 = arith.constant 28672 : i32
      %add3A_1130 = vector.broadcast %add3A_1129 : i32 to vector<16x4096xi32>
      %add3A_1131 = arith.addi %iota3A_123, %add3A_1130 : vector<16x4096xi32>
      %eq3A_1132 = vector.broadcast %min3A_1072 : vector<16x1xi32> to vector<16x4096xi32>
      %eq3A_1133 = arith.cmpi eq, %add3A_1131, %eq3A_1132 : vector<16x4096xi32>
      %jit3A_1134 = arith.constant 0xFF800000 : f32
      %broadcast_in_dim3A_1135 = vector.broadcast %jit3A_1134 : f32 to vector<16x4096xf32>
      %select_n3A_1136 = arith.select %eq3A_1133, %broadcast_in_dim3A_1135, %select_n3A_967 : vector<16x4096xi1>, vector<16x4096xf32>
      %max3A_1137 = arith.maximumf %select_n3A_1080, %select_n3A_1088 : vector<16x4096xf32>
      %max3A_1138 = arith.maximumf %max3A_1137, %select_n3A_1096 : vector<16x4096xf32>
      %max3A_1139 = arith.maximumf %max3A_1138, %select_n3A_1104 : vector<16x4096xf32>
      %max3A_1140 = arith.maximumf %max3A_1139, %select_n3A_1112 : vector<16x4096xf32>
      %max3A_1141 = arith.maximumf %max3A_1140, %select_n3A_1120 : vector<16x4096xf32>
      %max3A_1142 = arith.maximumf %max3A_1141, %select_n3A_1128 : vector<16x4096xf32>
      %max3A_1143 = arith.maximumf %max3A_1142, %select_n3A_1136 : vector<16x4096xf32>
      %reduce_max3A_1144 = arith.constant dense<0xFF800000> : vector<16xf32>
      %reduce_max3A_1145 = vector.multi_reduction <maximumf>, %max3A_1143, %reduce_max3A_1144 [1] : vector<16x4096xf32> to vector<16xf32>
      %broadcast_in_dim3A_1146 = vector.shape_cast %reduce_max3A_1145 : vector<16xf32> to vector<16x1xf32>
      %eq3A_1147 = vector.broadcast %broadcast_in_dim3A_1146 : vector<16x1xf32> to vector<16x4096xf32>
      %eq3A_1148 = arith.cmpf oeq, %select_n3A_1080, %eq3A_1147 : vector<16x4096xf32>
      %add3A_1149 = arith.constant 0 : i32
      %add3A_1150 = vector.broadcast %add3A_1149 : i32 to vector<16x4096xi32>
      %add3A_1151 = arith.addi %iota3A_123, %add3A_1150 : vector<16x4096xi32>
      %jit3A_1152 = arith.constant 1073741824 : i32
      %broadcast_in_dim3A_1153 = vector.broadcast %jit3A_1152 : i32 to vector<16x4096xi32>
      %select_n3A_1154 = arith.select %eq3A_1148, %add3A_1151, %broadcast_in_dim3A_1153 : vector<16x4096xi1>, vector<16x4096xi32>
      %reduce_min3A_1155 = arith.constant dense<2147483647> : vector<16xi32>
      %reduce_min3A_1156 = vector.multi_reduction <minsi>, %select_n3A_1154, %reduce_min3A_1155 [1] : vector<16x4096xi32> to vector<16xi32>
      %broadcast_in_dim3A_1157 = vector.shape_cast %reduce_min3A_1156 : vector<16xi32> to vector<16x1xi32>
      %eq3A_1158 = vector.broadcast %broadcast_in_dim3A_1146 : vector<16x1xf32> to vector<16x4096xf32>
      %eq3A_1159 = arith.cmpf oeq, %select_n3A_1088, %eq3A_1158 : vector<16x4096xf32>
      %add3A_1160 = arith.constant 4096 : i32
      %add3A_1161 = vector.broadcast %add3A_1160 : i32 to vector<16x4096xi32>
      %add3A_1162 = arith.addi %iota3A_123, %add3A_1161 : vector<16x4096xi32>
      %jit3A_1163 = arith.constant 1073741824 : i32
      %broadcast_in_dim3A_1164 = vector.broadcast %jit3A_1163 : i32 to vector<16x4096xi32>
      %select_n3A_1165 = arith.select %eq3A_1159, %add3A_1162, %broadcast_in_dim3A_1164 : vector<16x4096xi1>, vector<16x4096xi32>
      %reduce_min3A_1166 = arith.constant dense<2147483647> : vector<16xi32>
      %reduce_min3A_1167 = vector.multi_reduction <minsi>, %select_n3A_1165, %reduce_min3A_1166 [1] : vector<16x4096xi32> to vector<16xi32>
      %broadcast_in_dim3A_1168 = vector.shape_cast %reduce_min3A_1167 : vector<16xi32> to vector<16x1xi32>
      %min3A_1169 = arith.minsi %broadcast_in_dim3A_1157, %broadcast_in_dim3A_1168 : vector<16x1xi32>
      %eq3A_1170 = vector.broadcast %broadcast_in_dim3A_1146 : vector<16x1xf32> to vector<16x4096xf32>
      %eq3A_1171 = arith.cmpf oeq, %select_n3A_1096, %eq3A_1170 : vector<16x4096xf32>
      %add3A_1172 = arith.constant 8192 : i32
      %add3A_1173 = vector.broadcast %add3A_1172 : i32 to vector<16x4096xi32>
      %add3A_1174 = arith.addi %iota3A_123, %add3A_1173 : vector<16x4096xi32>
      %jit3A_1175 = arith.constant 1073741824 : i32
      %broadcast_in_dim3A_1176 = vector.broadcast %jit3A_1175 : i32 to vector<16x4096xi32>
      %select_n3A_1177 = arith.select %eq3A_1171, %add3A_1174, %broadcast_in_dim3A_1176 : vector<16x4096xi1>, vector<16x4096xi32>
      %reduce_min3A_1178 = arith.constant dense<2147483647> : vector<16xi32>
      %reduce_min3A_1179 = vector.multi_reduction <minsi>, %select_n3A_1177, %reduce_min3A_1178 [1] : vector<16x4096xi32> to vector<16xi32>
      %broadcast_in_dim3A_1180 = vector.shape_cast %reduce_min3A_1179 : vector<16xi32> to vector<16x1xi32>
      %min3A_1181 = arith.minsi %min3A_1169, %broadcast_in_dim3A_1180 : vector<16x1xi32>
      %eq3A_1182 = vector.broadcast %broadcast_in_dim3A_1146 : vector<16x1xf32> to vector<16x4096xf32>
      %eq3A_1183 = arith.cmpf oeq, %select_n3A_1104, %eq3A_1182 : vector<16x4096xf32>
      %add3A_1184 = arith.constant 12288 : i32
      %add3A_1185 = vector.broadcast %add3A_1184 : i32 to vector<16x4096xi32>
      %add3A_1186 = arith.addi %iota3A_123, %add3A_1185 : vector<16x4096xi32>
      %jit3A_1187 = arith.constant 1073741824 : i32
      %broadcast_in_dim3A_1188 = vector.broadcast %jit3A_1187 : i32 to vector<16x4096xi32>
      %select_n3A_1189 = arith.select %eq3A_1183, %add3A_1186, %broadcast_in_dim3A_1188 : vector<16x4096xi1>, vector<16x4096xi32>
      %reduce_min3A_1190 = arith.constant dense<2147483647> : vector<16xi32>
      %reduce_min3A_1191 = vector.multi_reduction <minsi>, %select_n3A_1189, %reduce_min3A_1190 [1] : vector<16x4096xi32> to vector<16xi32>
      %broadcast_in_dim3A_1192 = vector.shape_cast %reduce_min3A_1191 : vector<16xi32> to vector<16x1xi32>
      %min3A_1193 = arith.minsi %min3A_1181, %broadcast_in_dim3A_1192 : vector<16x1xi32>
      %eq3A_1194 = vector.broadcast %broadcast_in_dim3A_1146 : vector<16x1xf32> to vector<16x4096xf32>
      %eq3A_1195 = arith.cmpf oeq, %select_n3A_1112, %eq3A_1194 : vector<16x4096xf32>
      %add3A_1196 = arith.constant 16384 : i32
      %add3A_1197 = vector.broadcast %add3A_1196 : i32 to vector<16x4096xi32>
      %add3A_1198 = arith.addi %iota3A_123, %add3A_1197 : vector<16x4096xi32>
      %jit3A_1199 = arith.constant 1073741824 : i32
      %broadcast_in_dim3A_1200 = vector.broadcast %jit3A_1199 : i32 to vector<16x4096xi32>
      %select_n3A_1201 = arith.select %eq3A_1195, %add3A_1198, %broadcast_in_dim3A_1200 : vector<16x4096xi1>, vector<16x4096xi32>
      %reduce_min3A_1202 = arith.constant dense<2147483647> : vector<16xi32>
      %reduce_min3A_1203 = vector.multi_reduction <minsi>, %select_n3A_1201, %reduce_min3A_1202 [1] : vector<16x4096xi32> to vector<16xi32>
      %broadcast_in_dim3A_1204 = vector.shape_cast %reduce_min3A_1203 : vector<16xi32> to vector<16x1xi32>
      %min3A_1205 = arith.minsi %min3A_1193, %broadcast_in_dim3A_1204 : vector<16x1xi32>
      %eq3A_1206 = vector.broadcast %broadcast_in_dim3A_1146 : vector<16x1xf32> to vector<16x4096xf32>
      %eq3A_1207 = arith.cmpf oeq, %select_n3A_1120, %eq3A_1206 : vector<16x4096xf32>
      %add3A_1208 = arith.constant 20480 : i32
      %add3A_1209 = vector.broadcast %add3A_1208 : i32 to vector<16x4096xi32>
      %add3A_1210 = arith.addi %iota3A_123, %add3A_1209 : vector<16x4096xi32>
      %jit3A_1211 = arith.constant 1073741824 : i32
      %broadcast_in_dim3A_1212 = vector.broadcast %jit3A_1211 : i32 to vector<16x4096xi32>
      %select_n3A_1213 = arith.select %eq3A_1207, %add3A_1210, %broadcast_in_dim3A_1212 : vector<16x4096xi1>, vector<16x4096xi32>
      %reduce_min3A_1214 = arith.constant dense<2147483647> : vector<16xi32>
      %reduce_min3A_1215 = vector.multi_reduction <minsi>, %select_n3A_1213, %reduce_min3A_1214 [1] : vector<16x4096xi32> to vector<16xi32>
      %broadcast_in_dim3A_1216 = vector.shape_cast %reduce_min3A_1215 : vector<16xi32> to vector<16x1xi32>
      %min3A_1217 = arith.minsi %min3A_1205, %broadcast_in_dim3A_1216 : vector<16x1xi32>
      %eq3A_1218 = vector.broadcast %broadcast_in_dim3A_1146 : vector<16x1xf32> to vector<16x4096xf32>
      %eq3A_1219 = arith.cmpf oeq, %select_n3A_1128, %eq3A_1218 : vector<16x4096xf32>
      %add3A_1220 = arith.constant 24576 : i32
      %add3A_1221 = vector.broadcast %add3A_1220 : i32 to vector<16x4096xi32>
      %add3A_1222 = arith.addi %iota3A_123, %add3A_1221 : vector<16x4096xi32>
      %jit3A_1223 = arith.constant 1073741824 : i32
      %broadcast_in_dim3A_1224 = vector.broadcast %jit3A_1223 : i32 to vector<16x4096xi32>
      %select_n3A_1225 = arith.select %eq3A_1219, %add3A_1222, %broadcast_in_dim3A_1224 : vector<16x4096xi1>, vector<16x4096xi32>
      %reduce_min3A_1226 = arith.constant dense<2147483647> : vector<16xi32>
      %reduce_min3A_1227 = vector.multi_reduction <minsi>, %select_n3A_1225, %reduce_min3A_1226 [1] : vector<16x4096xi32> to vector<16xi32>
      %broadcast_in_dim3A_1228 = vector.shape_cast %reduce_min3A_1227 : vector<16xi32> to vector<16x1xi32>
      %min3A_1229 = arith.minsi %min3A_1217, %broadcast_in_dim3A_1228 : vector<16x1xi32>
      %eq3A_1230 = vector.broadcast %broadcast_in_dim3A_1146 : vector<16x1xf32> to vector<16x4096xf32>
      %eq3A_1231 = arith.cmpf oeq, %select_n3A_1136, %eq3A_1230 : vector<16x4096xf32>
      %add3A_1232 = arith.constant 28672 : i32
      %add3A_1233 = vector.broadcast %add3A_1232 : i32 to vector<16x4096xi32>
      %add3A_1234 = arith.addi %iota3A_123, %add3A_1233 : vector<16x4096xi32>
      %jit3A_1235 = arith.constant 1073741824 : i32
      %broadcast_in_dim3A_1236 = vector.broadcast %jit3A_1235 : i32 to vector<16x4096xi32>
      %select_n3A_1237 = arith.select %eq3A_1231, %add3A_1234, %broadcast_in_dim3A_1236 : vector<16x4096xi1>, vector<16x4096xi32>
      %reduce_min3A_1238 = arith.constant dense<2147483647> : vector<16xi32>
      %reduce_min3A_1239 = vector.multi_reduction <minsi>, %select_n3A_1237, %reduce_min3A_1238 [1] : vector<16x4096xi32> to vector<16xi32>
      %broadcast_in_dim3A_1240 = vector.shape_cast %reduce_min3A_1239 : vector<16xi32> to vector<16x1xi32>
      %min3A_1241 = arith.minsi %min3A_1229, %broadcast_in_dim3A_1240 : vector<16x1xi32>
      %add3A_1242 = arith.constant 0 : i32
      %add3A_1243 = vector.broadcast %add3A_1242 : i32 to vector<16x4096xi32>
      %add3A_1244 = arith.addi %iota3A_123, %add3A_1243 : vector<16x4096xi32>
      %eq3A_1245 = vector.broadcast %min3A_1241 : vector<16x1xi32> to vector<16x4096xi32>
      %eq3A_1246 = arith.cmpi eq, %add3A_1244, %eq3A_1245 : vector<16x4096xi32>
      %jit3A_1247 = arith.constant 0xFF800000 : f32
      %broadcast_in_dim3A_1248 = vector.broadcast %jit3A_1247 : f32 to vector<16x4096xf32>
      %select_n3A_1249 = arith.select %eq3A_1246, %broadcast_in_dim3A_1248, %select_n3A_1080 : vector<16x4096xi1>, vector<16x4096xf32>
      %add3A_1250 = arith.constant 4096 : i32
      %add3A_1251 = vector.broadcast %add3A_1250 : i32 to vector<16x4096xi32>
      %add3A_1252 = arith.addi %iota3A_123, %add3A_1251 : vector<16x4096xi32>
      %eq3A_1253 = vector.broadcast %min3A_1241 : vector<16x1xi32> to vector<16x4096xi32>
      %eq3A_1254 = arith.cmpi eq, %add3A_1252, %eq3A_1253 : vector<16x4096xi32>
      %jit3A_1255 = arith.constant 0xFF800000 : f32
      %broadcast_in_dim3A_1256 = vector.broadcast %jit3A_1255 : f32 to vector<16x4096xf32>
      %select_n3A_1257 = arith.select %eq3A_1254, %broadcast_in_dim3A_1256, %select_n3A_1088 : vector<16x4096xi1>, vector<16x4096xf32>
      %add3A_1258 = arith.constant 8192 : i32
      %add3A_1259 = vector.broadcast %add3A_1258 : i32 to vector<16x4096xi32>
      %add3A_1260 = arith.addi %iota3A_123, %add3A_1259 : vector<16x4096xi32>
      %eq3A_1261 = vector.broadcast %min3A_1241 : vector<16x1xi32> to vector<16x4096xi32>
      %eq3A_1262 = arith.cmpi eq, %add3A_1260, %eq3A_1261 : vector<16x4096xi32>
      %jit3A_1263 = arith.constant 0xFF800000 : f32
      %broadcast_in_dim3A_1264 = vector.broadcast %jit3A_1263 : f32 to vector<16x4096xf32>
      %select_n3A_1265 = arith.select %eq3A_1262, %broadcast_in_dim3A_1264, %select_n3A_1096 : vector<16x4096xi1>, vector<16x4096xf32>
      %add3A_1266 = arith.constant 12288 : i32
      %add3A_1267 = vector.broadcast %add3A_1266 : i32 to vector<16x4096xi32>
      %add3A_1268 = arith.addi %iota3A_123, %add3A_1267 : vector<16x4096xi32>
      %eq3A_1269 = vector.broadcast %min3A_1241 : vector<16x1xi32> to vector<16x4096xi32>
      %eq3A_1270 = arith.cmpi eq, %add3A_1268, %eq3A_1269 : vector<16x4096xi32>
      %jit3A_1271 = arith.constant 0xFF800000 : f32
      %broadcast_in_dim3A_1272 = vector.broadcast %jit3A_1271 : f32 to vector<16x4096xf32>
      %select_n3A_1273 = arith.select %eq3A_1270, %broadcast_in_dim3A_1272, %select_n3A_1104 : vector<16x4096xi1>, vector<16x4096xf32>
      %add3A_1274 = arith.constant 16384 : i32
      %add3A_1275 = vector.broadcast %add3A_1274 : i32 to vector<16x4096xi32>
      %add3A_1276 = arith.addi %iota3A_123, %add3A_1275 : vector<16x4096xi32>
      %eq3A_1277 = vector.broadcast %min3A_1241 : vector<16x1xi32> to vector<16x4096xi32>
      %eq3A_1278 = arith.cmpi eq, %add3A_1276, %eq3A_1277 : vector<16x4096xi32>
      %jit3A_1279 = arith.constant 0xFF800000 : f32
      %broadcast_in_dim3A_1280 = vector.broadcast %jit3A_1279 : f32 to vector<16x4096xf32>
      %select_n3A_1281 = arith.select %eq3A_1278, %broadcast_in_dim3A_1280, %select_n3A_1112 : vector<16x4096xi1>, vector<16x4096xf32>
      %add3A_1282 = arith.constant 20480 : i32
      %add3A_1283 = vector.broadcast %add3A_1282 : i32 to vector<16x4096xi32>
      %add3A_1284 = arith.addi %iota3A_123, %add3A_1283 : vector<16x4096xi32>
      %eq3A_1285 = vector.broadcast %min3A_1241 : vector<16x1xi32> to vector<16x4096xi32>
      %eq3A_1286 = arith.cmpi eq, %add3A_1284, %eq3A_1285 : vector<16x4096xi32>
      %jit3A_1287 = arith.constant 0xFF800000 : f32
      %broadcast_in_dim3A_1288 = vector.broadcast %jit3A_1287 : f32 to vector<16x4096xf32>
      %select_n3A_1289 = arith.select %eq3A_1286, %broadcast_in_dim3A_1288, %select_n3A_1120 : vector<16x4096xi1>, vector<16x4096xf32>
      %add3A_1290 = arith.constant 24576 : i32
      %add3A_1291 = vector.broadcast %add3A_1290 : i32 to vector<16x4096xi32>
      %add3A_1292 = arith.addi %iota3A_123, %add3A_1291 : vector<16x4096xi32>
      %eq3A_1293 = vector.broadcast %min3A_1241 : vector<16x1xi32> to vector<16x4096xi32>
      %eq3A_1294 = arith.cmpi eq, %add3A_1292, %eq3A_1293 : vector<16x4096xi32>
      %jit3A_1295 = arith.constant 0xFF800000 : f32
      %broadcast_in_dim3A_1296 = vector.broadcast %jit3A_1295 : f32 to vector<16x4096xf32>
      %select_n3A_1297 = arith.select %eq3A_1294, %broadcast_in_dim3A_1296, %select_n3A_1128 : vector<16x4096xi1>, vector<16x4096xf32>
      %add3A_1298 = arith.constant 28672 : i32
      %add3A_1299 = vector.broadcast %add3A_1298 : i32 to vector<16x4096xi32>
      %add3A_1300 = arith.addi %iota3A_123, %add3A_1299 : vector<16x4096xi32>
      %eq3A_1301 = vector.broadcast %min3A_1241 : vector<16x1xi32> to vector<16x4096xi32>
      %eq3A_1302 = arith.cmpi eq, %add3A_1300, %eq3A_1301 : vector<16x4096xi32>
      %jit3A_1303 = arith.constant 0xFF800000 : f32
      %broadcast_in_dim3A_1304 = vector.broadcast %jit3A_1303 : f32 to vector<16x4096xf32>
      %select_n3A_1305 = arith.select %eq3A_1302, %broadcast_in_dim3A_1304, %select_n3A_1136 : vector<16x4096xi1>, vector<16x4096xf32>
      %max3A_1306 = arith.maximumf %select_n3A_1249, %select_n3A_1257 : vector<16x4096xf32>
      %max3A_1307 = arith.maximumf %max3A_1306, %select_n3A_1265 : vector<16x4096xf32>
      %max3A_1308 = arith.maximumf %max3A_1307, %select_n3A_1273 : vector<16x4096xf32>
      %max3A_1309 = arith.maximumf %max3A_1308, %select_n3A_1281 : vector<16x4096xf32>
      %max3A_1310 = arith.maximumf %max3A_1309, %select_n3A_1289 : vector<16x4096xf32>
      %max3A_1311 = arith.maximumf %max3A_1310, %select_n3A_1297 : vector<16x4096xf32>
      %max3A_1312 = arith.maximumf %max3A_1311, %select_n3A_1305 : vector<16x4096xf32>
      %reduce_max3A_1313 = arith.constant dense<0xFF800000> : vector<16xf32>
      %reduce_max3A_1314 = vector.multi_reduction <maximumf>, %max3A_1312, %reduce_max3A_1313 [1] : vector<16x4096xf32> to vector<16xf32>
      %broadcast_in_dim3A_1315 = vector.shape_cast %reduce_max3A_1314 : vector<16xf32> to vector<16x1xf32>
      %eq3A_1316 = vector.broadcast %broadcast_in_dim3A_1315 : vector<16x1xf32> to vector<16x4096xf32>
      %eq3A_1317 = arith.cmpf oeq, %select_n3A_1249, %eq3A_1316 : vector<16x4096xf32>
      %add3A_1318 = arith.constant 0 : i32
      %add3A_1319 = vector.broadcast %add3A_1318 : i32 to vector<16x4096xi32>
      %add3A_1320 = arith.addi %iota3A_123, %add3A_1319 : vector<16x4096xi32>
      %jit3A_1321 = arith.constant 1073741824 : i32
      %broadcast_in_dim3A_1322 = vector.broadcast %jit3A_1321 : i32 to vector<16x4096xi32>
      %select_n3A_1323 = arith.select %eq3A_1317, %add3A_1320, %broadcast_in_dim3A_1322 : vector<16x4096xi1>, vector<16x4096xi32>
      %reduce_min3A_1324 = arith.constant dense<2147483647> : vector<16xi32>
      %reduce_min3A_1325 = vector.multi_reduction <minsi>, %select_n3A_1323, %reduce_min3A_1324 [1] : vector<16x4096xi32> to vector<16xi32>
      %broadcast_in_dim3A_1326 = vector.shape_cast %reduce_min3A_1325 : vector<16xi32> to vector<16x1xi32>
      %eq3A_1327 = vector.broadcast %broadcast_in_dim3A_1315 : vector<16x1xf32> to vector<16x4096xf32>
      %eq3A_1328 = arith.cmpf oeq, %select_n3A_1257, %eq3A_1327 : vector<16x4096xf32>
      %add3A_1329 = arith.constant 4096 : i32
      %add3A_1330 = vector.broadcast %add3A_1329 : i32 to vector<16x4096xi32>
      %add3A_1331 = arith.addi %iota3A_123, %add3A_1330 : vector<16x4096xi32>
      %jit3A_1332 = arith.constant 1073741824 : i32
      %broadcast_in_dim3A_1333 = vector.broadcast %jit3A_1332 : i32 to vector<16x4096xi32>
      %select_n3A_1334 = arith.select %eq3A_1328, %add3A_1331, %broadcast_in_dim3A_1333 : vector<16x4096xi1>, vector<16x4096xi32>
      %reduce_min3A_1335 = arith.constant dense<2147483647> : vector<16xi32>
      %reduce_min3A_1336 = vector.multi_reduction <minsi>, %select_n3A_1334, %reduce_min3A_1335 [1] : vector<16x4096xi32> to vector<16xi32>
      %broadcast_in_dim3A_1337 = vector.shape_cast %reduce_min3A_1336 : vector<16xi32> to vector<16x1xi32>
      %min3A_1338 = arith.minsi %broadcast_in_dim3A_1326, %broadcast_in_dim3A_1337 : vector<16x1xi32>
      %eq3A_1339 = vector.broadcast %broadcast_in_dim3A_1315 : vector<16x1xf32> to vector<16x4096xf32>
      %eq3A_1340 = arith.cmpf oeq, %select_n3A_1265, %eq3A_1339 : vector<16x4096xf32>
      %add3A_1341 = arith.constant 8192 : i32
      %add3A_1342 = vector.broadcast %add3A_1341 : i32 to vector<16x4096xi32>
      %add3A_1343 = arith.addi %iota3A_123, %add3A_1342 : vector<16x4096xi32>
      %jit3A_1344 = arith.constant 1073741824 : i32
      %broadcast_in_dim3A_1345 = vector.broadcast %jit3A_1344 : i32 to vector<16x4096xi32>
      %select_n3A_1346 = arith.select %eq3A_1340, %add3A_1343, %broadcast_in_dim3A_1345 : vector<16x4096xi1>, vector<16x4096xi32>
      %reduce_min3A_1347 = arith.constant dense<2147483647> : vector<16xi32>
      %reduce_min3A_1348 = vector.multi_reduction <minsi>, %select_n3A_1346, %reduce_min3A_1347 [1] : vector<16x4096xi32> to vector<16xi32>
      %broadcast_in_dim3A_1349 = vector.shape_cast %reduce_min3A_1348 : vector<16xi32> to vector<16x1xi32>
      %min3A_1350 = arith.minsi %min3A_1338, %broadcast_in_dim3A_1349 : vector<16x1xi32>
      %eq3A_1351 = vector.broadcast %broadcast_in_dim3A_1315 : vector<16x1xf32> to vector<16x4096xf32>
      %eq3A_1352 = arith.cmpf oeq, %select_n3A_1273, %eq3A_1351 : vector<16x4096xf32>
      %add3A_1353 = arith.constant 12288 : i32
      %add3A_1354 = vector.broadcast %add3A_1353 : i32 to vector<16x4096xi32>
      %add3A_1355 = arith.addi %iota3A_123, %add3A_1354 : vector<16x4096xi32>
      %jit3A_1356 = arith.constant 1073741824 : i32
      %broadcast_in_dim3A_1357 = vector.broadcast %jit3A_1356 : i32 to vector<16x4096xi32>
      %select_n3A_1358 = arith.select %eq3A_1352, %add3A_1355, %broadcast_in_dim3A_1357 : vector<16x4096xi1>, vector<16x4096xi32>
      %reduce_min3A_1359 = arith.constant dense<2147483647> : vector<16xi32>
      %reduce_min3A_1360 = vector.multi_reduction <minsi>, %select_n3A_1358, %reduce_min3A_1359 [1] : vector<16x4096xi32> to vector<16xi32>
      %broadcast_in_dim3A_1361 = vector.shape_cast %reduce_min3A_1360 : vector<16xi32> to vector<16x1xi32>
      %min3A_1362 = arith.minsi %min3A_1350, %broadcast_in_dim3A_1361 : vector<16x1xi32>
      %eq3A_1363 = vector.broadcast %broadcast_in_dim3A_1315 : vector<16x1xf32> to vector<16x4096xf32>
      %eq3A_1364 = arith.cmpf oeq, %select_n3A_1281, %eq3A_1363 : vector<16x4096xf32>
      %add3A_1365 = arith.constant 16384 : i32
      %add3A_1366 = vector.broadcast %add3A_1365 : i32 to vector<16x4096xi32>
      %add3A_1367 = arith.addi %iota3A_123, %add3A_1366 : vector<16x4096xi32>
      %jit3A_1368 = arith.constant 1073741824 : i32
      %broadcast_in_dim3A_1369 = vector.broadcast %jit3A_1368 : i32 to vector<16x4096xi32>
      %select_n3A_1370 = arith.select %eq3A_1364, %add3A_1367, %broadcast_in_dim3A_1369 : vector<16x4096xi1>, vector<16x4096xi32>
      %reduce_min3A_1371 = arith.constant dense<2147483647> : vector<16xi32>
      %reduce_min3A_1372 = vector.multi_reduction <minsi>, %select_n3A_1370, %reduce_min3A_1371 [1] : vector<16x4096xi32> to vector<16xi32>
      %broadcast_in_dim3A_1373 = vector.shape_cast %reduce_min3A_1372 : vector<16xi32> to vector<16x1xi32>
      %min3A_1374 = arith.minsi %min3A_1362, %broadcast_in_dim3A_1373 : vector<16x1xi32>
      %eq3A_1375 = vector.broadcast %broadcast_in_dim3A_1315 : vector<16x1xf32> to vector<16x4096xf32>
      %eq3A_1376 = arith.cmpf oeq, %select_n3A_1289, %eq3A_1375 : vector<16x4096xf32>
      %add3A_1377 = arith.constant 20480 : i32
      %add3A_1378 = vector.broadcast %add3A_1377 : i32 to vector<16x4096xi32>
      %add3A_1379 = arith.addi %iota3A_123, %add3A_1378 : vector<16x4096xi32>
      %jit3A_1380 = arith.constant 1073741824 : i32
      %broadcast_in_dim3A_1381 = vector.broadcast %jit3A_1380 : i32 to vector<16x4096xi32>
      %select_n3A_1382 = arith.select %eq3A_1376, %add3A_1379, %broadcast_in_dim3A_1381 : vector<16x4096xi1>, vector<16x4096xi32>
      %reduce_min3A_1383 = arith.constant dense<2147483647> : vector<16xi32>
      %reduce_min3A_1384 = vector.multi_reduction <minsi>, %select_n3A_1382, %reduce_min3A_1383 [1] : vector<16x4096xi32> to vector<16xi32>
      %broadcast_in_dim3A_1385 = vector.shape_cast %reduce_min3A_1384 : vector<16xi32> to vector<16x1xi32>
      %min3A_1386 = arith.minsi %min3A_1374, %broadcast_in_dim3A_1385 : vector<16x1xi32>
      %eq3A_1387 = vector.broadcast %broadcast_in_dim3A_1315 : vector<16x1xf32> to vector<16x4096xf32>
      %eq3A_1388 = arith.cmpf oeq, %select_n3A_1297, %eq3A_1387 : vector<16x4096xf32>
      %add3A_1389 = arith.constant 24576 : i32
      %add3A_1390 = vector.broadcast %add3A_1389 : i32 to vector<16x4096xi32>
      %add3A_1391 = arith.addi %iota3A_123, %add3A_1390 : vector<16x4096xi32>
      %jit3A_1392 = arith.constant 1073741824 : i32
      %broadcast_in_dim3A_1393 = vector.broadcast %jit3A_1392 : i32 to vector<16x4096xi32>
      %select_n3A_1394 = arith.select %eq3A_1388, %add3A_1391, %broadcast_in_dim3A_1393 : vector<16x4096xi1>, vector<16x4096xi32>
      %reduce_min3A_1395 = arith.constant dense<2147483647> : vector<16xi32>
      %reduce_min3A_1396 = vector.multi_reduction <minsi>, %select_n3A_1394, %reduce_min3A_1395 [1] : vector<16x4096xi32> to vector<16xi32>
      %broadcast_in_dim3A_1397 = vector.shape_cast %reduce_min3A_1396 : vector<16xi32> to vector<16x1xi32>
      %min3A_1398 = arith.minsi %min3A_1386, %broadcast_in_dim3A_1397 : vector<16x1xi32>
      %eq3A_1399 = vector.broadcast %broadcast_in_dim3A_1315 : vector<16x1xf32> to vector<16x4096xf32>
      %eq3A_1400 = arith.cmpf oeq, %select_n3A_1305, %eq3A_1399 : vector<16x4096xf32>
      %add3A_1401 = arith.constant 28672 : i32
      %add3A_1402 = vector.broadcast %add3A_1401 : i32 to vector<16x4096xi32>
      %add3A_1403 = arith.addi %iota3A_123, %add3A_1402 : vector<16x4096xi32>
      %jit3A_1404 = arith.constant 1073741824 : i32
      %broadcast_in_dim3A_1405 = vector.broadcast %jit3A_1404 : i32 to vector<16x4096xi32>
      %select_n3A_1406 = arith.select %eq3A_1400, %add3A_1403, %broadcast_in_dim3A_1405 : vector<16x4096xi1>, vector<16x4096xi32>
      %reduce_min3A_1407 = arith.constant dense<2147483647> : vector<16xi32>
      %reduce_min3A_1408 = vector.multi_reduction <minsi>, %select_n3A_1406, %reduce_min3A_1407 [1] : vector<16x4096xi32> to vector<16xi32>
      %broadcast_in_dim3A_1409 = vector.shape_cast %reduce_min3A_1408 : vector<16xi32> to vector<16x1xi32>
      %min3A_1410 = arith.minsi %min3A_1398, %broadcast_in_dim3A_1409 : vector<16x1xi32>
      %add3A_1411 = arith.constant 0 : i32
      %add3A_1412 = vector.broadcast %add3A_1411 : i32 to vector<16x4096xi32>
      %add3A_1413 = arith.addi %iota3A_123, %add3A_1412 : vector<16x4096xi32>
      %eq3A_1414 = vector.broadcast %min3A_1410 : vector<16x1xi32> to vector<16x4096xi32>
      %eq3A_1415 = arith.cmpi eq, %add3A_1413, %eq3A_1414 : vector<16x4096xi32>
      %jit3A_1416 = arith.constant 0xFF800000 : f32
      %broadcast_in_dim3A_1417 = vector.broadcast %jit3A_1416 : f32 to vector<16x4096xf32>
      %select_n3A_1418 = arith.select %eq3A_1415, %broadcast_in_dim3A_1417, %select_n3A_1249 : vector<16x4096xi1>, vector<16x4096xf32>
      %add3A_1419 = arith.constant 4096 : i32
      %add3A_1420 = vector.broadcast %add3A_1419 : i32 to vector<16x4096xi32>
      %add3A_1421 = arith.addi %iota3A_123, %add3A_1420 : vector<16x4096xi32>
      %eq3A_1422 = vector.broadcast %min3A_1410 : vector<16x1xi32> to vector<16x4096xi32>
      %eq3A_1423 = arith.cmpi eq, %add3A_1421, %eq3A_1422 : vector<16x4096xi32>
      %jit3A_1424 = arith.constant 0xFF800000 : f32
      %broadcast_in_dim3A_1425 = vector.broadcast %jit3A_1424 : f32 to vector<16x4096xf32>
      %select_n3A_1426 = arith.select %eq3A_1423, %broadcast_in_dim3A_1425, %select_n3A_1257 : vector<16x4096xi1>, vector<16x4096xf32>
      %add3A_1427 = arith.constant 8192 : i32
      %add3A_1428 = vector.broadcast %add3A_1427 : i32 to vector<16x4096xi32>
      %add3A_1429 = arith.addi %iota3A_123, %add3A_1428 : vector<16x4096xi32>
      %eq3A_1430 = vector.broadcast %min3A_1410 : vector<16x1xi32> to vector<16x4096xi32>
      %eq3A_1431 = arith.cmpi eq, %add3A_1429, %eq3A_1430 : vector<16x4096xi32>
      %jit3A_1432 = arith.constant 0xFF800000 : f32
      %broadcast_in_dim3A_1433 = vector.broadcast %jit3A_1432 : f32 to vector<16x4096xf32>
      %select_n3A_1434 = arith.select %eq3A_1431, %broadcast_in_dim3A_1433, %select_n3A_1265 : vector<16x4096xi1>, vector<16x4096xf32>
      %add3A_1435 = arith.constant 12288 : i32
      %add3A_1436 = vector.broadcast %add3A_1435 : i32 to vector<16x4096xi32>
      %add3A_1437 = arith.addi %iota3A_123, %add3A_1436 : vector<16x4096xi32>
      %eq3A_1438 = vector.broadcast %min3A_1410 : vector<16x1xi32> to vector<16x4096xi32>
      %eq3A_1439 = arith.cmpi eq, %add3A_1437, %eq3A_1438 : vector<16x4096xi32>
      %jit3A_1440 = arith.constant 0xFF800000 : f32
      %broadcast_in_dim3A_1441 = vector.broadcast %jit3A_1440 : f32 to vector<16x4096xf32>
      %select_n3A_1442 = arith.select %eq3A_1439, %broadcast_in_dim3A_1441, %select_n3A_1273 : vector<16x4096xi1>, vector<16x4096xf32>
      %add3A_1443 = arith.constant 16384 : i32
      %add3A_1444 = vector.broadcast %add3A_1443 : i32 to vector<16x4096xi32>
      %add3A_1445 = arith.addi %iota3A_123, %add3A_1444 : vector<16x4096xi32>
      %eq3A_1446 = vector.broadcast %min3A_1410 : vector<16x1xi32> to vector<16x4096xi32>
      %eq3A_1447 = arith.cmpi eq, %add3A_1445, %eq3A_1446 : vector<16x4096xi32>
      %jit3A_1448 = arith.constant 0xFF800000 : f32
      %broadcast_in_dim3A_1449 = vector.broadcast %jit3A_1448 : f32 to vector<16x4096xf32>
      %select_n3A_1450 = arith.select %eq3A_1447, %broadcast_in_dim3A_1449, %select_n3A_1281 : vector<16x4096xi1>, vector<16x4096xf32>
      %add3A_1451 = arith.constant 20480 : i32
      %add3A_1452 = vector.broadcast %add3A_1451 : i32 to vector<16x4096xi32>
      %add3A_1453 = arith.addi %iota3A_123, %add3A_1452 : vector<16x4096xi32>
      %eq3A_1454 = vector.broadcast %min3A_1410 : vector<16x1xi32> to vector<16x4096xi32>
      %eq3A_1455 = arith.cmpi eq, %add3A_1453, %eq3A_1454 : vector<16x4096xi32>
      %jit3A_1456 = arith.constant 0xFF800000 : f32
      %broadcast_in_dim3A_1457 = vector.broadcast %jit3A_1456 : f32 to vector<16x4096xf32>
      %select_n3A_1458 = arith.select %eq3A_1455, %broadcast_in_dim3A_1457, %select_n3A_1289 : vector<16x4096xi1>, vector<16x4096xf32>
      %add3A_1459 = arith.constant 24576 : i32
      %add3A_1460 = vector.broadcast %add3A_1459 : i32 to vector<16x4096xi32>
      %add3A_1461 = arith.addi %iota3A_123, %add3A_1460 : vector<16x4096xi32>
      %eq3A_1462 = vector.broadcast %min3A_1410 : vector<16x1xi32> to vector<16x4096xi32>
      %eq3A_1463 = arith.cmpi eq, %add3A_1461, %eq3A_1462 : vector<16x4096xi32>
      %jit3A_1464 = arith.constant 0xFF800000 : f32
      %broadcast_in_dim3A_1465 = vector.broadcast %jit3A_1464 : f32 to vector<16x4096xf32>
      %select_n3A_1466 = arith.select %eq3A_1463, %broadcast_in_dim3A_1465, %select_n3A_1297 : vector<16x4096xi1>, vector<16x4096xf32>
      %add3A_1467 = arith.constant 28672 : i32
      %add3A_1468 = vector.broadcast %add3A_1467 : i32 to vector<16x4096xi32>
      %add3A_1469 = arith.addi %iota3A_123, %add3A_1468 : vector<16x4096xi32>
      %eq3A_1470 = vector.broadcast %min3A_1410 : vector<16x1xi32> to vector<16x4096xi32>
      %eq3A_1471 = arith.cmpi eq, %add3A_1469, %eq3A_1470 : vector<16x4096xi32>
      %jit3A_1472 = arith.constant 0xFF800000 : f32
      %broadcast_in_dim3A_1473 = vector.broadcast %jit3A_1472 : f32 to vector<16x4096xf32>
      %select_n3A_1474 = arith.select %eq3A_1471, %broadcast_in_dim3A_1473, %select_n3A_1305 : vector<16x4096xi1>, vector<16x4096xf32>
      %max3A_1475 = arith.maximumf %select_n3A_1418, %select_n3A_1426 : vector<16x4096xf32>
      %max3A_1476 = arith.maximumf %max3A_1475, %select_n3A_1434 : vector<16x4096xf32>
      %max3A_1477 = arith.maximumf %max3A_1476, %select_n3A_1442 : vector<16x4096xf32>
      %max3A_1478 = arith.maximumf %max3A_1477, %select_n3A_1450 : vector<16x4096xf32>
      %max3A_1479 = arith.maximumf %max3A_1478, %select_n3A_1458 : vector<16x4096xf32>
      %max3A_1480 = arith.maximumf %max3A_1479, %select_n3A_1466 : vector<16x4096xf32>
      %max3A_1481 = arith.maximumf %max3A_1480, %select_n3A_1474 : vector<16x4096xf32>
      %reduce_max3A_1482 = arith.constant dense<0xFF800000> : vector<16xf32>
      %reduce_max3A_1483 = vector.multi_reduction <maximumf>, %max3A_1481, %reduce_max3A_1482 [1] : vector<16x4096xf32> to vector<16xf32>
      %broadcast_in_dim3A_1484 = vector.shape_cast %reduce_max3A_1483 : vector<16xf32> to vector<16x1xf32>
      %eq3A_1485 = vector.broadcast %broadcast_in_dim3A_1484 : vector<16x1xf32> to vector<16x4096xf32>
      %eq3A_1486 = arith.cmpf oeq, %select_n3A_1418, %eq3A_1485 : vector<16x4096xf32>
      %add3A_1487 = arith.constant 0 : i32
      %add3A_1488 = vector.broadcast %add3A_1487 : i32 to vector<16x4096xi32>
      %add3A_1489 = arith.addi %iota3A_123, %add3A_1488 : vector<16x4096xi32>
      %jit3A_1490 = arith.constant 1073741824 : i32
      %broadcast_in_dim3A_1491 = vector.broadcast %jit3A_1490 : i32 to vector<16x4096xi32>
      %select_n3A_1492 = arith.select %eq3A_1486, %add3A_1489, %broadcast_in_dim3A_1491 : vector<16x4096xi1>, vector<16x4096xi32>
      %reduce_min3A_1493 = arith.constant dense<2147483647> : vector<16xi32>
      %reduce_min3A_1494 = vector.multi_reduction <minsi>, %select_n3A_1492, %reduce_min3A_1493 [1] : vector<16x4096xi32> to vector<16xi32>
      %broadcast_in_dim3A_1495 = vector.shape_cast %reduce_min3A_1494 : vector<16xi32> to vector<16x1xi32>
      %eq3A_1496 = vector.broadcast %broadcast_in_dim3A_1484 : vector<16x1xf32> to vector<16x4096xf32>
      %eq3A_1497 = arith.cmpf oeq, %select_n3A_1426, %eq3A_1496 : vector<16x4096xf32>
      %add3A_1498 = arith.constant 4096 : i32
      %add3A_1499 = vector.broadcast %add3A_1498 : i32 to vector<16x4096xi32>
      %add3A_1500 = arith.addi %iota3A_123, %add3A_1499 : vector<16x4096xi32>
      %jit3A_1501 = arith.constant 1073741824 : i32
      %broadcast_in_dim3A_1502 = vector.broadcast %jit3A_1501 : i32 to vector<16x4096xi32>
      %select_n3A_1503 = arith.select %eq3A_1497, %add3A_1500, %broadcast_in_dim3A_1502 : vector<16x4096xi1>, vector<16x4096xi32>
      %reduce_min3A_1504 = arith.constant dense<2147483647> : vector<16xi32>
      %reduce_min3A_1505 = vector.multi_reduction <minsi>, %select_n3A_1503, %reduce_min3A_1504 [1] : vector<16x4096xi32> to vector<16xi32>
      %broadcast_in_dim3A_1506 = vector.shape_cast %reduce_min3A_1505 : vector<16xi32> to vector<16x1xi32>
      %min3A_1507 = arith.minsi %broadcast_in_dim3A_1495, %broadcast_in_dim3A_1506 : vector<16x1xi32>
      %eq3A_1508 = vector.broadcast %broadcast_in_dim3A_1484 : vector<16x1xf32> to vector<16x4096xf32>
      %eq3A_1509 = arith.cmpf oeq, %select_n3A_1434, %eq3A_1508 : vector<16x4096xf32>
      %add3A_1510 = arith.constant 8192 : i32
      %add3A_1511 = vector.broadcast %add3A_1510 : i32 to vector<16x4096xi32>
      %add3A_1512 = arith.addi %iota3A_123, %add3A_1511 : vector<16x4096xi32>
      %jit3A_1513 = arith.constant 1073741824 : i32
      %broadcast_in_dim3A_1514 = vector.broadcast %jit3A_1513 : i32 to vector<16x4096xi32>
      %select_n3A_1515 = arith.select %eq3A_1509, %add3A_1512, %broadcast_in_dim3A_1514 : vector<16x4096xi1>, vector<16x4096xi32>
      %reduce_min3A_1516 = arith.constant dense<2147483647> : vector<16xi32>
      %reduce_min3A_1517 = vector.multi_reduction <minsi>, %select_n3A_1515, %reduce_min3A_1516 [1] : vector<16x4096xi32> to vector<16xi32>
      %broadcast_in_dim3A_1518 = vector.shape_cast %reduce_min3A_1517 : vector<16xi32> to vector<16x1xi32>
      %min3A_1519 = arith.minsi %min3A_1507, %broadcast_in_dim3A_1518 : vector<16x1xi32>
      %eq3A_1520 = vector.broadcast %broadcast_in_dim3A_1484 : vector<16x1xf32> to vector<16x4096xf32>
      %eq3A_1521 = arith.cmpf oeq, %select_n3A_1442, %eq3A_1520 : vector<16x4096xf32>
      %add3A_1522 = arith.constant 12288 : i32
      %add3A_1523 = vector.broadcast %add3A_1522 : i32 to vector<16x4096xi32>
      %add3A_1524 = arith.addi %iota3A_123, %add3A_1523 : vector<16x4096xi32>
      %jit3A_1525 = arith.constant 1073741824 : i32
      %broadcast_in_dim3A_1526 = vector.broadcast %jit3A_1525 : i32 to vector<16x4096xi32>
      %select_n3A_1527 = arith.select %eq3A_1521, %add3A_1524, %broadcast_in_dim3A_1526 : vector<16x4096xi1>, vector<16x4096xi32>
      %reduce_min3A_1528 = arith.constant dense<2147483647> : vector<16xi32>
      %reduce_min3A_1529 = vector.multi_reduction <minsi>, %select_n3A_1527, %reduce_min3A_1528 [1] : vector<16x4096xi32> to vector<16xi32>
      %broadcast_in_dim3A_1530 = vector.shape_cast %reduce_min3A_1529 : vector<16xi32> to vector<16x1xi32>
      %min3A_1531 = arith.minsi %min3A_1519, %broadcast_in_dim3A_1530 : vector<16x1xi32>
      %eq3A_1532 = vector.broadcast %broadcast_in_dim3A_1484 : vector<16x1xf32> to vector<16x4096xf32>
      %eq3A_1533 = arith.cmpf oeq, %select_n3A_1450, %eq3A_1532 : vector<16x4096xf32>
      %add3A_1534 = arith.constant 16384 : i32
      %add3A_1535 = vector.broadcast %add3A_1534 : i32 to vector<16x4096xi32>
      %add3A_1536 = arith.addi %iota3A_123, %add3A_1535 : vector<16x4096xi32>
      %jit3A_1537 = arith.constant 1073741824 : i32
      %broadcast_in_dim3A_1538 = vector.broadcast %jit3A_1537 : i32 to vector<16x4096xi32>
      %select_n3A_1539 = arith.select %eq3A_1533, %add3A_1536, %broadcast_in_dim3A_1538 : vector<16x4096xi1>, vector<16x4096xi32>
      %reduce_min3A_1540 = arith.constant dense<2147483647> : vector<16xi32>
      %reduce_min3A_1541 = vector.multi_reduction <minsi>, %select_n3A_1539, %reduce_min3A_1540 [1] : vector<16x4096xi32> to vector<16xi32>
      %broadcast_in_dim3A_1542 = vector.shape_cast %reduce_min3A_1541 : vector<16xi32> to vector<16x1xi32>
      %min3A_1543 = arith.minsi %min3A_1531, %broadcast_in_dim3A_1542 : vector<16x1xi32>
      %eq3A_1544 = vector.broadcast %broadcast_in_dim3A_1484 : vector<16x1xf32> to vector<16x4096xf32>
      %eq3A_1545 = arith.cmpf oeq, %select_n3A_1458, %eq3A_1544 : vector<16x4096xf32>
      %add3A_1546 = arith.constant 20480 : i32
      %add3A_1547 = vector.broadcast %add3A_1546 : i32 to vector<16x4096xi32>
      %add3A_1548 = arith.addi %iota3A_123, %add3A_1547 : vector<16x4096xi32>
      %jit3A_1549 = arith.constant 1073741824 : i32
      %broadcast_in_dim3A_1550 = vector.broadcast %jit3A_1549 : i32 to vector<16x4096xi32>
      %select_n3A_1551 = arith.select %eq3A_1545, %add3A_1548, %broadcast_in_dim3A_1550 : vector<16x4096xi1>, vector<16x4096xi32>
      %reduce_min3A_1552 = arith.constant dense<2147483647> : vector<16xi32>
      %reduce_min3A_1553 = vector.multi_reduction <minsi>, %select_n3A_1551, %reduce_min3A_1552 [1] : vector<16x4096xi32> to vector<16xi32>
      %broadcast_in_dim3A_1554 = vector.shape_cast %reduce_min3A_1553 : vector<16xi32> to vector<16x1xi32>
      %min3A_1555 = arith.minsi %min3A_1543, %broadcast_in_dim3A_1554 : vector<16x1xi32>
      %eq3A_1556 = vector.broadcast %broadcast_in_dim3A_1484 : vector<16x1xf32> to vector<16x4096xf32>
      %eq3A_1557 = arith.cmpf oeq, %select_n3A_1466, %eq3A_1556 : vector<16x4096xf32>
      %add3A_1558 = arith.constant 24576 : i32
      %add3A_1559 = vector.broadcast %add3A_1558 : i32 to vector<16x4096xi32>
      %add3A_1560 = arith.addi %iota3A_123, %add3A_1559 : vector<16x4096xi32>
      %jit3A_1561 = arith.constant 1073741824 : i32
      %broadcast_in_dim3A_1562 = vector.broadcast %jit3A_1561 : i32 to vector<16x4096xi32>
      %select_n3A_1563 = arith.select %eq3A_1557, %add3A_1560, %broadcast_in_dim3A_1562 : vector<16x4096xi1>, vector<16x4096xi32>
      %reduce_min3A_1564 = arith.constant dense<2147483647> : vector<16xi32>
      %reduce_min3A_1565 = vector.multi_reduction <minsi>, %select_n3A_1563, %reduce_min3A_1564 [1] : vector<16x4096xi32> to vector<16xi32>
      %broadcast_in_dim3A_1566 = vector.shape_cast %reduce_min3A_1565 : vector<16xi32> to vector<16x1xi32>
      %min3A_1567 = arith.minsi %min3A_1555, %broadcast_in_dim3A_1566 : vector<16x1xi32>
      %eq3A_1568 = vector.broadcast %broadcast_in_dim3A_1484 : vector<16x1xf32> to vector<16x4096xf32>
      %eq3A_1569 = arith.cmpf oeq, %select_n3A_1474, %eq3A_1568 : vector<16x4096xf32>
      %add3A_1570 = arith.constant 28672 : i32
      %add3A_1571 = vector.broadcast %add3A_1570 : i32 to vector<16x4096xi32>
      %add3A_1572 = arith.addi %iota3A_123, %add3A_1571 : vector<16x4096xi32>
      %jit3A_1573 = arith.constant 1073741824 : i32
      %broadcast_in_dim3A_1574 = vector.broadcast %jit3A_1573 : i32 to vector<16x4096xi32>
      %select_n3A_1575 = arith.select %eq3A_1569, %add3A_1572, %broadcast_in_dim3A_1574 : vector<16x4096xi1>, vector<16x4096xi32>
      %reduce_min3A_1576 = arith.constant dense<2147483647> : vector<16xi32>
      %reduce_min3A_1577 = vector.multi_reduction <minsi>, %select_n3A_1575, %reduce_min3A_1576 [1] : vector<16x4096xi32> to vector<16xi32>
      %broadcast_in_dim3A_1578 = vector.shape_cast %reduce_min3A_1577 : vector<16xi32> to vector<16x1xi32>
      %min3A_1579 = arith.minsi %min3A_1567, %broadcast_in_dim3A_1578 : vector<16x1xi32>
      %add3A_1580 = arith.constant 0 : i32
      %add3A_1581 = vector.broadcast %add3A_1580 : i32 to vector<16x4096xi32>
      %add3A_1582 = arith.addi %iota3A_123, %add3A_1581 : vector<16x4096xi32>
      %eq3A_1583 = vector.broadcast %min3A_1579 : vector<16x1xi32> to vector<16x4096xi32>
      %eq3A_1584 = arith.cmpi eq, %add3A_1582, %eq3A_1583 : vector<16x4096xi32>
      %jit3A_1585 = arith.constant 0xFF800000 : f32
      %broadcast_in_dim3A_1586 = vector.broadcast %jit3A_1585 : f32 to vector<16x4096xf32>
      %select_n3A_1587 = arith.select %eq3A_1584, %broadcast_in_dim3A_1586, %select_n3A_1418 : vector<16x4096xi1>, vector<16x4096xf32>
      %add3A_1588 = arith.constant 4096 : i32
      %add3A_1589 = vector.broadcast %add3A_1588 : i32 to vector<16x4096xi32>
      %add3A_1590 = arith.addi %iota3A_123, %add3A_1589 : vector<16x4096xi32>
      %eq3A_1591 = vector.broadcast %min3A_1579 : vector<16x1xi32> to vector<16x4096xi32>
      %eq3A_1592 = arith.cmpi eq, %add3A_1590, %eq3A_1591 : vector<16x4096xi32>
      %jit3A_1593 = arith.constant 0xFF800000 : f32
      %broadcast_in_dim3A_1594 = vector.broadcast %jit3A_1593 : f32 to vector<16x4096xf32>
      %select_n3A_1595 = arith.select %eq3A_1592, %broadcast_in_dim3A_1594, %select_n3A_1426 : vector<16x4096xi1>, vector<16x4096xf32>
      %add3A_1596 = arith.constant 8192 : i32
      %add3A_1597 = vector.broadcast %add3A_1596 : i32 to vector<16x4096xi32>
      %add3A_1598 = arith.addi %iota3A_123, %add3A_1597 : vector<16x4096xi32>
      %eq3A_1599 = vector.broadcast %min3A_1579 : vector<16x1xi32> to vector<16x4096xi32>
      %eq3A_1600 = arith.cmpi eq, %add3A_1598, %eq3A_1599 : vector<16x4096xi32>
      %jit3A_1601 = arith.constant 0xFF800000 : f32
      %broadcast_in_dim3A_1602 = vector.broadcast %jit3A_1601 : f32 to vector<16x4096xf32>
      %select_n3A_1603 = arith.select %eq3A_1600, %broadcast_in_dim3A_1602, %select_n3A_1434 : vector<16x4096xi1>, vector<16x4096xf32>
      %add3A_1604 = arith.constant 12288 : i32
      %add3A_1605 = vector.broadcast %add3A_1604 : i32 to vector<16x4096xi32>
      %add3A_1606 = arith.addi %iota3A_123, %add3A_1605 : vector<16x4096xi32>
      %eq3A_1607 = vector.broadcast %min3A_1579 : vector<16x1xi32> to vector<16x4096xi32>
      %eq3A_1608 = arith.cmpi eq, %add3A_1606, %eq3A_1607 : vector<16x4096xi32>
      %jit3A_1609 = arith.constant 0xFF800000 : f32
      %broadcast_in_dim3A_1610 = vector.broadcast %jit3A_1609 : f32 to vector<16x4096xf32>
      %select_n3A_1611 = arith.select %eq3A_1608, %broadcast_in_dim3A_1610, %select_n3A_1442 : vector<16x4096xi1>, vector<16x4096xf32>
      %add3A_1612 = arith.constant 16384 : i32
      %add3A_1613 = vector.broadcast %add3A_1612 : i32 to vector<16x4096xi32>
      %add3A_1614 = arith.addi %iota3A_123, %add3A_1613 : vector<16x4096xi32>
      %eq3A_1615 = vector.broadcast %min3A_1579 : vector<16x1xi32> to vector<16x4096xi32>
      %eq3A_1616 = arith.cmpi eq, %add3A_1614, %eq3A_1615 : vector<16x4096xi32>
      %jit3A_1617 = arith.constant 0xFF800000 : f32
      %broadcast_in_dim3A_1618 = vector.broadcast %jit3A_1617 : f32 to vector<16x4096xf32>
      %select_n3A_1619 = arith.select %eq3A_1616, %broadcast_in_dim3A_1618, %select_n3A_1450 : vector<16x4096xi1>, vector<16x4096xf32>
      %add3A_1620 = arith.constant 20480 : i32
      %add3A_1621 = vector.broadcast %add3A_1620 : i32 to vector<16x4096xi32>
      %add3A_1622 = arith.addi %iota3A_123, %add3A_1621 : vector<16x4096xi32>
      %eq3A_1623 = vector.broadcast %min3A_1579 : vector<16x1xi32> to vector<16x4096xi32>
      %eq3A_1624 = arith.cmpi eq, %add3A_1622, %eq3A_1623 : vector<16x4096xi32>
      %jit3A_1625 = arith.constant 0xFF800000 : f32
      %broadcast_in_dim3A_1626 = vector.broadcast %jit3A_1625 : f32 to vector<16x4096xf32>
      %select_n3A_1627 = arith.select %eq3A_1624, %broadcast_in_dim3A_1626, %select_n3A_1458 : vector<16x4096xi1>, vector<16x4096xf32>
      %add3A_1628 = arith.constant 24576 : i32
      %add3A_1629 = vector.broadcast %add3A_1628 : i32 to vector<16x4096xi32>
      %add3A_1630 = arith.addi %iota3A_123, %add3A_1629 : vector<16x4096xi32>
      %eq3A_1631 = vector.broadcast %min3A_1579 : vector<16x1xi32> to vector<16x4096xi32>
      %eq3A_1632 = arith.cmpi eq, %add3A_1630, %eq3A_1631 : vector<16x4096xi32>
      %jit3A_1633 = arith.constant 0xFF800000 : f32
      %broadcast_in_dim3A_1634 = vector.broadcast %jit3A_1633 : f32 to vector<16x4096xf32>
      %select_n3A_1635 = arith.select %eq3A_1632, %broadcast_in_dim3A_1634, %select_n3A_1466 : vector<16x4096xi1>, vector<16x4096xf32>
      %add3A_1636 = arith.constant 28672 : i32
      %add3A_1637 = vector.broadcast %add3A_1636 : i32 to vector<16x4096xi32>
      %add3A_1638 = arith.addi %iota3A_123, %add3A_1637 : vector<16x4096xi32>
      %eq3A_1639 = vector.broadcast %min3A_1579 : vector<16x1xi32> to vector<16x4096xi32>
      %eq3A_1640 = arith.cmpi eq, %add3A_1638, %eq3A_1639 : vector<16x4096xi32>
      %jit3A_1641 = arith.constant 0xFF800000 : f32
      %broadcast_in_dim3A_1642 = vector.broadcast %jit3A_1641 : f32 to vector<16x4096xf32>
      %select_n3A_1643 = arith.select %eq3A_1640, %broadcast_in_dim3A_1642, %select_n3A_1474 : vector<16x4096xi1>, vector<16x4096xf32>
      %max3A_1644 = arith.maximumf %select_n3A_1587, %select_n3A_1595 : vector<16x4096xf32>
      %max3A_1645 = arith.maximumf %max3A_1644, %select_n3A_1603 : vector<16x4096xf32>
      %max3A_1646 = arith.maximumf %max3A_1645, %select_n3A_1611 : vector<16x4096xf32>
      %max3A_1647 = arith.maximumf %max3A_1646, %select_n3A_1619 : vector<16x4096xf32>
      %max3A_1648 = arith.maximumf %max3A_1647, %select_n3A_1627 : vector<16x4096xf32>
      %max3A_1649 = arith.maximumf %max3A_1648, %select_n3A_1635 : vector<16x4096xf32>
      %max3A_1650 = arith.maximumf %max3A_1649, %select_n3A_1643 : vector<16x4096xf32>
      %reduce_max3A_1651 = arith.constant dense<0xFF800000> : vector<16xf32>
      %reduce_max3A_1652 = vector.multi_reduction <maximumf>, %max3A_1650, %reduce_max3A_1651 [1] : vector<16x4096xf32> to vector<16xf32>
      %broadcast_in_dim3A_1653 = vector.shape_cast %reduce_max3A_1652 : vector<16xf32> to vector<16x1xf32>
      %eq3A_1654 = vector.broadcast %broadcast_in_dim3A_1653 : vector<16x1xf32> to vector<16x4096xf32>
      %eq3A_1655 = arith.cmpf oeq, %select_n3A_1587, %eq3A_1654 : vector<16x4096xf32>
      %add3A_1656 = arith.constant 0 : i32
      %add3A_1657 = vector.broadcast %add3A_1656 : i32 to vector<16x4096xi32>
      %add3A_1658 = arith.addi %iota3A_123, %add3A_1657 : vector<16x4096xi32>
      %jit3A_1659 = arith.constant 1073741824 : i32
      %broadcast_in_dim3A_1660 = vector.broadcast %jit3A_1659 : i32 to vector<16x4096xi32>
      %select_n3A_1661 = arith.select %eq3A_1655, %add3A_1658, %broadcast_in_dim3A_1660 : vector<16x4096xi1>, vector<16x4096xi32>
      %reduce_min3A_1662 = arith.constant dense<2147483647> : vector<16xi32>
      %reduce_min3A_1663 = vector.multi_reduction <minsi>, %select_n3A_1661, %reduce_min3A_1662 [1] : vector<16x4096xi32> to vector<16xi32>
      %broadcast_in_dim3A_1664 = vector.shape_cast %reduce_min3A_1663 : vector<16xi32> to vector<16x1xi32>
      %eq3A_1665 = vector.broadcast %broadcast_in_dim3A_1653 : vector<16x1xf32> to vector<16x4096xf32>
      %eq3A_1666 = arith.cmpf oeq, %select_n3A_1595, %eq3A_1665 : vector<16x4096xf32>
      %add3A_1667 = arith.constant 4096 : i32
      %add3A_1668 = vector.broadcast %add3A_1667 : i32 to vector<16x4096xi32>
      %add3A_1669 = arith.addi %iota3A_123, %add3A_1668 : vector<16x4096xi32>
      %jit3A_1670 = arith.constant 1073741824 : i32
      %broadcast_in_dim3A_1671 = vector.broadcast %jit3A_1670 : i32 to vector<16x4096xi32>
      %select_n3A_1672 = arith.select %eq3A_1666, %add3A_1669, %broadcast_in_dim3A_1671 : vector<16x4096xi1>, vector<16x4096xi32>
      %reduce_min3A_1673 = arith.constant dense<2147483647> : vector<16xi32>
      %reduce_min3A_1674 = vector.multi_reduction <minsi>, %select_n3A_1672, %reduce_min3A_1673 [1] : vector<16x4096xi32> to vector<16xi32>
      %broadcast_in_dim3A_1675 = vector.shape_cast %reduce_min3A_1674 : vector<16xi32> to vector<16x1xi32>
      %min3A_1676 = arith.minsi %broadcast_in_dim3A_1664, %broadcast_in_dim3A_1675 : vector<16x1xi32>
      %eq3A_1677 = vector.broadcast %broadcast_in_dim3A_1653 : vector<16x1xf32> to vector<16x4096xf32>
      %eq3A_1678 = arith.cmpf oeq, %select_n3A_1603, %eq3A_1677 : vector<16x4096xf32>
      %add3A_1679 = arith.constant 8192 : i32
      %add3A_1680 = vector.broadcast %add3A_1679 : i32 to vector<16x4096xi32>
      %add3A_1681 = arith.addi %iota3A_123, %add3A_1680 : vector<16x4096xi32>
      %jit3A_1682 = arith.constant 1073741824 : i32
      %broadcast_in_dim3A_1683 = vector.broadcast %jit3A_1682 : i32 to vector<16x4096xi32>
      %select_n3A_1684 = arith.select %eq3A_1678, %add3A_1681, %broadcast_in_dim3A_1683 : vector<16x4096xi1>, vector<16x4096xi32>
      %reduce_min3A_1685 = arith.constant dense<2147483647> : vector<16xi32>
      %reduce_min3A_1686 = vector.multi_reduction <minsi>, %select_n3A_1684, %reduce_min3A_1685 [1] : vector<16x4096xi32> to vector<16xi32>
      %broadcast_in_dim3A_1687 = vector.shape_cast %reduce_min3A_1686 : vector<16xi32> to vector<16x1xi32>
      %min3A_1688 = arith.minsi %min3A_1676, %broadcast_in_dim3A_1687 : vector<16x1xi32>
      %eq3A_1689 = vector.broadcast %broadcast_in_dim3A_1653 : vector<16x1xf32> to vector<16x4096xf32>
      %eq3A_1690 = arith.cmpf oeq, %select_n3A_1611, %eq3A_1689 : vector<16x4096xf32>
      %add3A_1691 = arith.constant 12288 : i32
      %add3A_1692 = vector.broadcast %add3A_1691 : i32 to vector<16x4096xi32>
      %add3A_1693 = arith.addi %iota3A_123, %add3A_1692 : vector<16x4096xi32>
      %jit3A_1694 = arith.constant 1073741824 : i32
      %broadcast_in_dim3A_1695 = vector.broadcast %jit3A_1694 : i32 to vector<16x4096xi32>
      %select_n3A_1696 = arith.select %eq3A_1690, %add3A_1693, %broadcast_in_dim3A_1695 : vector<16x4096xi1>, vector<16x4096xi32>
      %reduce_min3A_1697 = arith.constant dense<2147483647> : vector<16xi32>
      %reduce_min3A_1698 = vector.multi_reduction <minsi>, %select_n3A_1696, %reduce_min3A_1697 [1] : vector<16x4096xi32> to vector<16xi32>
      %broadcast_in_dim3A_1699 = vector.shape_cast %reduce_min3A_1698 : vector<16xi32> to vector<16x1xi32>
      %min3A_1700 = arith.minsi %min3A_1688, %broadcast_in_dim3A_1699 : vector<16x1xi32>
      %eq3A_1701 = vector.broadcast %broadcast_in_dim3A_1653 : vector<16x1xf32> to vector<16x4096xf32>
      %eq3A_1702 = arith.cmpf oeq, %select_n3A_1619, %eq3A_1701 : vector<16x4096xf32>
      %add3A_1703 = arith.constant 16384 : i32
      %add3A_1704 = vector.broadcast %add3A_1703 : i32 to vector<16x4096xi32>
      %add3A_1705 = arith.addi %iota3A_123, %add3A_1704 : vector<16x4096xi32>
      %jit3A_1706 = arith.constant 1073741824 : i32
      %broadcast_in_dim3A_1707 = vector.broadcast %jit3A_1706 : i32 to vector<16x4096xi32>
      %select_n3A_1708 = arith.select %eq3A_1702, %add3A_1705, %broadcast_in_dim3A_1707 : vector<16x4096xi1>, vector<16x4096xi32>
      %reduce_min3A_1709 = arith.constant dense<2147483647> : vector<16xi32>
      %reduce_min3A_1710 = vector.multi_reduction <minsi>, %select_n3A_1708, %reduce_min3A_1709 [1] : vector<16x4096xi32> to vector<16xi32>
      %broadcast_in_dim3A_1711 = vector.shape_cast %reduce_min3A_1710 : vector<16xi32> to vector<16x1xi32>
      %min3A_1712 = arith.minsi %min3A_1700, %broadcast_in_dim3A_1711 : vector<16x1xi32>
      %eq3A_1713 = vector.broadcast %broadcast_in_dim3A_1653 : vector<16x1xf32> to vector<16x4096xf32>
      %eq3A_1714 = arith.cmpf oeq, %select_n3A_1627, %eq3A_1713 : vector<16x4096xf32>
      %add3A_1715 = arith.constant 20480 : i32
      %add3A_1716 = vector.broadcast %add3A_1715 : i32 to vector<16x4096xi32>
      %add3A_1717 = arith.addi %iota3A_123, %add3A_1716 : vector<16x4096xi32>
      %jit3A_1718 = arith.constant 1073741824 : i32
      %broadcast_in_dim3A_1719 = vector.broadcast %jit3A_1718 : i32 to vector<16x4096xi32>
      %select_n3A_1720 = arith.select %eq3A_1714, %add3A_1717, %broadcast_in_dim3A_1719 : vector<16x4096xi1>, vector<16x4096xi32>
      %reduce_min3A_1721 = arith.constant dense<2147483647> : vector<16xi32>
      %reduce_min3A_1722 = vector.multi_reduction <minsi>, %select_n3A_1720, %reduce_min3A_1721 [1] : vector<16x4096xi32> to vector<16xi32>
      %broadcast_in_dim3A_1723 = vector.shape_cast %reduce_min3A_1722 : vector<16xi32> to vector<16x1xi32>
      %min3A_1724 = arith.minsi %min3A_1712, %broadcast_in_dim3A_1723 : vector<16x1xi32>
      %eq3A_1725 = vector.broadcast %broadcast_in_dim3A_1653 : vector<16x1xf32> to vector<16x4096xf32>
      %eq3A_1726 = arith.cmpf oeq, %select_n3A_1635, %eq3A_1725 : vector<16x4096xf32>
      %add3A_1727 = arith.constant 24576 : i32
      %add3A_1728 = vector.broadcast %add3A_1727 : i32 to vector<16x4096xi32>
      %add3A_1729 = arith.addi %iota3A_123, %add3A_1728 : vector<16x4096xi32>
      %jit3A_1730 = arith.constant 1073741824 : i32
      %broadcast_in_dim3A_1731 = vector.broadcast %jit3A_1730 : i32 to vector<16x4096xi32>
      %select_n3A_1732 = arith.select %eq3A_1726, %add3A_1729, %broadcast_in_dim3A_1731 : vector<16x4096xi1>, vector<16x4096xi32>
      %reduce_min3A_1733 = arith.constant dense<2147483647> : vector<16xi32>
      %reduce_min3A_1734 = vector.multi_reduction <minsi>, %select_n3A_1732, %reduce_min3A_1733 [1] : vector<16x4096xi32> to vector<16xi32>
      %broadcast_in_dim3A_1735 = vector.shape_cast %reduce_min3A_1734 : vector<16xi32> to vector<16x1xi32>
      %min3A_1736 = arith.minsi %min3A_1724, %broadcast_in_dim3A_1735 : vector<16x1xi32>
      %eq3A_1737 = vector.broadcast %broadcast_in_dim3A_1653 : vector<16x1xf32> to vector<16x4096xf32>
      %eq3A_1738 = arith.cmpf oeq, %select_n3A_1643, %eq3A_1737 : vector<16x4096xf32>
      %add3A_1739 = arith.constant 28672 : i32
      %add3A_1740 = vector.broadcast %add3A_1739 : i32 to vector<16x4096xi32>
      %add3A_1741 = arith.addi %iota3A_123, %add3A_1740 : vector<16x4096xi32>
      %jit3A_1742 = arith.constant 1073741824 : i32
      %broadcast_in_dim3A_1743 = vector.broadcast %jit3A_1742 : i32 to vector<16x4096xi32>
      %select_n3A_1744 = arith.select %eq3A_1738, %add3A_1741, %broadcast_in_dim3A_1743 : vector<16x4096xi1>, vector<16x4096xi32>
      %reduce_min3A_1745 = arith.constant dense<2147483647> : vector<16xi32>
      %reduce_min3A_1746 = vector.multi_reduction <minsi>, %select_n3A_1744, %reduce_min3A_1745 [1] : vector<16x4096xi32> to vector<16xi32>
      %broadcast_in_dim3A_1747 = vector.shape_cast %reduce_min3A_1746 : vector<16xi32> to vector<16x1xi32>
      %min3A_1748 = arith.minsi %min3A_1736, %broadcast_in_dim3A_1747 : vector<16x1xi32>
      %concatenate3A_1749 = tpu.concatenate %broadcast_in_dim3A_472, %broadcast_in_dim3A_639, %broadcast_in_dim3A_808, %broadcast_in_dim3A_977, %broadcast_in_dim3A_1146, %broadcast_in_dim3A_1315, %broadcast_in_dim3A_1484, %broadcast_in_dim3A_1653 in 0 : vector<16x1xf32>, vector<16x1xf32>, vector<16x1xf32>, vector<16x1xf32>, vector<16x1xf32>, vector<16x1xf32>, vector<16x1xf32>, vector<16x1xf32> -> vector<128x1xf32>
      %concatenate3A_1750 = tpu.concatenate %min3A_565, %min3A_734, %min3A_903, %min3A_1072, %min3A_1241, %min3A_1410, %min3A_1579, %min3A_1748 in 0 : vector<16x1xi32>, vector<16x1xi32>, vector<16x1xi32>, vector<16x1xi32>, vector<16x1xi32>, vector<16x1xi32>, vector<16x1xi32>, vector<16x1xi32> -> vector<128x1xi32>
      %jit3A_1751 = arith.constant 4096 : i32
      %eq3A_1752 = arith.constant 0 : i32
      %eq3A_1753 = arith.cmpi eq, %jit3A_1751, %eq3A_1752 : i32
      %jit3A_1754 = arith.constant 1 : i32
      %select_n3A_1755 = arith.select %eq3A_1753, %jit3A_1754, %jit3A_1751 : i32
      %rem3A_1756 = vector.broadcast %select_n3A_1755 : i32 to vector<128x1xi32>
      %rem3A_1757 = arith.remsi %concatenate3A_1750, %rem3A_1756 : vector<128x1xi32>
      %ne3A_1758 = arith.constant 0 : i32
      %ne3A_1759 = vector.broadcast %ne3A_1758 : i32 to vector<128x1xi32>
      %ne3A_1760 = arith.cmpi ne, %rem3A_1757, %ne3A_1759 : vector<128x1xi32>
      %lt3A_1761 = arith.constant 0 : i32
      %lt3A_1762 = vector.broadcast %lt3A_1761 : i32 to vector<128x1xi32>
      %lt3A_1763 = arith.cmpi slt, %rem3A_1757, %lt3A_1762 : vector<128x1xi32>
      %lt3A_1764 = arith.constant 0 : i32
      %lt3A_1765 = arith.cmpi slt, %select_n3A_1755, %lt3A_1764 : i32
      %ne3A_1766 = vector.broadcast %lt3A_1765 : i1 to vector<128x1xi1>
      %ne3A_1767 = vector.broadcast %ne3A_1766 : vector<128x1xi1> to vector<128x1xi1>
      %ne3A_1768 = arith.xori %lt3A_1763, %ne3A_1767 : vector<128x1xi1>
      %and3A_1769 = arith.andi %ne3A_1768, %ne3A_1760 : vector<128x1xi1>
      %add3A_1770 = vector.broadcast %select_n3A_1755 : i32 to vector<128x1xi32>
      %add3A_1771 = arith.addi %rem3A_1757, %add3A_1770 : vector<128x1xi32>
      %select_n3A_1772 = arith.select %and3A_1769, %add3A_1771, %rem3A_1757 : vector<128x1xi1>, vector<128x1xi32>
      %jit3A_1773 = arith.constant 4096 : i32
      %div3A_1774 = vector.broadcast %jit3A_1773 : i32 to vector<128x1xi32>
      %div3A_1775 = arith.divsi %concatenate3A_1750, %div3A_1774 : vector<128x1xi32>
      %sign3A_1776 = arith.constant 0 : i32
      %sign3A_1777 = vector.broadcast %sign3A_1776 : i32 to vector<128x1xi32>
      %sign3A_1778 = arith.cmpi sgt, %concatenate3A_1750, %sign3A_1777 : vector<128x1xi32>
      %sign3A_1779 = arith.extui %sign3A_1778 : vector<128x1xi1> to vector<128x1xi32>
      %sign3A_1780 = arith.constant 0 : i32
      %sign3A_1781 = vector.broadcast %sign3A_1780 : i32 to vector<128x1xi32>
      %sign3A_1782 = arith.cmpi slt, %concatenate3A_1750, %sign3A_1781 : vector<128x1xi32>
      %sign3A_1783 = arith.extui %sign3A_1782 : vector<128x1xi1> to vector<128x1xi32>
      %sign3A_1784 = arith.subi %sign3A_1779, %sign3A_1783 : vector<128x1xi32>
      %sign3A_1785 = arith.constant 0 : i32
      %sign3A_1786 = arith.cmpi sgt, %jit3A_1773, %sign3A_1785 : i32
      %sign3A_1787 = arith.extui %sign3A_1786 : i1 to i32
      %sign3A_1788 = arith.constant 0 : i32
      %sign3A_1789 = arith.cmpi slt, %jit3A_1773, %sign3A_1788 : i32
      %sign3A_1790 = arith.extui %sign3A_1789 : i1 to i32
      %sign3A_1791 = arith.subi %sign3A_1787, %sign3A_1790 : i32
      %ne3A_1792 = vector.broadcast %sign3A_1791 : i32 to vector<128x1xi32>
      %ne3A_1793 = arith.cmpi ne, %sign3A_1784, %ne3A_1792 : vector<128x1xi32>
      %rem3A_1794 = vector.broadcast %jit3A_1773 : i32 to vector<128x1xi32>
      %rem3A_1795 = arith.remsi %concatenate3A_1750, %rem3A_1794 : vector<128x1xi32>
      %ne3A_1796 = arith.constant 0 : i32
      %ne3A_1797 = vector.broadcast %ne3A_1796 : i32 to vector<128x1xi32>
      %ne3A_1798 = arith.cmpi ne, %rem3A_1795, %ne3A_1797 : vector<128x1xi32>
      %and3A_1799 = arith.andi %ne3A_1793, %ne3A_1798 : vector<128x1xi1>
      %sub3A_1800 = arith.constant 1 : i32
      %sub3A_1801 = vector.broadcast %sub3A_1800 : i32 to vector<128x1xi32>
      %sub3A_1802 = arith.subi %div3A_1775, %sub3A_1801 : vector<128x1xi32>
      %select_n3A_1803 = arith.select %and3A_1799, %sub3A_1802, %div3A_1775 : vector<128x1xi1>, vector<128x1xi32>
      %mul3A_1804 = arith.constant 16 : i32
      %mul3A_1805 = vector.broadcast %mul3A_1804 : i32 to vector<128x1xi32>
      %mul3A_1806 = arith.muli %select_n3A_1803, %mul3A_1805 : vector<128x1xi32>
      %add3A_1807 = arith.addi %mul3A_1806, %select_n3A_13 : vector<128x1xi32>
      %swap3A_1808 = arith.index_cast %scan3A_336 : i32 to index
      %swap3A_1809 = arith.constant 0 : index
      %swap3A_1810 = arith.constant 0 : index
      %swap3A_1811 = vector.load %arg9[%swap3A_1808, %swap3A_1809, %swap3A_1810] : memref<8x128x1xi32, #tpu.memory_space<vmem>>, vector<1x128x1xi32>
      %swap3A_1812 = vector.shape_cast %swap3A_1811 : vector<1x128x1xi32> to vector<128x1xi32>
      %swap3A_1813 = vector.shape_cast %add3A_1807 : vector<128x1xi32> to vector<1x128x1xi32>
      tpu.vector_store %arg9[%swap3A_1808, %swap3A_1809, %swap3A_1810], %swap3A_1813 {strides = array<i32>} : memref<8x128x1xi32, #tpu.memory_space<vmem>>, vector<1x128x1xi32>,
      %jit3A_1814 = arith.constant 4096 : i32
      %div3A_1815 = vector.broadcast %jit3A_1814 : i32 to vector<16x1xi32>
      %div3A_1816 = arith.divsi %min3A_565, %div3A_1815 : vector<16x1xi32>
      %sign3A_1817 = arith.constant 0 : i32
      %sign3A_1818 = vector.broadcast %sign3A_1817 : i32 to vector<16x1xi32>
      %sign3A_1819 = arith.cmpi sgt, %min3A_565, %sign3A_1818 : vector<16x1xi32>
      %sign3A_1820 = arith.extui %sign3A_1819 : vector<16x1xi1> to vector<16x1xi32>
      %sign3A_1821 = arith.constant 0 : i32
      %sign3A_1822 = vector.broadcast %sign3A_1821 : i32 to vector<16x1xi32>
      %sign3A_1823 = arith.cmpi slt, %min3A_565, %sign3A_1822 : vector<16x1xi32>
      %sign3A_1824 = arith.extui %sign3A_1823 : vector<16x1xi1> to vector<16x1xi32>
      %sign3A_1825 = arith.subi %sign3A_1820, %sign3A_1824 : vector<16x1xi32>
      %sign3A_1826 = arith.constant 0 : i32
      %sign3A_1827 = arith.cmpi sgt, %jit3A_1814, %sign3A_1826 : i32
      %sign3A_1828 = arith.extui %sign3A_1827 : i1 to i32
      %sign3A_1829 = arith.constant 0 : i32
      %sign3A_1830 = arith.cmpi slt, %jit3A_1814, %sign3A_1829 : i32
      %sign3A_1831 = arith.extui %sign3A_1830 : i1 to i32
      %sign3A_1832 = arith.subi %sign3A_1828, %sign3A_1831 : i32
      %ne3A_1833 = vector.broadcast %sign3A_1832 : i32 to vector<16x1xi32>
      %ne3A_1834 = arith.cmpi ne, %sign3A_1825, %ne3A_1833 : vector<16x1xi32>
      %rem3A_1835 = vector.broadcast %jit3A_1814 : i32 to vector<16x1xi32>
      %rem3A_1836 = arith.remsi %min3A_565, %rem3A_1835 : vector<16x1xi32>
      %ne3A_1837 = arith.constant 0 : i32
      %ne3A_1838 = vector.broadcast %ne3A_1837 : i32 to vector<16x1xi32>
      %ne3A_1839 = arith.cmpi ne, %rem3A_1836, %ne3A_1838 : vector<16x1xi32>
      %and3A_1840 = arith.andi %ne3A_1834, %ne3A_1839 : vector<16x1xi1>
      %sub3A_1841 = arith.constant 1 : i32
      %sub3A_1842 = vector.broadcast %sub3A_1841 : i32 to vector<16x1xi32>
      %sub3A_1843 = arith.subi %div3A_1816, %sub3A_1842 : vector<16x1xi32>
      %select_n3A_1844 = arith.select %and3A_1840, %sub3A_1843, %div3A_1816 : vector<16x1xi1>, vector<16x1xi32>
      %slice3A_1845 = vector.extract_strided_slice %add3A_392 {offsets = [0, 0], sizes = [16, 1024], strides = [1, 1]} : vector<128x1024xf32> to vector<16x1024xf32>
      %eq3A_1846 = arith.constant 1 : i32
      %eq3A_1847 = vector.broadcast %eq3A_1846 : i32 to vector<16x1xi32>
      %eq3A_1848 = arith.cmpi eq, %select_n3A_1844, %eq3A_1847 : vector<16x1xi32>
      %slice3A_1849 = vector.extract_strided_slice %add3A_392 {offsets = [16, 0], sizes = [16, 1024], strides = [1, 1]} : vector<128x1024xf32> to vector<16x1024xf32>
      %broadcast_in_dim3A_1850 = vector.shape_cast %eq3A_1848 : vector<16x1xi1> to vector<16x1xi1>
      %broadcast_in_dim3A_1851 = vector.broadcast %broadcast_in_dim3A_1850 : vector<16x1xi1> to vector<16x1024xi1>
      %select_n3A_1852 = arith.select %broadcast_in_dim3A_1851, %slice3A_1849, %slice3A_1845 : vector<16x1024xi1>, vector<16x1024xf32>
      %eq3A_1853 = arith.constant 2 : i32
      %eq3A_1854 = vector.broadcast %eq3A_1853 : i32 to vector<16x1xi32>
      %eq3A_1855 = arith.cmpi eq, %select_n3A_1844, %eq3A_1854 : vector<16x1xi32>
      %slice3A_1856 = vector.extract_strided_slice %add3A_392 {offsets = [32, 0], sizes = [16, 1024], strides = [1, 1]} : vector<128x1024xf32> to vector<16x1024xf32>
      %broadcast_in_dim3A_1857 = vector.shape_cast %eq3A_1855 : vector<16x1xi1> to vector<16x1xi1>
      %broadcast_in_dim3A_1858 = vector.broadcast %broadcast_in_dim3A_1857 : vector<16x1xi1> to vector<16x1024xi1>
      %select_n3A_1859 = arith.select %broadcast_in_dim3A_1858, %slice3A_1856, %select_n3A_1852 : vector<16x1024xi1>, vector<16x1024xf32>
      %eq3A_1860 = arith.constant 3 : i32
      %eq3A_1861 = vector.broadcast %eq3A_1860 : i32 to vector<16x1xi32>
      %eq3A_1862 = arith.cmpi eq, %select_n3A_1844, %eq3A_1861 : vector<16x1xi32>
      %slice3A_1863 = vector.extract_strided_slice %add3A_392 {offsets = [48, 0], sizes = [16, 1024], strides = [1, 1]} : vector<128x1024xf32> to vector<16x1024xf32>
      %broadcast_in_dim3A_1864 = vector.shape_cast %eq3A_1862 : vector<16x1xi1> to vector<16x1xi1>
      %broadcast_in_dim3A_1865 = vector.broadcast %broadcast_in_dim3A_1864 : vector<16x1xi1> to vector<16x1024xi1>
      %select_n3A_1866 = arith.select %broadcast_in_dim3A_1865, %slice3A_1863, %select_n3A_1859 : vector<16x1024xi1>, vector<16x1024xf32>
      %eq3A_1867 = arith.constant 4 : i32
      %eq3A_1868 = vector.broadcast %eq3A_1867 : i32 to vector<16x1xi32>
      %eq3A_1869 = arith.cmpi eq, %select_n3A_1844, %eq3A_1868 : vector<16x1xi32>
      %slice3A_1870 = vector.extract_strided_slice %add3A_392 {offsets = [64, 0], sizes = [16, 1024], strides = [1, 1]} : vector<128x1024xf32> to vector<16x1024xf32>
      %broadcast_in_dim3A_1871 = vector.shape_cast %eq3A_1869 : vector<16x1xi1> to vector<16x1xi1>
      %broadcast_in_dim3A_1872 = vector.broadcast %broadcast_in_dim3A_1871 : vector<16x1xi1> to vector<16x1024xi1>
      %select_n3A_1873 = arith.select %broadcast_in_dim3A_1872, %slice3A_1870, %select_n3A_1866 : vector<16x1024xi1>, vector<16x1024xf32>
      %eq3A_1874 = arith.constant 5 : i32
      %eq3A_1875 = vector.broadcast %eq3A_1874 : i32 to vector<16x1xi32>
      %eq3A_1876 = arith.cmpi eq, %select_n3A_1844, %eq3A_1875 : vector<16x1xi32>
      %slice3A_1877 = vector.extract_strided_slice %add3A_392 {offsets = [80, 0], sizes = [16, 1024], strides = [1, 1]} : vector<128x1024xf32> to vector<16x1024xf32>
      %broadcast_in_dim3A_1878 = vector.shape_cast %eq3A_1876 : vector<16x1xi1> to vector<16x1xi1>
      %broadcast_in_dim3A_1879 = vector.broadcast %broadcast_in_dim3A_1878 : vector<16x1xi1> to vector<16x1024xi1>
      %select_n3A_1880 = arith.select %broadcast_in_dim3A_1879, %slice3A_1877, %select_n3A_1873 : vector<16x1024xi1>, vector<16x1024xf32>
      %eq3A_1881 = arith.constant 6 : i32
      %eq3A_1882 = vector.broadcast %eq3A_1881 : i32 to vector<16x1xi32>
      %eq3A_1883 = arith.cmpi eq, %select_n3A_1844, %eq3A_1882 : vector<16x1xi32>
      %slice3A_1884 = vector.extract_strided_slice %add3A_392 {offsets = [96, 0], sizes = [16, 1024], strides = [1, 1]} : vector<128x1024xf32> to vector<16x1024xf32>
      %broadcast_in_dim3A_1885 = vector.shape_cast %eq3A_1883 : vector<16x1xi1> to vector<16x1xi1>
      %broadcast_in_dim3A_1886 = vector.broadcast %broadcast_in_dim3A_1885 : vector<16x1xi1> to vector<16x1024xi1>
      %select_n3A_1887 = arith.select %broadcast_in_dim3A_1886, %slice3A_1884, %select_n3A_1880 : vector<16x1024xi1>, vector<16x1024xf32>
      %eq3A_1888 = arith.constant 7 : i32
      %eq3A_1889 = vector.broadcast %eq3A_1888 : i32 to vector<16x1xi32>
      %eq3A_1890 = arith.cmpi eq, %select_n3A_1844, %eq3A_1889 : vector<16x1xi32>
      %slice3A_1891 = vector.extract_strided_slice %add3A_392 {offsets = [112, 0], sizes = [16, 1024], strides = [1, 1]} : vector<128x1024xf32> to vector<16x1024xf32>
      %broadcast_in_dim3A_1892 = vector.shape_cast %eq3A_1890 : vector<16x1xi1> to vector<16x1xi1>
      %broadcast_in_dim3A_1893 = vector.broadcast %broadcast_in_dim3A_1892 : vector<16x1xi1> to vector<16x1024xi1>
      %select_n3A_1894 = arith.select %broadcast_in_dim3A_1893, %slice3A_1891, %select_n3A_1887 : vector<16x1024xi1>, vector<16x1024xf32>
      %jit3A_1895 = arith.constant 4096 : i32
      %div3A_1896 = vector.broadcast %jit3A_1895 : i32 to vector<16x1xi32>
      %div3A_1897 = arith.divsi %min3A_734, %div3A_1896 : vector<16x1xi32>
      %sign3A_1898 = arith.constant 0 : i32
      %sign3A_1899 = vector.broadcast %sign3A_1898 : i32 to vector<16x1xi32>
      %sign3A_1900 = arith.cmpi sgt, %min3A_734, %sign3A_1899 : vector<16x1xi32>
      %sign3A_1901 = arith.extui %sign3A_1900 : vector<16x1xi1> to vector<16x1xi32>
      %sign3A_1902 = arith.constant 0 : i32
      %sign3A_1903 = vector.broadcast %sign3A_1902 : i32 to vector<16x1xi32>
      %sign3A_1904 = arith.cmpi slt, %min3A_734, %sign3A_1903 : vector<16x1xi32>
      %sign3A_1905 = arith.extui %sign3A_1904 : vector<16x1xi1> to vector<16x1xi32>
      %sign3A_1906 = arith.subi %sign3A_1901, %sign3A_1905 : vector<16x1xi32>
      %sign3A_1907 = arith.constant 0 : i32
      %sign3A_1908 = arith.cmpi sgt, %jit3A_1895, %sign3A_1907 : i32
      %sign3A_1909 = arith.extui %sign3A_1908 : i1 to i32
      %sign3A_1910 = arith.constant 0 : i32
      %sign3A_1911 = arith.cmpi slt, %jit3A_1895, %sign3A_1910 : i32
      %sign3A_1912 = arith.extui %sign3A_1911 : i1 to i32
      %sign3A_1913 = arith.subi %sign3A_1909, %sign3A_1912 : i32
      %ne3A_1914 = vector.broadcast %sign3A_1913 : i32 to vector<16x1xi32>
      %ne3A_1915 = arith.cmpi ne, %sign3A_1906, %ne3A_1914 : vector<16x1xi32>
      %rem3A_1916 = vector.broadcast %jit3A_1895 : i32 to vector<16x1xi32>
      %rem3A_1917 = arith.remsi %min3A_734, %rem3A_1916 : vector<16x1xi32>
      %ne3A_1918 = arith.constant 0 : i32
      %ne3A_1919 = vector.broadcast %ne3A_1918 : i32 to vector<16x1xi32>
      %ne3A_1920 = arith.cmpi ne, %rem3A_1917, %ne3A_1919 : vector<16x1xi32>
      %and3A_1921 = arith.andi %ne3A_1915, %ne3A_1920 : vector<16x1xi1>
      %sub3A_1922 = arith.constant 1 : i32
      %sub3A_1923 = vector.broadcast %sub3A_1922 : i32 to vector<16x1xi32>
      %sub3A_1924 = arith.subi %div3A_1897, %sub3A_1923 : vector<16x1xi32>
      %select_n3A_1925 = arith.select %and3A_1921, %sub3A_1924, %div3A_1897 : vector<16x1xi1>, vector<16x1xi32>
      %slice3A_1926 = vector.extract_strided_slice %add3A_392 {offsets = [0, 0], sizes = [16, 1024], strides = [1, 1]} : vector<128x1024xf32> to vector<16x1024xf32>
      %eq3A_1927 = arith.constant 1 : i32
      %eq3A_1928 = vector.broadcast %eq3A_1927 : i32 to vector<16x1xi32>
      %eq3A_1929 = arith.cmpi eq, %select_n3A_1925, %eq3A_1928 : vector<16x1xi32>
      %slice3A_1930 = vector.extract_strided_slice %add3A_392 {offsets = [16, 0], sizes = [16, 1024], strides = [1, 1]} : vector<128x1024xf32> to vector<16x1024xf32>
      %broadcast_in_dim3A_1931 = vector.shape_cast %eq3A_1929 : vector<16x1xi1> to vector<16x1xi1>
      %broadcast_in_dim3A_1932 = vector.broadcast %broadcast_in_dim3A_1931 : vector<16x1xi1> to vector<16x1024xi1>
      %select_n3A_1933 = arith.select %broadcast_in_dim3A_1932, %slice3A_1930, %slice3A_1926 : vector<16x1024xi1>, vector<16x1024xf32>
      %eq3A_1934 = arith.constant 2 : i32
      %eq3A_1935 = vector.broadcast %eq3A_1934 : i32 to vector<16x1xi32>
      %eq3A_1936 = arith.cmpi eq, %select_n3A_1925, %eq3A_1935 : vector<16x1xi32>
      %slice3A_1937 = vector.extract_strided_slice %add3A_392 {offsets = [32, 0], sizes = [16, 1024], strides = [1, 1]} : vector<128x1024xf32> to vector<16x1024xf32>
      %broadcast_in_dim3A_1938 = vector.shape_cast %eq3A_1936 : vector<16x1xi1> to vector<16x1xi1>
      %broadcast_in_dim3A_1939 = vector.broadcast %broadcast_in_dim3A_1938 : vector<16x1xi1> to vector<16x1024xi1>
      %select_n3A_1940 = arith.select %broadcast_in_dim3A_1939, %slice3A_1937, %select_n3A_1933 : vector<16x1024xi1>, vector<16x1024xf32>
      %eq3A_1941 = arith.constant 3 : i32
      %eq3A_1942 = vector.broadcast %eq3A_1941 : i32 to vector<16x1xi32>
      %eq3A_1943 = arith.cmpi eq, %select_n3A_1925, %eq3A_1942 : vector<16x1xi32>
      %slice3A_1944 = vector.extract_strided_slice %add3A_392 {offsets = [48, 0], sizes = [16, 1024], strides = [1, 1]} : vector<128x1024xf32> to vector<16x1024xf32>
      %broadcast_in_dim3A_1945 = vector.shape_cast %eq3A_1943 : vector<16x1xi1> to vector<16x1xi1>
      %broadcast_in_dim3A_1946 = vector.broadcast %broadcast_in_dim3A_1945 : vector<16x1xi1> to vector<16x1024xi1>
      %select_n3A_1947 = arith.select %broadcast_in_dim3A_1946, %slice3A_1944, %select_n3A_1940 : vector<16x1024xi1>, vector<16x1024xf32>
      %eq3A_1948 = arith.constant 4 : i32
      %eq3A_1949 = vector.broadcast %eq3A_1948 : i32 to vector<16x1xi32>
      %eq3A_1950 = arith.cmpi eq, %select_n3A_1925, %eq3A_1949 : vector<16x1xi32>
      %slice3A_1951 = vector.extract_strided_slice %add3A_392 {offsets = [64, 0], sizes = [16, 1024], strides = [1, 1]} : vector<128x1024xf32> to vector<16x1024xf32>
      %broadcast_in_dim3A_1952 = vector.shape_cast %eq3A_1950 : vector<16x1xi1> to vector<16x1xi1>
      %broadcast_in_dim3A_1953 = vector.broadcast %broadcast_in_dim3A_1952 : vector<16x1xi1> to vector<16x1024xi1>
      %select_n3A_1954 = arith.select %broadcast_in_dim3A_1953, %slice3A_1951, %select_n3A_1947 : vector<16x1024xi1>, vector<16x1024xf32>
      %eq3A_1955 = arith.constant 5 : i32
      %eq3A_1956 = vector.broadcast %eq3A_1955 : i32 to vector<16x1xi32>
      %eq3A_1957 = arith.cmpi eq, %select_n3A_1925, %eq3A_1956 : vector<16x1xi32>
      %slice3A_1958 = vector.extract_strided_slice %add3A_392 {offsets = [80, 0], sizes = [16, 1024], strides = [1, 1]} : vector<128x1024xf32> to vector<16x1024xf32>
      %broadcast_in_dim3A_1959 = vector.shape_cast %eq3A_1957 : vector<16x1xi1> to vector<16x1xi1>
      %broadcast_in_dim3A_1960 = vector.broadcast %broadcast_in_dim3A_1959 : vector<16x1xi1> to vector<16x1024xi1>
      %select_n3A_1961 = arith.select %broadcast_in_dim3A_1960, %slice3A_1958, %select_n3A_1954 : vector<16x1024xi1>, vector<16x1024xf32>
      %eq3A_1962 = arith.constant 6 : i32
      %eq3A_1963 = vector.broadcast %eq3A_1962 : i32 to vector<16x1xi32>
      %eq3A_1964 = arith.cmpi eq, %select_n3A_1925, %eq3A_1963 : vector<16x1xi32>
      %slice3A_1965 = vector.extract_strided_slice %add3A_392 {offsets = [96, 0], sizes = [16, 1024], strides = [1, 1]} : vector<128x1024xf32> to vector<16x1024xf32>
      %broadcast_in_dim3A_1966 = vector.shape_cast %eq3A_1964 : vector<16x1xi1> to vector<16x1xi1>
      %broadcast_in_dim3A_1967 = vector.broadcast %broadcast_in_dim3A_1966 : vector<16x1xi1> to vector<16x1024xi1>
      %select_n3A_1968 = arith.select %broadcast_in_dim3A_1967, %slice3A_1965, %select_n3A_1961 : vector<16x1024xi1>, vector<16x1024xf32>
      %eq3A_1969 = arith.constant 7 : i32
      %eq3A_1970 = vector.broadcast %eq3A_1969 : i32 to vector<16x1xi32>
      %eq3A_1971 = arith.cmpi eq, %select_n3A_1925, %eq3A_1970 : vector<16x1xi32>
      %slice3A_1972 = vector.extract_strided_slice %add3A_392 {offsets = [112, 0], sizes = [16, 1024], strides = [1, 1]} : vector<128x1024xf32> to vector<16x1024xf32>
      %broadcast_in_dim3A_1973 = vector.shape_cast %eq3A_1971 : vector<16x1xi1> to vector<16x1xi1>
      %broadcast_in_dim3A_1974 = vector.broadcast %broadcast_in_dim3A_1973 : vector<16x1xi1> to vector<16x1024xi1>
      %select_n3A_1975 = arith.select %broadcast_in_dim3A_1974, %slice3A_1972, %select_n3A_1968 : vector<16x1024xi1>, vector<16x1024xf32>
      %jit3A_1976 = arith.constant 4096 : i32
      %div3A_1977 = vector.broadcast %jit3A_1976 : i32 to vector<16x1xi32>
      %div3A_1978 = arith.divsi %min3A_903, %div3A_1977 : vector<16x1xi32>
      %sign3A_1979 = arith.constant 0 : i32
      %sign3A_1980 = vector.broadcast %sign3A_1979 : i32 to vector<16x1xi32>
      %sign3A_1981 = arith.cmpi sgt, %min3A_903, %sign3A_1980 : vector<16x1xi32>
      %sign3A_1982 = arith.extui %sign3A_1981 : vector<16x1xi1> to vector<16x1xi32>
      %sign3A_1983 = arith.constant 0 : i32
      %sign3A_1984 = vector.broadcast %sign3A_1983 : i32 to vector<16x1xi32>
      %sign3A_1985 = arith.cmpi slt, %min3A_903, %sign3A_1984 : vector<16x1xi32>
      %sign3A_1986 = arith.extui %sign3A_1985 : vector<16x1xi1> to vector<16x1xi32>
      %sign3A_1987 = arith.subi %sign3A_1982, %sign3A_1986 : vector<16x1xi32>
      %sign3A_1988 = arith.constant 0 : i32
      %sign3A_1989 = arith.cmpi sgt, %jit3A_1976, %sign3A_1988 : i32
      %sign3A_1990 = arith.extui %sign3A_1989 : i1 to i32
      %sign3A_1991 = arith.constant 0 : i32
      %sign3A_1992 = arith.cmpi slt, %jit3A_1976, %sign3A_1991 : i32
      %sign3A_1993 = arith.extui %sign3A_1992 : i1 to i32
      %sign3A_1994 = arith.subi %sign3A_1990, %sign3A_1993 : i32
      %ne3A_1995 = vector.broadcast %sign3A_1994 : i32 to vector<16x1xi32>
      %ne3A_1996 = arith.cmpi ne, %sign3A_1987, %ne3A_1995 : vector<16x1xi32>
      %rem3A_1997 = vector.broadcast %jit3A_1976 : i32 to vector<16x1xi32>
      %rem3A_1998 = arith.remsi %min3A_903, %rem3A_1997 : vector<16x1xi32>
      %ne3A_1999 = arith.constant 0 : i32
      %ne3A_2000 = vector.broadcast %ne3A_1999 : i32 to vector<16x1xi32>
      %ne3A_2001 = arith.cmpi ne, %rem3A_1998, %ne3A_2000 : vector<16x1xi32>
      %and3A_2002 = arith.andi %ne3A_1996, %ne3A_2001 : vector<16x1xi1>
      %sub3A_2003 = arith.constant 1 : i32
      %sub3A_2004 = vector.broadcast %sub3A_2003 : i32 to vector<16x1xi32>
      %sub3A_2005 = arith.subi %div3A_1978, %sub3A_2004 : vector<16x1xi32>
      %select_n3A_2006 = arith.select %and3A_2002, %sub3A_2005, %div3A_1978 : vector<16x1xi1>, vector<16x1xi32>
      %slice3A_2007 = vector.extract_strided_slice %add3A_392 {offsets = [0, 0], sizes = [16, 1024], strides = [1, 1]} : vector<128x1024xf32> to vector<16x1024xf32>
      %eq3A_2008 = arith.constant 1 : i32
      %eq3A_2009 = vector.broadcast %eq3A_2008 : i32 to vector<16x1xi32>
      %eq3A_2010 = arith.cmpi eq, %select_n3A_2006, %eq3A_2009 : vector<16x1xi32>
      %slice3A_2011 = vector.extract_strided_slice %add3A_392 {offsets = [16, 0], sizes = [16, 1024], strides = [1, 1]} : vector<128x1024xf32> to vector<16x1024xf32>
      %broadcast_in_dim3A_2012 = vector.shape_cast %eq3A_2010 : vector<16x1xi1> to vector<16x1xi1>
      %broadcast_in_dim3A_2013 = vector.broadcast %broadcast_in_dim3A_2012 : vector<16x1xi1> to vector<16x1024xi1>
      %select_n3A_2014 = arith.select %broadcast_in_dim3A_2013, %slice3A_2011, %slice3A_2007 : vector<16x1024xi1>, vector<16x1024xf32>
      %eq3A_2015 = arith.constant 2 : i32
      %eq3A_2016 = vector.broadcast %eq3A_2015 : i32 to vector<16x1xi32>
      %eq3A_2017 = arith.cmpi eq, %select_n3A_2006, %eq3A_2016 : vector<16x1xi32>
      %slice3A_2018 = vector.extract_strided_slice %add3A_392 {offsets = [32, 0], sizes = [16, 1024], strides = [1, 1]} : vector<128x1024xf32> to vector<16x1024xf32>
      %broadcast_in_dim3A_2019 = vector.shape_cast %eq3A_2017 : vector<16x1xi1> to vector<16x1xi1>
      %broadcast_in_dim3A_2020 = vector.broadcast %broadcast_in_dim3A_2019 : vector<16x1xi1> to vector<16x1024xi1>
      %select_n3A_2021 = arith.select %broadcast_in_dim3A_2020, %slice3A_2018, %select_n3A_2014 : vector<16x1024xi1>, vector<16x1024xf32>
      %eq3A_2022 = arith.constant 3 : i32
      %eq3A_2023 = vector.broadcast %eq3A_2022 : i32 to vector<16x1xi32>
      %eq3A_2024 = arith.cmpi eq, %select_n3A_2006, %eq3A_2023 : vector<16x1xi32>
      %slice3A_2025 = vector.extract_strided_slice %add3A_392 {offsets = [48, 0], sizes = [16, 1024], strides = [1, 1]} : vector<128x1024xf32> to vector<16x1024xf32>
      %broadcast_in_dim3A_2026 = vector.shape_cast %eq3A_2024 : vector<16x1xi1> to vector<16x1xi1>
      %broadcast_in_dim3A_2027 = vector.broadcast %broadcast_in_dim3A_2026 : vector<16x1xi1> to vector<16x1024xi1>
      %select_n3A_2028 = arith.select %broadcast_in_dim3A_2027, %slice3A_2025, %select_n3A_2021 : vector<16x1024xi1>, vector<16x1024xf32>
      %eq3A_2029 = arith.constant 4 : i32
      %eq3A_2030 = vector.broadcast %eq3A_2029 : i32 to vector<16x1xi32>
      %eq3A_2031 = arith.cmpi eq, %select_n3A_2006, %eq3A_2030 : vector<16x1xi32>
      %slice3A_2032 = vector.extract_strided_slice %add3A_392 {offsets = [64, 0], sizes = [16, 1024], strides = [1, 1]} : vector<128x1024xf32> to vector<16x1024xf32>
      %broadcast_in_dim3A_2033 = vector.shape_cast %eq3A_2031 : vector<16x1xi1> to vector<16x1xi1>
      %broadcast_in_dim3A_2034 = vector.broadcast %broadcast_in_dim3A_2033 : vector<16x1xi1> to vector<16x1024xi1>
      %select_n3A_2035 = arith.select %broadcast_in_dim3A_2034, %slice3A_2032, %select_n3A_2028 : vector<16x1024xi1>, vector<16x1024xf32>
      %eq3A_2036 = arith.constant 5 : i32
      %eq3A_2037 = vector.broadcast %eq3A_2036 : i32 to vector<16x1xi32>
      %eq3A_2038 = arith.cmpi eq, %select_n3A_2006, %eq3A_2037 : vector<16x1xi32>
      %slice3A_2039 = vector.extract_strided_slice %add3A_392 {offsets = [80, 0], sizes = [16, 1024], strides = [1, 1]} : vector<128x1024xf32> to vector<16x1024xf32>
      %broadcast_in_dim3A_2040 = vector.shape_cast %eq3A_2038 : vector<16x1xi1> to vector<16x1xi1>
      %broadcast_in_dim3A_2041 = vector.broadcast %broadcast_in_dim3A_2040 : vector<16x1xi1> to vector<16x1024xi1>
      %select_n3A_2042 = arith.select %broadcast_in_dim3A_2041, %slice3A_2039, %select_n3A_2035 : vector<16x1024xi1>, vector<16x1024xf32>
      %eq3A_2043 = arith.constant 6 : i32
      %eq3A_2044 = vector.broadcast %eq3A_2043 : i32 to vector<16x1xi32>
      %eq3A_2045 = arith.cmpi eq, %select_n3A_2006, %eq3A_2044 : vector<16x1xi32>
      %slice3A_2046 = vector.extract_strided_slice %add3A_392 {offsets = [96, 0], sizes = [16, 1024], strides = [1, 1]} : vector<128x1024xf32> to vector<16x1024xf32>
      %broadcast_in_dim3A_2047 = vector.shape_cast %eq3A_2045 : vector<16x1xi1> to vector<16x1xi1>
      %broadcast_in_dim3A_2048 = vector.broadcast %broadcast_in_dim3A_2047 : vector<16x1xi1> to vector<16x1024xi1>
      %select_n3A_2049 = arith.select %broadcast_in_dim3A_2048, %slice3A_2046, %select_n3A_2042 : vector<16x1024xi1>, vector<16x1024xf32>
      %eq3A_2050 = arith.constant 7 : i32
      %eq3A_2051 = vector.broadcast %eq3A_2050 : i32 to vector<16x1xi32>
      %eq3A_2052 = arith.cmpi eq, %select_n3A_2006, %eq3A_2051 : vector<16x1xi32>
      %slice3A_2053 = vector.extract_strided_slice %add3A_392 {offsets = [112, 0], sizes = [16, 1024], strides = [1, 1]} : vector<128x1024xf32> to vector<16x1024xf32>
      %broadcast_in_dim3A_2054 = vector.shape_cast %eq3A_2052 : vector<16x1xi1> to vector<16x1xi1>
      %broadcast_in_dim3A_2055 = vector.broadcast %broadcast_in_dim3A_2054 : vector<16x1xi1> to vector<16x1024xi1>
      %select_n3A_2056 = arith.select %broadcast_in_dim3A_2055, %slice3A_2053, %select_n3A_2049 : vector<16x1024xi1>, vector<16x1024xf32>
      %jit3A_2057 = arith.constant 4096 : i32
      %div3A_2058 = vector.broadcast %jit3A_2057 : i32 to vector<16x1xi32>
      %div3A_2059 = arith.divsi %min3A_1072, %div3A_2058 : vector<16x1xi32>
      %sign3A_2060 = arith.constant 0 : i32
      %sign3A_2061 = vector.broadcast %sign3A_2060 : i32 to vector<16x1xi32>
      %sign3A_2062 = arith.cmpi sgt, %min3A_1072, %sign3A_2061 : vector<16x1xi32>
      %sign3A_2063 = arith.extui %sign3A_2062 : vector<16x1xi1> to vector<16x1xi32>
      %sign3A_2064 = arith.constant 0 : i32
      %sign3A_2065 = vector.broadcast %sign3A_2064 : i32 to vector<16x1xi32>
      %sign3A_2066 = arith.cmpi slt, %min3A_1072, %sign3A_2065 : vector<16x1xi32>
      %sign3A_2067 = arith.extui %sign3A_2066 : vector<16x1xi1> to vector<16x1xi32>
      %sign3A_2068 = arith.subi %sign3A_2063, %sign3A_2067 : vector<16x1xi32>
      %sign3A_2069 = arith.constant 0 : i32
      %sign3A_2070 = arith.cmpi sgt, %jit3A_2057, %sign3A_2069 : i32
      %sign3A_2071 = arith.extui %sign3A_2070 : i1 to i32
      %sign3A_2072 = arith.constant 0 : i32
      %sign3A_2073 = arith.cmpi slt, %jit3A_2057, %sign3A_2072 : i32
      %sign3A_2074 = arith.extui %sign3A_2073 : i1 to i32
      %sign3A_2075 = arith.subi %sign3A_2071, %sign3A_2074 : i32
      %ne3A_2076 = vector.broadcast %sign3A_2075 : i32 to vector<16x1xi32>
      %ne3A_2077 = arith.cmpi ne, %sign3A_2068, %ne3A_2076 : vector<16x1xi32>
      %rem3A_2078 = vector.broadcast %jit3A_2057 : i32 to vector<16x1xi32>
      %rem3A_2079 = arith.remsi %min3A_1072, %rem3A_2078 : vector<16x1xi32>
      %ne3A_2080 = arith.constant 0 : i32
      %ne3A_2081 = vector.broadcast %ne3A_2080 : i32 to vector<16x1xi32>
      %ne3A_2082 = arith.cmpi ne, %rem3A_2079, %ne3A_2081 : vector<16x1xi32>
      %and3A_2083 = arith.andi %ne3A_2077, %ne3A_2082 : vector<16x1xi1>
      %sub3A_2084 = arith.constant 1 : i32
      %sub3A_2085 = vector.broadcast %sub3A_2084 : i32 to vector<16x1xi32>
      %sub3A_2086 = arith.subi %div3A_2059, %sub3A_2085 : vector<16x1xi32>
      %select_n3A_2087 = arith.select %and3A_2083, %sub3A_2086, %div3A_2059 : vector<16x1xi1>, vector<16x1xi32>
      %slice3A_2088 = vector.extract_strided_slice %add3A_392 {offsets = [0, 0], sizes = [16, 1024], strides = [1, 1]} : vector<128x1024xf32> to vector<16x1024xf32>
      %eq3A_2089 = arith.constant 1 : i32
      %eq3A_2090 = vector.broadcast %eq3A_2089 : i32 to vector<16x1xi32>
      %eq3A_2091 = arith.cmpi eq, %select_n3A_2087, %eq3A_2090 : vector<16x1xi32>
      %slice3A_2092 = vector.extract_strided_slice %add3A_392 {offsets = [16, 0], sizes = [16, 1024], strides = [1, 1]} : vector<128x1024xf32> to vector<16x1024xf32>
      %broadcast_in_dim3A_2093 = vector.shape_cast %eq3A_2091 : vector<16x1xi1> to vector<16x1xi1>
      %broadcast_in_dim3A_2094 = vector.broadcast %broadcast_in_dim3A_2093 : vector<16x1xi1> to vector<16x1024xi1>
      %select_n3A_2095 = arith.select %broadcast_in_dim3A_2094, %slice3A_2092, %slice3A_2088 : vector<16x1024xi1>, vector<16x1024xf32>
      %eq3A_2096 = arith.constant 2 : i32
      %eq3A_2097 = vector.broadcast %eq3A_2096 : i32 to vector<16x1xi32>
      %eq3A_2098 = arith.cmpi eq, %select_n3A_2087, %eq3A_2097 : vector<16x1xi32>
      %slice3A_2099 = vector.extract_strided_slice %add3A_392 {offsets = [32, 0], sizes = [16, 1024], strides = [1, 1]} : vector<128x1024xf32> to vector<16x1024xf32>
      %broadcast_in_dim3A_2100 = vector.shape_cast %eq3A_2098 : vector<16x1xi1> to vector<16x1xi1>
      %broadcast_in_dim3A_2101 = vector.broadcast %broadcast_in_dim3A_2100 : vector<16x1xi1> to vector<16x1024xi1>
      %select_n3A_2102 = arith.select %broadcast_in_dim3A_2101, %slice3A_2099, %select_n3A_2095 : vector<16x1024xi1>, vector<16x1024xf32>
      %eq3A_2103 = arith.constant 3 : i32
      %eq3A_2104 = vector.broadcast %eq3A_2103 : i32 to vector<16x1xi32>
      %eq3A_2105 = arith.cmpi eq, %select_n3A_2087, %eq3A_2104 : vector<16x1xi32>
      %slice3A_2106 = vector.extract_strided_slice %add3A_392 {offsets = [48, 0], sizes = [16, 1024], strides = [1, 1]} : vector<128x1024xf32> to vector<16x1024xf32>
      %broadcast_in_dim3A_2107 = vector.shape_cast %eq3A_2105 : vector<16x1xi1> to vector<16x1xi1>
      %broadcast_in_dim3A_2108 = vector.broadcast %broadcast_in_dim3A_2107 : vector<16x1xi1> to vector<16x1024xi1>
      %select_n3A_2109 = arith.select %broadcast_in_dim3A_2108, %slice3A_2106, %select_n3A_2102 : vector<16x1024xi1>, vector<16x1024xf32>
      %eq3A_2110 = arith.constant 4 : i32
      %eq3A_2111 = vector.broadcast %eq3A_2110 : i32 to vector<16x1xi32>
      %eq3A_2112 = arith.cmpi eq, %select_n3A_2087, %eq3A_2111 : vector<16x1xi32>
      %slice3A_2113 = vector.extract_strided_slice %add3A_392 {offsets = [64, 0], sizes = [16, 1024], strides = [1, 1]} : vector<128x1024xf32> to vector<16x1024xf32>
      %broadcast_in_dim3A_2114 = vector.shape_cast %eq3A_2112 : vector<16x1xi1> to vector<16x1xi1>
      %broadcast_in_dim3A_2115 = vector.broadcast %broadcast_in_dim3A_2114 : vector<16x1xi1> to vector<16x1024xi1>
      %select_n3A_2116 = arith.select %broadcast_in_dim3A_2115, %slice3A_2113, %select_n3A_2109 : vector<16x1024xi1>, vector<16x1024xf32>
      %eq3A_2117 = arith.constant 5 : i32
      %eq3A_2118 = vector.broadcast %eq3A_2117 : i32 to vector<16x1xi32>
      %eq3A_2119 = arith.cmpi eq, %select_n3A_2087, %eq3A_2118 : vector<16x1xi32>
      %slice3A_2120 = vector.extract_strided_slice %add3A_392 {offsets = [80, 0], sizes = [16, 1024], strides = [1, 1]} : vector<128x1024xf32> to vector<16x1024xf32>
      %broadcast_in_dim3A_2121 = vector.shape_cast %eq3A_2119 : vector<16x1xi1> to vector<16x1xi1>
      %broadcast_in_dim3A_2122 = vector.broadcast %broadcast_in_dim3A_2121 : vector<16x1xi1> to vector<16x1024xi1>
      %select_n3A_2123 = arith.select %broadcast_in_dim3A_2122, %slice3A_2120, %select_n3A_2116 : vector<16x1024xi1>, vector<16x1024xf32>
      %eq3A_2124 = arith.constant 6 : i32
      %eq3A_2125 = vector.broadcast %eq3A_2124 : i32 to vector<16x1xi32>
      %eq3A_2126 = arith.cmpi eq, %select_n3A_2087, %eq3A_2125 : vector<16x1xi32>
      %slice3A_2127 = vector.extract_strided_slice %add3A_392 {offsets = [96, 0], sizes = [16, 1024], strides = [1, 1]} : vector<128x1024xf32> to vector<16x1024xf32>
      %broadcast_in_dim3A_2128 = vector.shape_cast %eq3A_2126 : vector<16x1xi1> to vector<16x1xi1>
      %broadcast_in_dim3A_2129 = vector.broadcast %broadcast_in_dim3A_2128 : vector<16x1xi1> to vector<16x1024xi1>
      %select_n3A_2130 = arith.select %broadcast_in_dim3A_2129, %slice3A_2127, %select_n3A_2123 : vector<16x1024xi1>, vector<16x1024xf32>
      %eq3A_2131 = arith.constant 7 : i32
      %eq3A_2132 = vector.broadcast %eq3A_2131 : i32 to vector<16x1xi32>
      %eq3A_2133 = arith.cmpi eq, %select_n3A_2087, %eq3A_2132 : vector<16x1xi32>
      %slice3A_2134 = vector.extract_strided_slice %add3A_392 {offsets = [112, 0], sizes = [16, 1024], strides = [1, 1]} : vector<128x1024xf32> to vector<16x1024xf32>
      %broadcast_in_dim3A_2135 = vector.shape_cast %eq3A_2133 : vector<16x1xi1> to vector<16x1xi1>
      %broadcast_in_dim3A_2136 = vector.broadcast %broadcast_in_dim3A_2135 : vector<16x1xi1> to vector<16x1024xi1>
      %select_n3A_2137 = arith.select %broadcast_in_dim3A_2136, %slice3A_2134, %select_n3A_2130 : vector<16x1024xi1>, vector<16x1024xf32>
      %jit3A_2138 = arith.constant 4096 : i32
      %div3A_2139 = vector.broadcast %jit3A_2138 : i32 to vector<16x1xi32>
      %div3A_2140 = arith.divsi %min3A_1241, %div3A_2139 : vector<16x1xi32>
      %sign3A_2141 = arith.constant 0 : i32
      %sign3A_2142 = vector.broadcast %sign3A_2141 : i32 to vector<16x1xi32>
      %sign3A_2143 = arith.cmpi sgt, %min3A_1241, %sign3A_2142 : vector<16x1xi32>
      %sign3A_2144 = arith.extui %sign3A_2143 : vector<16x1xi1> to vector<16x1xi32>
      %sign3A_2145 = arith.constant 0 : i32
      %sign3A_2146 = vector.broadcast %sign3A_2145 : i32 to vector<16x1xi32>
      %sign3A_2147 = arith.cmpi slt, %min3A_1241, %sign3A_2146 : vector<16x1xi32>
      %sign3A_2148 = arith.extui %sign3A_2147 : vector<16x1xi1> to vector<16x1xi32>
      %sign3A_2149 = arith.subi %sign3A_2144, %sign3A_2148 : vector<16x1xi32>
      %sign3A_2150 = arith.constant 0 : i32
      %sign3A_2151 = arith.cmpi sgt, %jit3A_2138, %sign3A_2150 : i32
      %sign3A_2152 = arith.extui %sign3A_2151 : i1 to i32
      %sign3A_2153 = arith.constant 0 : i32
      %sign3A_2154 = arith.cmpi slt, %jit3A_2138, %sign3A_2153 : i32
      %sign3A_2155 = arith.extui %sign3A_2154 : i1 to i32
      %sign3A_2156 = arith.subi %sign3A_2152, %sign3A_2155 : i32
      %ne3A_2157 = vector.broadcast %sign3A_2156 : i32 to vector<16x1xi32>
      %ne3A_2158 = arith.cmpi ne, %sign3A_2149, %ne3A_2157 : vector<16x1xi32>
      %rem3A_2159 = vector.broadcast %jit3A_2138 : i32 to vector<16x1xi32>
      %rem3A_2160 = arith.remsi %min3A_1241, %rem3A_2159 : vector<16x1xi32>
      %ne3A_2161 = arith.constant 0 : i32
      %ne3A_2162 = vector.broadcast %ne3A_2161 : i32 to vector<16x1xi32>
      %ne3A_2163 = arith.cmpi ne, %rem3A_2160, %ne3A_2162 : vector<16x1xi32>
      %and3A_2164 = arith.andi %ne3A_2158, %ne3A_2163 : vector<16x1xi1>
      %sub3A_2165 = arith.constant 1 : i32
      %sub3A_2166 = vector.broadcast %sub3A_2165 : i32 to vector<16x1xi32>
      %sub3A_2167 = arith.subi %div3A_2140, %sub3A_2166 : vector<16x1xi32>
      %select_n3A_2168 = arith.select %and3A_2164, %sub3A_2167, %div3A_2140 : vector<16x1xi1>, vector<16x1xi32>
      %slice3A_2169 = vector.extract_strided_slice %add3A_392 {offsets = [0, 0], sizes = [16, 1024], strides = [1, 1]} : vector<128x1024xf32> to vector<16x1024xf32>
      %eq3A_2170 = arith.constant 1 : i32
      %eq3A_2171 = vector.broadcast %eq3A_2170 : i32 to vector<16x1xi32>
      %eq3A_2172 = arith.cmpi eq, %select_n3A_2168, %eq3A_2171 : vector<16x1xi32>
      %slice3A_2173 = vector.extract_strided_slice %add3A_392 {offsets = [16, 0], sizes = [16, 1024], strides = [1, 1]} : vector<128x1024xf32> to vector<16x1024xf32>
      %broadcast_in_dim3A_2174 = vector.shape_cast %eq3A_2172 : vector<16x1xi1> to vector<16x1xi1>
      %broadcast_in_dim3A_2175 = vector.broadcast %broadcast_in_dim3A_2174 : vector<16x1xi1> to vector<16x1024xi1>
      %select_n3A_2176 = arith.select %broadcast_in_dim3A_2175, %slice3A_2173, %slice3A_2169 : vector<16x1024xi1>, vector<16x1024xf32>
      %eq3A_2177 = arith.constant 2 : i32
      %eq3A_2178 = vector.broadcast %eq3A_2177 : i32 to vector<16x1xi32>
      %eq3A_2179 = arith.cmpi eq, %select_n3A_2168, %eq3A_2178 : vector<16x1xi32>
      %slice3A_2180 = vector.extract_strided_slice %add3A_392 {offsets = [32, 0], sizes = [16, 1024], strides = [1, 1]} : vector<128x1024xf32> to vector<16x1024xf32>
      %broadcast_in_dim3A_2181 = vector.shape_cast %eq3A_2179 : vector<16x1xi1> to vector<16x1xi1>
      %broadcast_in_dim3A_2182 = vector.broadcast %broadcast_in_dim3A_2181 : vector<16x1xi1> to vector<16x1024xi1>
      %select_n3A_2183 = arith.select %broadcast_in_dim3A_2182, %slice3A_2180, %select_n3A_2176 : vector<16x1024xi1>, vector<16x1024xf32>
      %eq3A_2184 = arith.constant 3 : i32
      %eq3A_2185 = vector.broadcast %eq3A_2184 : i32 to vector<16x1xi32>
      %eq3A_2186 = arith.cmpi eq, %select_n3A_2168, %eq3A_2185 : vector<16x1xi32>
      %slice3A_2187 = vector.extract_strided_slice %add3A_392 {offsets = [48, 0], sizes = [16, 1024], strides = [1, 1]} : vector<128x1024xf32> to vector<16x1024xf32>
      %broadcast_in_dim3A_2188 = vector.shape_cast %eq3A_2186 : vector<16x1xi1> to vector<16x1xi1>
      %broadcast_in_dim3A_2189 = vector.broadcast %broadcast_in_dim3A_2188 : vector<16x1xi1> to vector<16x1024xi1>
      %select_n3A_2190 = arith.select %broadcast_in_dim3A_2189, %slice3A_2187, %select_n3A_2183 : vector<16x1024xi1>, vector<16x1024xf32>
      %eq3A_2191 = arith.constant 4 : i32
      %eq3A_2192 = vector.broadcast %eq3A_2191 : i32 to vector<16x1xi32>
      %eq3A_2193 = arith.cmpi eq, %select_n3A_2168, %eq3A_2192 : vector<16x1xi32>
      %slice3A_2194 = vector.extract_strided_slice %add3A_392 {offsets = [64, 0], sizes = [16, 1024], strides = [1, 1]} : vector<128x1024xf32> to vector<16x1024xf32>
      %broadcast_in_dim3A_2195 = vector.shape_cast %eq3A_2193 : vector<16x1xi1> to vector<16x1xi1>
      %broadcast_in_dim3A_2196 = vector.broadcast %broadcast_in_dim3A_2195 : vector<16x1xi1> to vector<16x1024xi1>
      %select_n3A_2197 = arith.select %broadcast_in_dim3A_2196, %slice3A_2194, %select_n3A_2190 : vector<16x1024xi1>, vector<16x1024xf32>
      %eq3A_2198 = arith.constant 5 : i32
      %eq3A_2199 = vector.broadcast %eq3A_2198 : i32 to vector<16x1xi32>
      %eq3A_2200 = arith.cmpi eq, %select_n3A_2168, %eq3A_2199 : vector<16x1xi32>
      %slice3A_2201 = vector.extract_strided_slice %add3A_392 {offsets = [80, 0], sizes = [16, 1024], strides = [1, 1]} : vector<128x1024xf32> to vector<16x1024xf32>
      %broadcast_in_dim3A_2202 = vector.shape_cast %eq3A_2200 : vector<16x1xi1> to vector<16x1xi1>
      %broadcast_in_dim3A_2203 = vector.broadcast %broadcast_in_dim3A_2202 : vector<16x1xi1> to vector<16x1024xi1>
      %select_n3A_2204 = arith.select %broadcast_in_dim3A_2203, %slice3A_2201, %select_n3A_2197 : vector<16x1024xi1>, vector<16x1024xf32>
      %eq3A_2205 = arith.constant 6 : i32
      %eq3A_2206 = vector.broadcast %eq3A_2205 : i32 to vector<16x1xi32>
      %eq3A_2207 = arith.cmpi eq, %select_n3A_2168, %eq3A_2206 : vector<16x1xi32>
      %slice3A_2208 = vector.extract_strided_slice %add3A_392 {offsets = [96, 0], sizes = [16, 1024], strides = [1, 1]} : vector<128x1024xf32> to vector<16x1024xf32>
      %broadcast_in_dim3A_2209 = vector.shape_cast %eq3A_2207 : vector<16x1xi1> to vector<16x1xi1>
      %broadcast_in_dim3A_2210 = vector.broadcast %broadcast_in_dim3A_2209 : vector<16x1xi1> to vector<16x1024xi1>
      %select_n3A_2211 = arith.select %broadcast_in_dim3A_2210, %slice3A_2208, %select_n3A_2204 : vector<16x1024xi1>, vector<16x1024xf32>
      %eq3A_2212 = arith.constant 7 : i32
      %eq3A_2213 = vector.broadcast %eq3A_2212 : i32 to vector<16x1xi32>
      %eq3A_2214 = arith.cmpi eq, %select_n3A_2168, %eq3A_2213 : vector<16x1xi32>
      %slice3A_2215 = vector.extract_strided_slice %add3A_392 {offsets = [112, 0], sizes = [16, 1024], strides = [1, 1]} : vector<128x1024xf32> to vector<16x1024xf32>
      %broadcast_in_dim3A_2216 = vector.shape_cast %eq3A_2214 : vector<16x1xi1> to vector<16x1xi1>
      %broadcast_in_dim3A_2217 = vector.broadcast %broadcast_in_dim3A_2216 : vector<16x1xi1> to vector<16x1024xi1>
      %select_n3A_2218 = arith.select %broadcast_in_dim3A_2217, %slice3A_2215, %select_n3A_2211 : vector<16x1024xi1>, vector<16x1024xf32>
      %jit3A_2219 = arith.constant 4096 : i32
      %div3A_2220 = vector.broadcast %jit3A_2219 : i32 to vector<16x1xi32>
      %div3A_2221 = arith.divsi %min3A_1410, %div3A_2220 : vector<16x1xi32>
      %sign3A_2222 = arith.constant 0 : i32
      %sign3A_2223 = vector.broadcast %sign3A_2222 : i32 to vector<16x1xi32>
      %sign3A_2224 = arith.cmpi sgt, %min3A_1410, %sign3A_2223 : vector<16x1xi32>
      %sign3A_2225 = arith.extui %sign3A_2224 : vector<16x1xi1> to vector<16x1xi32>
      %sign3A_2226 = arith.constant 0 : i32
      %sign3A_2227 = vector.broadcast %sign3A_2226 : i32 to vector<16x1xi32>
      %sign3A_2228 = arith.cmpi slt, %min3A_1410, %sign3A_2227 : vector<16x1xi32>
      %sign3A_2229 = arith.extui %sign3A_2228 : vector<16x1xi1> to vector<16x1xi32>
      %sign3A_2230 = arith.subi %sign3A_2225, %sign3A_2229 : vector<16x1xi32>
      %sign3A_2231 = arith.constant 0 : i32
      %sign3A_2232 = arith.cmpi sgt, %jit3A_2219, %sign3A_2231 : i32
      %sign3A_2233 = arith.extui %sign3A_2232 : i1 to i32
      %sign3A_2234 = arith.constant 0 : i32
      %sign3A_2235 = arith.cmpi slt, %jit3A_2219, %sign3A_2234 : i32
      %sign3A_2236 = arith.extui %sign3A_2235 : i1 to i32
      %sign3A_2237 = arith.subi %sign3A_2233, %sign3A_2236 : i32
      %ne3A_2238 = vector.broadcast %sign3A_2237 : i32 to vector<16x1xi32>
      %ne3A_2239 = arith.cmpi ne, %sign3A_2230, %ne3A_2238 : vector<16x1xi32>
      %rem3A_2240 = vector.broadcast %jit3A_2219 : i32 to vector<16x1xi32>
      %rem3A_2241 = arith.remsi %min3A_1410, %rem3A_2240 : vector<16x1xi32>
      %ne3A_2242 = arith.constant 0 : i32
      %ne3A_2243 = vector.broadcast %ne3A_2242 : i32 to vector<16x1xi32>
      %ne3A_2244 = arith.cmpi ne, %rem3A_2241, %ne3A_2243 : vector<16x1xi32>
      %and3A_2245 = arith.andi %ne3A_2239, %ne3A_2244 : vector<16x1xi1>
      %sub3A_2246 = arith.constant 1 : i32
      %sub3A_2247 = vector.broadcast %sub3A_2246 : i32 to vector<16x1xi32>
      %sub3A_2248 = arith.subi %div3A_2221, %sub3A_2247 : vector<16x1xi32>
      %select_n3A_2249 = arith.select %and3A_2245, %sub3A_2248, %div3A_2221 : vector<16x1xi1>, vector<16x1xi32>
      %slice3A_2250 = vector.extract_strided_slice %add3A_392 {offsets = [0, 0], sizes = [16, 1024], strides = [1, 1]} : vector<128x1024xf32> to vector<16x1024xf32>
      %eq3A_2251 = arith.constant 1 : i32
      %eq3A_2252 = vector.broadcast %eq3A_2251 : i32 to vector<16x1xi32>
      %eq3A_2253 = arith.cmpi eq, %select_n3A_2249, %eq3A_2252 : vector<16x1xi32>
      %slice3A_2254 = vector.extract_strided_slice %add3A_392 {offsets = [16, 0], sizes = [16, 1024], strides = [1, 1]} : vector<128x1024xf32> to vector<16x1024xf32>
      %broadcast_in_dim3A_2255 = vector.shape_cast %eq3A_2253 : vector<16x1xi1> to vector<16x1xi1>
      %broadcast_in_dim3A_2256 = vector.broadcast %broadcast_in_dim3A_2255 : vector<16x1xi1> to vector<16x1024xi1>
      %select_n3A_2257 = arith.select %broadcast_in_dim3A_2256, %slice3A_2254, %slice3A_2250 : vector<16x1024xi1>, vector<16x1024xf32>
      %eq3A_2258 = arith.constant 2 : i32
      %eq3A_2259 = vector.broadcast %eq3A_2258 : i32 to vector<16x1xi32>
      %eq3A_2260 = arith.cmpi eq, %select_n3A_2249, %eq3A_2259 : vector<16x1xi32>
      %slice3A_2261 = vector.extract_strided_slice %add3A_392 {offsets = [32, 0], sizes = [16, 1024], strides = [1, 1]} : vector<128x1024xf32> to vector<16x1024xf32>
      %broadcast_in_dim3A_2262 = vector.shape_cast %eq3A_2260 : vector<16x1xi1> to vector<16x1xi1>
      %broadcast_in_dim3A_2263 = vector.broadcast %broadcast_in_dim3A_2262 : vector<16x1xi1> to vector<16x1024xi1>
      %select_n3A_2264 = arith.select %broadcast_in_dim3A_2263, %slice3A_2261, %select_n3A_2257 : vector<16x1024xi1>, vector<16x1024xf32>
      %eq3A_2265 = arith.constant 3 : i32
      %eq3A_2266 = vector.broadcast %eq3A_2265 : i32 to vector<16x1xi32>
      %eq3A_2267 = arith.cmpi eq, %select_n3A_2249, %eq3A_2266 : vector<16x1xi32>
      %slice3A_2268 = vector.extract_strided_slice %add3A_392 {offsets = [48, 0], sizes = [16, 1024], strides = [1, 1]} : vector<128x1024xf32> to vector<16x1024xf32>
      %broadcast_in_dim3A_2269 = vector.shape_cast %eq3A_2267 : vector<16x1xi1> to vector<16x1xi1>
      %broadcast_in_dim3A_2270 = vector.broadcast %broadcast_in_dim3A_2269 : vector<16x1xi1> to vector<16x1024xi1>
      %select_n3A_2271 = arith.select %broadcast_in_dim3A_2270, %slice3A_2268, %select_n3A_2264 : vector<16x1024xi1>, vector<16x1024xf32>
      %eq3A_2272 = arith.constant 4 : i32
      %eq3A_2273 = vector.broadcast %eq3A_2272 : i32 to vector<16x1xi32>
      %eq3A_2274 = arith.cmpi eq, %select_n3A_2249, %eq3A_2273 : vector<16x1xi32>
      %slice3A_2275 = vector.extract_strided_slice %add3A_392 {offsets = [64, 0], sizes = [16, 1024], strides = [1, 1]} : vector<128x1024xf32> to vector<16x1024xf32>
      %broadcast_in_dim3A_2276 = vector.shape_cast %eq3A_2274 : vector<16x1xi1> to vector<16x1xi1>
      %broadcast_in_dim3A_2277 = vector.broadcast %broadcast_in_dim3A_2276 : vector<16x1xi1> to vector<16x1024xi1>
      %select_n3A_2278 = arith.select %broadcast_in_dim3A_2277, %slice3A_2275, %select_n3A_2271 : vector<16x1024xi1>, vector<16x1024xf32>
      %eq3A_2279 = arith.constant 5 : i32
      %eq3A_2280 = vector.broadcast %eq3A_2279 : i32 to vector<16x1xi32>
      %eq3A_2281 = arith.cmpi eq, %select_n3A_2249, %eq3A_2280 : vector<16x1xi32>
      %slice3A_2282 = vector.extract_strided_slice %add3A_392 {offsets = [80, 0], sizes = [16, 1024], strides = [1, 1]} : vector<128x1024xf32> to vector<16x1024xf32>
      %broadcast_in_dim3A_2283 = vector.shape_cast %eq3A_2281 : vector<16x1xi1> to vector<16x1xi1>
      %broadcast_in_dim3A_2284 = vector.broadcast %broadcast_in_dim3A_2283 : vector<16x1xi1> to vector<16x1024xi1>
      %select_n3A_2285 = arith.select %broadcast_in_dim3A_2284, %slice3A_2282, %select_n3A_2278 : vector<16x1024xi1>, vector<16x1024xf32>
      %eq3A_2286 = arith.constant 6 : i32
      %eq3A_2287 = vector.broadcast %eq3A_2286 : i32 to vector<16x1xi32>
      %eq3A_2288 = arith.cmpi eq, %select_n3A_2249, %eq3A_2287 : vector<16x1xi32>
      %slice3A_2289 = vector.extract_strided_slice %add3A_392 {offsets = [96, 0], sizes = [16, 1024], strides = [1, 1]} : vector<128x1024xf32> to vector<16x1024xf32>
      %broadcast_in_dim3A_2290 = vector.shape_cast %eq3A_2288 : vector<16x1xi1> to vector<16x1xi1>
      %broadcast_in_dim3A_2291 = vector.broadcast %broadcast_in_dim3A_2290 : vector<16x1xi1> to vector<16x1024xi1>
      %select_n3A_2292 = arith.select %broadcast_in_dim3A_2291, %slice3A_2289, %select_n3A_2285 : vector<16x1024xi1>, vector<16x1024xf32>
      %eq3A_2293 = arith.constant 7 : i32
      %eq3A_2294 = vector.broadcast %eq3A_2293 : i32 to vector<16x1xi32>
      %eq3A_2295 = arith.cmpi eq, %select_n3A_2249, %eq3A_2294 : vector<16x1xi32>
      %slice3A_2296 = vector.extract_strided_slice %add3A_392 {offsets = [112, 0], sizes = [16, 1024], strides = [1, 1]} : vector<128x1024xf32> to vector<16x1024xf32>
      %broadcast_in_dim3A_2297 = vector.shape_cast %eq3A_2295 : vector<16x1xi1> to vector<16x1xi1>
      %broadcast_in_dim3A_2298 = vector.broadcast %broadcast_in_dim3A_2297 : vector<16x1xi1> to vector<16x1024xi1>
      %select_n3A_2299 = arith.select %broadcast_in_dim3A_2298, %slice3A_2296, %select_n3A_2292 : vector<16x1024xi1>, vector<16x1024xf32>
      %jit3A_2300 = arith.constant 4096 : i32
      %div3A_2301 = vector.broadcast %jit3A_2300 : i32 to vector<16x1xi32>
      %div3A_2302 = arith.divsi %min3A_1579, %div3A_2301 : vector<16x1xi32>
      %sign3A_2303 = arith.constant 0 : i32
      %sign3A_2304 = vector.broadcast %sign3A_2303 : i32 to vector<16x1xi32>
      %sign3A_2305 = arith.cmpi sgt, %min3A_1579, %sign3A_2304 : vector<16x1xi32>
      %sign3A_2306 = arith.extui %sign3A_2305 : vector<16x1xi1> to vector<16x1xi32>
      %sign3A_2307 = arith.constant 0 : i32
      %sign3A_2308 = vector.broadcast %sign3A_2307 : i32 to vector<16x1xi32>
      %sign3A_2309 = arith.cmpi slt, %min3A_1579, %sign3A_2308 : vector<16x1xi32>
      %sign3A_2310 = arith.extui %sign3A_2309 : vector<16x1xi1> to vector<16x1xi32>
      %sign3A_2311 = arith.subi %sign3A_2306, %sign3A_2310 : vector<16x1xi32>
      %sign3A_2312 = arith.constant 0 : i32
      %sign3A_2313 = arith.cmpi sgt, %jit3A_2300, %sign3A_2312 : i32
      %sign3A_2314 = arith.extui %sign3A_2313 : i1 to i32
      %sign3A_2315 = arith.constant 0 : i32
      %sign3A_2316 = arith.cmpi slt, %jit3A_2300, %sign3A_2315 : i32
      %sign3A_2317 = arith.extui %sign3A_2316 : i1 to i32
      %sign3A_2318 = arith.subi %sign3A_2314, %sign3A_2317 : i32
      %ne3A_2319 = vector.broadcast %sign3A_2318 : i32 to vector<16x1xi32>
      %ne3A_2320 = arith.cmpi ne, %sign3A_2311, %ne3A_2319 : vector<16x1xi32>
      %rem3A_2321 = vector.broadcast %jit3A_2300 : i32 to vector<16x1xi32>
      %rem3A_2322 = arith.remsi %min3A_1579, %rem3A_2321 : vector<16x1xi32>
      %ne3A_2323 = arith.constant 0 : i32
      %ne3A_2324 = vector.broadcast %ne3A_2323 : i32 to vector<16x1xi32>
      %ne3A_2325 = arith.cmpi ne, %rem3A_2322, %ne3A_2324 : vector<16x1xi32>
      %and3A_2326 = arith.andi %ne3A_2320, %ne3A_2325 : vector<16x1xi1>
      %sub3A_2327 = arith.constant 1 : i32
      %sub3A_2328 = vector.broadcast %sub3A_2327 : i32 to vector<16x1xi32>
      %sub3A_2329 = arith.subi %div3A_2302, %sub3A_2328 : vector<16x1xi32>
      %select_n3A_2330 = arith.select %and3A_2326, %sub3A_2329, %div3A_2302 : vector<16x1xi1>, vector<16x1xi32>
      %slice3A_2331 = vector.extract_strided_slice %add3A_392 {offsets = [0, 0], sizes = [16, 1024], strides = [1, 1]} : vector<128x1024xf32> to vector<16x1024xf32>
      %eq3A_2332 = arith.constant 1 : i32
      %eq3A_2333 = vector.broadcast %eq3A_2332 : i32 to vector<16x1xi32>
      %eq3A_2334 = arith.cmpi eq, %select_n3A_2330, %eq3A_2333 : vector<16x1xi32>
      %slice3A_2335 = vector.extract_strided_slice %add3A_392 {offsets = [16, 0], sizes = [16, 1024], strides = [1, 1]} : vector<128x1024xf32> to vector<16x1024xf32>
      %broadcast_in_dim3A_2336 = vector.shape_cast %eq3A_2334 : vector<16x1xi1> to vector<16x1xi1>
      %broadcast_in_dim3A_2337 = vector.broadcast %broadcast_in_dim3A_2336 : vector<16x1xi1> to vector<16x1024xi1>
      %select_n3A_2338 = arith.select %broadcast_in_dim3A_2337, %slice3A_2335, %slice3A_2331 : vector<16x1024xi1>, vector<16x1024xf32>
      %eq3A_2339 = arith.constant 2 : i32
      %eq3A_2340 = vector.broadcast %eq3A_2339 : i32 to vector<16x1xi32>
      %eq3A_2341 = arith.cmpi eq, %select_n3A_2330, %eq3A_2340 : vector<16x1xi32>
      %slice3A_2342 = vector.extract_strided_slice %add3A_392 {offsets = [32, 0], sizes = [16, 1024], strides = [1, 1]} : vector<128x1024xf32> to vector<16x1024xf32>
      %broadcast_in_dim3A_2343 = vector.shape_cast %eq3A_2341 : vector<16x1xi1> to vector<16x1xi1>
      %broadcast_in_dim3A_2344 = vector.broadcast %broadcast_in_dim3A_2343 : vector<16x1xi1> to vector<16x1024xi1>
      %select_n3A_2345 = arith.select %broadcast_in_dim3A_2344, %slice3A_2342, %select_n3A_2338 : vector<16x1024xi1>, vector<16x1024xf32>
      %eq3A_2346 = arith.constant 3 : i32
      %eq3A_2347 = vector.broadcast %eq3A_2346 : i32 to vector<16x1xi32>
      %eq3A_2348 = arith.cmpi eq, %select_n3A_2330, %eq3A_2347 : vector<16x1xi32>
      %slice3A_2349 = vector.extract_strided_slice %add3A_392 {offsets = [48, 0], sizes = [16, 1024], strides = [1, 1]} : vector<128x1024xf32> to vector<16x1024xf32>
      %broadcast_in_dim3A_2350 = vector.shape_cast %eq3A_2348 : vector<16x1xi1> to vector<16x1xi1>
      %broadcast_in_dim3A_2351 = vector.broadcast %broadcast_in_dim3A_2350 : vector<16x1xi1> to vector<16x1024xi1>
      %select_n3A_2352 = arith.select %broadcast_in_dim3A_2351, %slice3A_2349, %select_n3A_2345 : vector<16x1024xi1>, vector<16x1024xf32>
      %eq3A_2353 = arith.constant 4 : i32
      %eq3A_2354 = vector.broadcast %eq3A_2353 : i32 to vector<16x1xi32>
      %eq3A_2355 = arith.cmpi eq, %select_n3A_2330, %eq3A_2354 : vector<16x1xi32>
      %slice3A_2356 = vector.extract_strided_slice %add3A_392 {offsets = [64, 0], sizes = [16, 1024], strides = [1, 1]} : vector<128x1024xf32> to vector<16x1024xf32>
      %broadcast_in_dim3A_2357 = vector.shape_cast %eq3A_2355 : vector<16x1xi1> to vector<16x1xi1>
      %broadcast_in_dim3A_2358 = vector.broadcast %broadcast_in_dim3A_2357 : vector<16x1xi1> to vector<16x1024xi1>
      %select_n3A_2359 = arith.select %broadcast_in_dim3A_2358, %slice3A_2356, %select_n3A_2352 : vector<16x1024xi1>, vector<16x1024xf32>
      %eq3A_2360 = arith.constant 5 : i32
      %eq3A_2361 = vector.broadcast %eq3A_2360 : i32 to vector<16x1xi32>
      %eq3A_2362 = arith.cmpi eq, %select_n3A_2330, %eq3A_2361 : vector<16x1xi32>
      %slice3A_2363 = vector.extract_strided_slice %add3A_392 {offsets = [80, 0], sizes = [16, 1024], strides = [1, 1]} : vector<128x1024xf32> to vector<16x1024xf32>
      %broadcast_in_dim3A_2364 = vector.shape_cast %eq3A_2362 : vector<16x1xi1> to vector<16x1xi1>
      %broadcast_in_dim3A_2365 = vector.broadcast %broadcast_in_dim3A_2364 : vector<16x1xi1> to vector<16x1024xi1>
      %select_n3A_2366 = arith.select %broadcast_in_dim3A_2365, %slice3A_2363, %select_n3A_2359 : vector<16x1024xi1>, vector<16x1024xf32>
      %eq3A_2367 = arith.constant 6 : i32
      %eq3A_2368 = vector.broadcast %eq3A_2367 : i32 to vector<16x1xi32>
      %eq3A_2369 = arith.cmpi eq, %select_n3A_2330, %eq3A_2368 : vector<16x1xi32>
      %slice3A_2370 = vector.extract_strided_slice %add3A_392 {offsets = [96, 0], sizes = [16, 1024], strides = [1, 1]} : vector<128x1024xf32> to vector<16x1024xf32>
      %broadcast_in_dim3A_2371 = vector.shape_cast %eq3A_2369 : vector<16x1xi1> to vector<16x1xi1>
      %broadcast_in_dim3A_2372 = vector.broadcast %broadcast_in_dim3A_2371 : vector<16x1xi1> to vector<16x1024xi1>
      %select_n3A_2373 = arith.select %broadcast_in_dim3A_2372, %slice3A_2370, %select_n3A_2366 : vector<16x1024xi1>, vector<16x1024xf32>
      %eq3A_2374 = arith.constant 7 : i32
      %eq3A_2375 = vector.broadcast %eq3A_2374 : i32 to vector<16x1xi32>
      %eq3A_2376 = arith.cmpi eq, %select_n3A_2330, %eq3A_2375 : vector<16x1xi32>
      %slice3A_2377 = vector.extract_strided_slice %add3A_392 {offsets = [112, 0], sizes = [16, 1024], strides = [1, 1]} : vector<128x1024xf32> to vector<16x1024xf32>
      %broadcast_in_dim3A_2378 = vector.shape_cast %eq3A_2376 : vector<16x1xi1> to vector<16x1xi1>
      %broadcast_in_dim3A_2379 = vector.broadcast %broadcast_in_dim3A_2378 : vector<16x1xi1> to vector<16x1024xi1>
      %select_n3A_2380 = arith.select %broadcast_in_dim3A_2379, %slice3A_2377, %select_n3A_2373 : vector<16x1024xi1>, vector<16x1024xf32>
      %jit3A_2381 = arith.constant 4096 : i32
      %div3A_2382 = vector.broadcast %jit3A_2381 : i32 to vector<16x1xi32>
      %div3A_2383 = arith.divsi %min3A_1748, %div3A_2382 : vector<16x1xi32>
      %sign3A_2384 = arith.constant 0 : i32
      %sign3A_2385 = vector.broadcast %sign3A_2384 : i32 to vector<16x1xi32>
      %sign3A_2386 = arith.cmpi sgt, %min3A_1748, %sign3A_2385 : vector<16x1xi32>
      %sign3A_2387 = arith.extui %sign3A_2386 : vector<16x1xi1> to vector<16x1xi32>
      %sign3A_2388 = arith.constant 0 : i32
      %sign3A_2389 = vector.broadcast %sign3A_2388 : i32 to vector<16x1xi32>
      %sign3A_2390 = arith.cmpi slt, %min3A_1748, %sign3A_2389 : vector<16x1xi32>
      %sign3A_2391 = arith.extui %sign3A_2390 : vector<16x1xi1> to vector<16x1xi32>
      %sign3A_2392 = arith.subi %sign3A_2387, %sign3A_2391 : vector<16x1xi32>
      %sign3A_2393 = arith.constant 0 : i32
      %sign3A_2394 = arith.cmpi sgt, %jit3A_2381, %sign3A_2393 : i32
      %sign3A_2395 = arith.extui %sign3A_2394 : i1 to i32
      %sign3A_2396 = arith.constant 0 : i32
      %sign3A_2397 = arith.cmpi slt, %jit3A_2381, %sign3A_2396 : i32
      %sign3A_2398 = arith.extui %sign3A_2397 : i1 to i32
      %sign3A_2399 = arith.subi %sign3A_2395, %sign3A_2398 : i32
      %ne3A_2400 = vector.broadcast %sign3A_2399 : i32 to vector<16x1xi32>
      %ne3A_2401 = arith.cmpi ne, %sign3A_2392, %ne3A_2400 : vector<16x1xi32>
      %rem3A_2402 = vector.broadcast %jit3A_2381 : i32 to vector<16x1xi32>
      %rem3A_2403 = arith.remsi %min3A_1748, %rem3A_2402 : vector<16x1xi32>
      %ne3A_2404 = arith.constant 0 : i32
      %ne3A_2405 = vector.broadcast %ne3A_2404 : i32 to vector<16x1xi32>
      %ne3A_2406 = arith.cmpi ne, %rem3A_2403, %ne3A_2405 : vector<16x1xi32>
      %and3A_2407 = arith.andi %ne3A_2401, %ne3A_2406 : vector<16x1xi1>
      %sub3A_2408 = arith.constant 1 : i32
      %sub3A_2409 = vector.broadcast %sub3A_2408 : i32 to vector<16x1xi32>
      %sub3A_2410 = arith.subi %div3A_2383, %sub3A_2409 : vector<16x1xi32>
      %select_n3A_2411 = arith.select %and3A_2407, %sub3A_2410, %div3A_2383 : vector<16x1xi1>, vector<16x1xi32>
      %slice3A_2412 = vector.extract_strided_slice %add3A_392 {offsets = [0, 0], sizes = [16, 1024], strides = [1, 1]} : vector<128x1024xf32> to vector<16x1024xf32>
      %eq3A_2413 = arith.constant 1 : i32
      %eq3A_2414 = vector.broadcast %eq3A_2413 : i32 to vector<16x1xi32>
      %eq3A_2415 = arith.cmpi eq, %select_n3A_2411, %eq3A_2414 : vector<16x1xi32>
      %slice3A_2416 = vector.extract_strided_slice %add3A_392 {offsets = [16, 0], sizes = [16, 1024], strides = [1, 1]} : vector<128x1024xf32> to vector<16x1024xf32>
      %broadcast_in_dim3A_2417 = vector.shape_cast %eq3A_2415 : vector<16x1xi1> to vector<16x1xi1>
      %broadcast_in_dim3A_2418 = vector.broadcast %broadcast_in_dim3A_2417 : vector<16x1xi1> to vector<16x1024xi1>
      %select_n3A_2419 = arith.select %broadcast_in_dim3A_2418, %slice3A_2416, %slice3A_2412 : vector<16x1024xi1>, vector<16x1024xf32>
      %eq3A_2420 = arith.constant 2 : i32
      %eq3A_2421 = vector.broadcast %eq3A_2420 : i32 to vector<16x1xi32>
      %eq3A_2422 = arith.cmpi eq, %select_n3A_2411, %eq3A_2421 : vector<16x1xi32>
      %slice3A_2423 = vector.extract_strided_slice %add3A_392 {offsets = [32, 0], sizes = [16, 1024], strides = [1, 1]} : vector<128x1024xf32> to vector<16x1024xf32>
      %broadcast_in_dim3A_2424 = vector.shape_cast %eq3A_2422 : vector<16x1xi1> to vector<16x1xi1>
      %broadcast_in_dim3A_2425 = vector.broadcast %broadcast_in_dim3A_2424 : vector<16x1xi1> to vector<16x1024xi1>
      %select_n3A_2426 = arith.select %broadcast_in_dim3A_2425, %slice3A_2423, %select_n3A_2419 : vector<16x1024xi1>, vector<16x1024xf32>
      %eq3A_2427 = arith.constant 3 : i32
      %eq3A_2428 = vector.broadcast %eq3A_2427 : i32 to vector<16x1xi32>
      %eq3A_2429 = arith.cmpi eq, %select_n3A_2411, %eq3A_2428 : vector<16x1xi32>
      %slice3A_2430 = vector.extract_strided_slice %add3A_392 {offsets = [48, 0], sizes = [16, 1024], strides = [1, 1]} : vector<128x1024xf32> to vector<16x1024xf32>
      %broadcast_in_dim3A_2431 = vector.shape_cast %eq3A_2429 : vector<16x1xi1> to vector<16x1xi1>
      %broadcast_in_dim3A_2432 = vector.broadcast %broadcast_in_dim3A_2431 : vector<16x1xi1> to vector<16x1024xi1>
      %select_n3A_2433 = arith.select %broadcast_in_dim3A_2432, %slice3A_2430, %select_n3A_2426 : vector<16x1024xi1>, vector<16x1024xf32>
      %eq3A_2434 = arith.constant 4 : i32
      %eq3A_2435 = vector.broadcast %eq3A_2434 : i32 to vector<16x1xi32>
      %eq3A_2436 = arith.cmpi eq, %select_n3A_2411, %eq3A_2435 : vector<16x1xi32>
      %slice3A_2437 = vector.extract_strided_slice %add3A_392 {offsets = [64, 0], sizes = [16, 1024], strides = [1, 1]} : vector<128x1024xf32> to vector<16x1024xf32>
      %broadcast_in_dim3A_2438 = vector.shape_cast %eq3A_2436 : vector<16x1xi1> to vector<16x1xi1>
      %broadcast_in_dim3A_2439 = vector.broadcast %broadcast_in_dim3A_2438 : vector<16x1xi1> to vector<16x1024xi1>
      %select_n3A_2440 = arith.select %broadcast_in_dim3A_2439, %slice3A_2437, %select_n3A_2433 : vector<16x1024xi1>, vector<16x1024xf32>
      %eq3A_2441 = arith.constant 5 : i32
      %eq3A_2442 = vector.broadcast %eq3A_2441 : i32 to vector<16x1xi32>
      %eq3A_2443 = arith.cmpi eq, %select_n3A_2411, %eq3A_2442 : vector<16x1xi32>
      %slice3A_2444 = vector.extract_strided_slice %add3A_392 {offsets = [80, 0], sizes = [16, 1024], strides = [1, 1]} : vector<128x1024xf32> to vector<16x1024xf32>
      %broadcast_in_dim3A_2445 = vector.shape_cast %eq3A_2443 : vector<16x1xi1> to vector<16x1xi1>
      %broadcast_in_dim3A_2446 = vector.broadcast %broadcast_in_dim3A_2445 : vector<16x1xi1> to vector<16x1024xi1>
      %select_n3A_2447 = arith.select %broadcast_in_dim3A_2446, %slice3A_2444, %select_n3A_2440 : vector<16x1024xi1>, vector<16x1024xf32>
      %eq3A_2448 = arith.constant 6 : i32
      %eq3A_2449 = vector.broadcast %eq3A_2448 : i32 to vector<16x1xi32>
      %eq3A_2450 = arith.cmpi eq, %select_n3A_2411, %eq3A_2449 : vector<16x1xi32>
      %slice3A_2451 = vector.extract_strided_slice %add3A_392 {offsets = [96, 0], sizes = [16, 1024], strides = [1, 1]} : vector<128x1024xf32> to vector<16x1024xf32>
      %broadcast_in_dim3A_2452 = vector.shape_cast %eq3A_2450 : vector<16x1xi1> to vector<16x1xi1>
      %broadcast_in_dim3A_2453 = vector.broadcast %broadcast_in_dim3A_2452 : vector<16x1xi1> to vector<16x1024xi1>
      %select_n3A_2454 = arith.select %broadcast_in_dim3A_2453, %slice3A_2451, %select_n3A_2447 : vector<16x1024xi1>, vector<16x1024xf32>
      %eq3A_2455 = arith.constant 7 : i32
      %eq3A_2456 = vector.broadcast %eq3A_2455 : i32 to vector<16x1xi32>
      %eq3A_2457 = arith.cmpi eq, %select_n3A_2411, %eq3A_2456 : vector<16x1xi32>
      %slice3A_2458 = vector.extract_strided_slice %add3A_392 {offsets = [112, 0], sizes = [16, 1024], strides = [1, 1]} : vector<128x1024xf32> to vector<16x1024xf32>
      %broadcast_in_dim3A_2459 = vector.shape_cast %eq3A_2457 : vector<16x1xi1> to vector<16x1xi1>
      %broadcast_in_dim3A_2460 = vector.broadcast %broadcast_in_dim3A_2459 : vector<16x1xi1> to vector<16x1024xi1>
      %select_n3A_2461 = arith.select %broadcast_in_dim3A_2460, %slice3A_2458, %select_n3A_2454 : vector<16x1024xi1>, vector<16x1024xf32>
      %concatenate3A_2462 = tpu.concatenate %select_n3A_1894, %select_n3A_1975, %select_n3A_2056, %select_n3A_2137, %select_n3A_2218, %select_n3A_2299, %select_n3A_2380, %select_n3A_2461 in 0 : vector<16x1024xf32>, vector<16x1024xf32>, vector<16x1024xf32>, vector<16x1024xf32>, vector<16x1024xf32>, vector<16x1024xf32>, vector<16x1024xf32>, vector<16x1024xf32> -> vector<128x1024xf32>
      scf.yield %select_n3A_1772, %concatenate3A_2462, %concatenate3A_1749 : vector<128x1xi32>, vector<128x1024xf32>, vector<128x1xf32>
    }
    %scan3A_144 = arith.constant 8 : i32
    %slice3A = vector.extract_strided_slice %scan3A_143#2 {offsets = [0, 0], sizes = [16, 1], strides = [1, 1]} : vector<128x1xf32> to vector<16x1xf32>
    %broadcast_in_dim3A_145 = arith.constant 0 : i32
    %broadcast_in_dim3A_146 = vector.broadcast %broadcast_in_dim3A_145 : i32 to vector<16x1xi32>
    %slice3A_147 = vector.extract_strided_slice %scan3A_143#2 {offsets = [16, 0], sizes = [16, 1], strides = [1, 1]} : vector<128x1xf32> to vector<16x1xf32>
    %gt3A = arith.cmpf ogt, %slice3A_147, %slice3A : vector<16x1xf32>
    %jit3A_148 = arith.constant 1 : i32
    %broadcast_in_dim3A_149 = vector.broadcast %jit3A_148 : i32 to vector<16x1xi32>
    %select_n3A_150 = arith.select %gt3A, %broadcast_in_dim3A_149, %broadcast_in_dim3A_146 : vector<16x1xi1>, vector<16x1xi32>
    %select_n3A_151 = arith.select %gt3A, %slice3A_147, %slice3A : vector<16x1xi1>, vector<16x1xf32>
    %slice3A_152 = vector.extract_strided_slice %scan3A_143#2 {offsets = [32, 0], sizes = [16, 1], strides = [1, 1]} : vector<128x1xf32> to vector<16x1xf32>
    %gt3A_153 = arith.cmpf ogt, %slice3A_152, %select_n3A_151 : vector<16x1xf32>
    %jit3A_154 = arith.constant 2 : i32
    %broadcast_in_dim3A_155 = vector.broadcast %jit3A_154 : i32 to vector<16x1xi32>
    %select_n3A_156 = arith.select %gt3A_153, %broadcast_in_dim3A_155, %select_n3A_150 : vector<16x1xi1>, vector<16x1xi32>
    %select_n3A_157 = arith.select %gt3A_153, %slice3A_152, %select_n3A_151 : vector<16x1xi1>, vector<16x1xf32>
    %slice3A_158 = vector.extract_strided_slice %scan3A_143#2 {offsets = [48, 0], sizes = [16, 1], strides = [1, 1]} : vector<128x1xf32> to vector<16x1xf32>
    %gt3A_159 = arith.cmpf ogt, %slice3A_158, %select_n3A_157 : vector<16x1xf32>
    %jit3A_160 = arith.constant 3 : i32
    %broadcast_in_dim3A_161 = vector.broadcast %jit3A_160 : i32 to vector<16x1xi32>
    %select_n3A_162 = arith.select %gt3A_159, %broadcast_in_dim3A_161, %select_n3A_156 : vector<16x1xi1>, vector<16x1xi32>
    %select_n3A_163 = arith.select %gt3A_159, %slice3A_158, %select_n3A_157 : vector<16x1xi1>, vector<16x1xf32>
    %slice3A_164 = vector.extract_strided_slice %scan3A_143#2 {offsets = [64, 0], sizes = [16, 1], strides = [1, 1]} : vector<128x1xf32> to vector<16x1xf32>
    %gt3A_165 = arith.cmpf ogt, %slice3A_164, %select_n3A_163 : vector<16x1xf32>
    %jit3A_166 = arith.constant 4 : i32
    %broadcast_in_dim3A_167 = vector.broadcast %jit3A_166 : i32 to vector<16x1xi32>
    %select_n3A_168 = arith.select %gt3A_165, %broadcast_in_dim3A_167, %select_n3A_162 : vector<16x1xi1>, vector<16x1xi32>
    %select_n3A_169 = arith.select %gt3A_165, %slice3A_164, %select_n3A_163 : vector<16x1xi1>, vector<16x1xf32>
    %slice3A_170 = vector.extract_strided_slice %scan3A_143#2 {offsets = [80, 0], sizes = [16, 1], strides = [1, 1]} : vector<128x1xf32> to vector<16x1xf32>
    %gt3A_171 = arith.cmpf ogt, %slice3A_170, %select_n3A_169 : vector<16x1xf32>
    %jit3A_172 = arith.constant 5 : i32
    %broadcast_in_dim3A_173 = vector.broadcast %jit3A_172 : i32 to vector<16x1xi32>
    %select_n3A_174 = arith.select %gt3A_171, %broadcast_in_dim3A_173, %select_n3A_168 : vector<16x1xi1>, vector<16x1xi32>
    %select_n3A_175 = arith.select %gt3A_171, %slice3A_170, %select_n3A_169 : vector<16x1xi1>, vector<16x1xf32>
    %slice3A_176 = vector.extract_strided_slice %scan3A_143#2 {offsets = [96, 0], sizes = [16, 1], strides = [1, 1]} : vector<128x1xf32> to vector<16x1xf32>
    %gt3A_177 = arith.cmpf ogt, %slice3A_176, %select_n3A_175 : vector<16x1xf32>
    %jit3A_178 = arith.constant 6 : i32
    %broadcast_in_dim3A_179 = vector.broadcast %jit3A_178 : i32 to vector<16x1xi32>
    %select_n3A_180 = arith.select %gt3A_177, %broadcast_in_dim3A_179, %select_n3A_174 : vector<16x1xi1>, vector<16x1xi32>
    %select_n3A_181 = arith.select %gt3A_177, %slice3A_176, %select_n3A_175 : vector<16x1xi1>, vector<16x1xf32>
    %slice3A_182 = vector.extract_strided_slice %scan3A_143#2 {offsets = [112, 0], sizes = [16, 1], strides = [1, 1]} : vector<128x1xf32> to vector<16x1xf32>
    %gt3A_183 = arith.cmpf ogt, %slice3A_182, %select_n3A_181 : vector<16x1xf32>
    %jit3A_184 = arith.constant 7 : i32
    %broadcast_in_dim3A_185 = vector.broadcast %jit3A_184 : i32 to vector<16x1xi32>
    %select_n3A_186 = arith.select %gt3A_183, %broadcast_in_dim3A_185, %select_n3A_180 : vector<16x1xi1>, vector<16x1xi32>
    %iota3A_187 = tpu.iota {dimensions = array<i32: 0>} : vector<16x1xi32>
    %iota3A_188 = tpu.iota {dimensions = array<i32: 1>} : vector<16x128xi32>
    %mul3A_189 = arith.constant 16 : i32
    %mul3A_190 = vector.broadcast %mul3A_189 : i32 to vector<16x1xi32>
    %mul3A_191 = arith.muli %select_n3A_186, %mul3A_190 : vector<16x1xi32>
    %add3A_192 = arith.addi %mul3A_191, %iota3A_187 : vector<16x1xi32>
    %add3A_193 = arith.constant 896 : i32
    %add3A_194 = vector.broadcast %add3A_193 : i32 to vector<16x1xi32>
    %add3A_195 = arith.addi %add3A_192, %add3A_194 : vector<16x1xi32>
    %swap3A = arith.constant 112 : index
    %swap3A_196 = arith.constant 0 : index
    %swap3A_197 = vector.load %arg10[%swap3A, %swap3A_196] : memref<128x1xi32, #tpu.memory_space<vmem>>, vector<16x1xi32>
    tpu.vector_store %arg10[%swap3A, %swap3A_196], %add3A_195 {strides = array<i32>} : memref<128x1xi32, #tpu.memory_space<vmem>>, vector<16x1xi32>,
    %eq3A_198 = vector.broadcast %add3A_192 : vector<16x1xi32> to vector<16x128xi32>
    %eq3A_199 = arith.cmpi eq, %eq3A_198, %iota3A_188 : vector<16x128xi32>
    %convert_element_type3A = arith.extui %eq3A_199 : vector<16x128xi1> to vector<16x128xi32>
    %convert_element_type3A_200 = arith.sitofp %convert_element_type3A : vector<16x128xi32> to vector<16x128xf32>
    %convert_element_type3A_201 = arith.truncf %convert_element_type3A_200 : vector<16x128xf32> to vector<16x128xbf16>
    %get3A_202 = arith.constant 7 : index
    %get3A_203 = arith.constant 0 : index
    %get3A_204 = arith.constant 0 : index
    %get3A_205 = vector.load %arg9[%get3A_202, %get3A_203, %get3A_204] : memref<8x128x1xi32, #tpu.memory_space<vmem>>, vector<1x128x1xi32>
    %get3A_206 = vector.shape_cast %get3A_205 : vector<1x128x1xi32> to vector<128x1xi32>
    %convert_element_type3A_207 = arith.sitofp %get3A_206 : vector<128x1xi32> to vector<128x1xbf16>
    %dot_general3A = arith.constant dense<0.000000e+00> : vector<16x1xf32>
    %dot_general3A_208 = tpu.matmul %convert_element_type3A_201, %convert_element_type3A_207, %dot_general3A {dimension_numbers = #tpu.dot_dimension_numbers<[1], [0], [0], [1], [0, 0, 1, 1], [], []>, transpose_lhs_hint = false} : vector<16x128xbf16>, vector<128x1xbf16>, vector<16x1xf32> -> vector<16x1xf32>
    %convert_element_type3A_209 = arith.fptosi %dot_general3A_208 : vector<16x1xf32> to vector<16x1xi32>
    %add3A_210 = arith.constant 768 : i32
    %add3A_211 = vector.broadcast %add3A_210 : i32 to vector<16x1xi32>
    %add3A_212 = arith.addi %convert_element_type3A_209, %add3A_211 : vector<16x1xi32>
    %swap3A_213 = arith.constant 96 : index
    %swap3A_214 = arith.constant 0 : index
    %swap3A_215 = vector.load %arg10[%swap3A_213, %swap3A_214] : memref<128x1xi32, #tpu.memory_space<vmem>>, vector<16x1xi32>
    tpu.vector_store %arg10[%swap3A_213, %swap3A_214], %add3A_212 {strides = array<i32>} : memref<128x1xi32, #tpu.memory_space<vmem>>, vector<16x1xi32>,
    %eq3A_216 = vector.broadcast %convert_element_type3A_209 : vector<16x1xi32> to vector<16x128xi32>
    %eq3A_217 = arith.cmpi eq, %eq3A_216, %iota3A_188 : vector<16x128xi32>
    %convert_element_type3A_218 = arith.extui %eq3A_217 : vector<16x128xi1> to vector<16x128xi32>
    %convert_element_type3A_219 = arith.sitofp %convert_element_type3A_218 : vector<16x128xi32> to vector<16x128xf32>
    %convert_element_type3A_220 = arith.truncf %convert_element_type3A_219 : vector<16x128xf32> to vector<16x128xbf16>
    %get3A_221 = arith.constant 6 : index
    %get3A_222 = arith.constant 0 : index
    %get3A_223 = arith.constant 0 : index
    %get3A_224 = vector.load %arg9[%get3A_221, %get3A_222, %get3A_223] : memref<8x128x1xi32, #tpu.memory_space<vmem>>, vector<1x128x1xi32>
    %get3A_225 = vector.shape_cast %get3A_224 : vector<1x128x1xi32> to vector<128x1xi32>
    %convert_element_type3A_226 = arith.sitofp %get3A_225 : vector<128x1xi32> to vector<128x1xbf16>
    %dot_general3A_227 = arith.constant dense<0.000000e+00> : vector<16x1xf32>
    %dot_general3A_228 = tpu.matmul %convert_element_type3A_220, %convert_element_type3A_226, %dot_general3A_227 {dimension_numbers = #tpu.dot_dimension_numbers<[1], [0], [0], [1], [0, 0, 1, 1], [], []>, transpose_lhs_hint = false} : vector<16x128xbf16>, vector<128x1xbf16>, vector<16x1xf32> -> vector<16x1xf32>
    %convert_element_type3A_229 = arith.fptosi %dot_general3A_228 : vector<16x1xf32> to vector<16x1xi32>
    %add3A_230 = arith.constant 640 : i32
    %add3A_231 = vector.broadcast %add3A_230 : i32 to vector<16x1xi32>
    %add3A_232 = arith.addi %convert_element_type3A_229, %add3A_231 : vector<16x1xi32>
    %swap3A_233 = arith.constant 80 : index
    %swap3A_234 = arith.constant 0 : index
    %swap3A_235 = vector.load %arg10[%swap3A_233, %swap3A_234] : memref<128x1xi32, #tpu.memory_space<vmem>>, vector<16x1xi32>
    tpu.vector_store %arg10[%swap3A_233, %swap3A_234], %add3A_232 {strides = array<i32>} : memref<128x1xi32, #tpu.memory_space<vmem>>, vector<16x1xi32>,
    %eq3A_236 = vector.broadcast %convert_element_type3A_229 : vector<16x1xi32> to vector<16x128xi32>
    %eq3A_237 = arith.cmpi eq, %eq3A_236, %iota3A_188 : vector<16x128xi32>
    %convert_element_type3A_238 = arith.extui %eq3A_237 : vector<16x128xi1> to vector<16x128xi32>
    %convert_element_type3A_239 = arith.sitofp %convert_element_type3A_238 : vector<16x128xi32> to vector<16x128xf32>
    %convert_element_type3A_240 = arith.truncf %convert_element_type3A_239 : vector<16x128xf32> to vector<16x128xbf16>
    %get3A_241 = arith.constant 5 : index
    %get3A_242 = arith.constant 0 : index
    %get3A_243 = arith.constant 0 : index
    %get3A_244 = vector.load %arg9[%get3A_241, %get3A_242, %get3A_243] : memref<8x128x1xi32, #tpu.memory_space<vmem>>, vector<1x128x1xi32>
    %get3A_245 = vector.shape_cast %get3A_244 : vector<1x128x1xi32> to vector<128x1xi32>
    %convert_element_type3A_246 = arith.sitofp %get3A_245 : vector<128x1xi32> to vector<128x1xbf16>
    %dot_general3A_247 = arith.constant dense<0.000000e+00> : vector<16x1xf32>
    %dot_general3A_248 = tpu.matmul %convert_element_type3A_240, %convert_element_type3A_246, %dot_general3A_247 {dimension_numbers = #tpu.dot_dimension_numbers<[1], [0], [0], [1], [0, 0, 1, 1], [], []>, transpose_lhs_hint = false} : vector<16x128xbf16>, vector<128x1xbf16>, vector<16x1xf32> -> vector<16x1xf32>
    %convert_element_type3A_249 = arith.fptosi %dot_general3A_248 : vector<16x1xf32> to vector<16x1xi32>
    %add3A_250 = arith.constant 512 : i32
    %add3A_251 = vector.broadcast %add3A_250 : i32 to vector<16x1xi32>
    %add3A_252 = arith.addi %convert_element_type3A_249, %add3A_251 : vector<16x1xi32>
    %swap3A_253 = arith.constant 64 : index
    %swap3A_254 = arith.constant 0 : index
    %swap3A_255 = vector.load %arg10[%swap3A_253, %swap3A_254] : memref<128x1xi32, #tpu.memory_space<vmem>>, vector<16x1xi32>
    tpu.vector_store %arg10[%swap3A_253, %swap3A_254], %add3A_252 {strides = array<i32>} : memref<128x1xi32, #tpu.memory_space<vmem>>, vector<16x1xi32>,
    %eq3A_256 = vector.broadcast %convert_element_type3A_249 : vector<16x1xi32> to vector<16x128xi32>
    %eq3A_257 = arith.cmpi eq, %eq3A_256, %iota3A_188 : vector<16x128xi32>
    %convert_element_type3A_258 = arith.extui %eq3A_257 : vector<16x128xi1> to vector<16x128xi32>
    %convert_element_type3A_259 = arith.sitofp %convert_element_type3A_258 : vector<16x128xi32> to vector<16x128xf32>
    %convert_element_type3A_260 = arith.truncf %convert_element_type3A_259 : vector<16x128xf32> to vector<16x128xbf16>
    %get3A_261 = arith.constant 4 : index
    %get3A_262 = arith.constant 0 : index
    %get3A_263 = arith.constant 0 : index
    %get3A_264 = vector.load %arg9[%get3A_261, %get3A_262, %get3A_263] : memref<8x128x1xi32, #tpu.memory_space<vmem>>, vector<1x128x1xi32>
    %get3A_265 = vector.shape_cast %get3A_264 : vector<1x128x1xi32> to vector<128x1xi32>
    %convert_element_type3A_266 = arith.sitofp %get3A_265 : vector<128x1xi32> to vector<128x1xbf16>
    %dot_general3A_267 = arith.constant dense<0.000000e+00> : vector<16x1xf32>
    %dot_general3A_268 = tpu.matmul %convert_element_type3A_260, %convert_element_type3A_266, %dot_general3A_267 {dimension_numbers = #tpu.dot_dimension_numbers<[1], [0], [0], [1], [0, 0, 1, 1], [], []>, transpose_lhs_hint = false} : vector<16x128xbf16>, vector<128x1xbf16>, vector<16x1xf32> -> vector<16x1xf32>
    %convert_element_type3A_269 = arith.fptosi %dot_general3A_268 : vector<16x1xf32> to vector<16x1xi32>
    %add3A_270 = arith.constant 384 : i32
    %add3A_271 = vector.broadcast %add3A_270 : i32 to vector<16x1xi32>
    %add3A_272 = arith.addi %convert_element_type3A_269, %add3A_271 : vector<16x1xi32>
    %swap3A_273 = arith.constant 48 : index
    %swap3A_274 = arith.constant 0 : index
    %swap3A_275 = vector.load %arg10[%swap3A_273, %swap3A_274] : memref<128x1xi32, #tpu.memory_space<vmem>>, vector<16x1xi32>
    tpu.vector_store %arg10[%swap3A_273, %swap3A_274], %add3A_272 {strides = array<i32>} : memref<128x1xi32, #tpu.memory_space<vmem>>, vector<16x1xi32>,
    %eq3A_276 = vector.broadcast %convert_element_type3A_269 : vector<16x1xi32> to vector<16x128xi32>
    %eq3A_277 = arith.cmpi eq, %eq3A_276, %iota3A_188 : vector<16x128xi32>
    %convert_element_type3A_278 = arith.extui %eq3A_277 : vector<16x128xi1> to vector<16x128xi32>
    %convert_element_type3A_279 = arith.sitofp %convert_element_type3A_278 : vector<16x128xi32> to vector<16x128xf32>
    %convert_element_type3A_280 = arith.truncf %convert_element_type3A_279 : vector<16x128xf32> to vector<16x128xbf16>
    %get3A_281 = arith.constant 3 : index
    %get3A_282 = arith.constant 0 : index
    %get3A_283 = arith.constant 0 : index
    %get3A_284 = vector.load %arg9[%get3A_281, %get3A_282, %get3A_283] : memref<8x128x1xi32, #tpu.memory_space<vmem>>, vector<1x128x1xi32>
    %get3A_285 = vector.shape_cast %get3A_284 : vector<1x128x1xi32> to vector<128x1xi32>
    %convert_element_type3A_286 = arith.sitofp %get3A_285 : vector<128x1xi32> to vector<128x1xbf16>
    %dot_general3A_287 = arith.constant dense<0.000000e+00> : vector<16x1xf32>
    %dot_general3A_288 = tpu.matmul %convert_element_type3A_280, %convert_element_type3A_286, %dot_general3A_287 {dimension_numbers = #tpu.dot_dimension_numbers<[1], [0], [0], [1], [0, 0, 1, 1], [], []>, transpose_lhs_hint = false} : vector<16x128xbf16>, vector<128x1xbf16>, vector<16x1xf32> -> vector<16x1xf32>
    %convert_element_type3A_289 = arith.fptosi %dot_general3A_288 : vector<16x1xf32> to vector<16x1xi32>
    %add3A_290 = arith.constant 256 : i32
    %add3A_291 = vector.broadcast %add3A_290 : i32 to vector<16x1xi32>
    %add3A_292 = arith.addi %convert_element_type3A_289, %add3A_291 : vector<16x1xi32>
    %swap3A_293 = arith.constant 32 : index
    %swap3A_294 = arith.constant 0 : index
    %swap3A_295 = vector.load %arg10[%swap3A_293, %swap3A_294] : memref<128x1xi32, #tpu.memory_space<vmem>>, vector<16x1xi32>
    tpu.vector_store %arg10[%swap3A_293, %swap3A_294], %add3A_292 {strides = array<i32>} : memref<128x1xi32, #tpu.memory_space<vmem>>, vector<16x1xi32>,
    %eq3A_296 = vector.broadcast %convert_element_type3A_289 : vector<16x1xi32> to vector<16x128xi32>
    %eq3A_297 = arith.cmpi eq, %eq3A_296, %iota3A_188 : vector<16x128xi32>
    %convert_element_type3A_298 = arith.extui %eq3A_297 : vector<16x128xi1> to vector<16x128xi32>
    %convert_element_type3A_299 = arith.sitofp %convert_element_type3A_298 : vector<16x128xi32> to vector<16x128xf32>
    %convert_element_type3A_300 = arith.truncf %convert_element_type3A_299 : vector<16x128xf32> to vector<16x128xbf16>
    %get3A_301 = arith.constant 2 : index
    %get3A_302 = arith.constant 0 : index
    %get3A_303 = arith.constant 0 : index
    %get3A_304 = vector.load %arg9[%get3A_301, %get3A_302, %get3A_303] : memref<8x128x1xi32, #tpu.memory_space<vmem>>, vector<1x128x1xi32>
    %get3A_305 = vector.shape_cast %get3A_304 : vector<1x128x1xi32> to vector<128x1xi32>
    %convert_element_type3A_306 = arith.sitofp %get3A_305 : vector<128x1xi32> to vector<128x1xbf16>
    %dot_general3A_307 = arith.constant dense<0.000000e+00> : vector<16x1xf32>
    %dot_general3A_308 = tpu.matmul %convert_element_type3A_300, %convert_element_type3A_306, %dot_general3A_307 {dimension_numbers = #tpu.dot_dimension_numbers<[1], [0], [0], [1], [0, 0, 1, 1], [], []>, transpose_lhs_hint = false} : vector<16x128xbf16>, vector<128x1xbf16>, vector<16x1xf32> -> vector<16x1xf32>
    %convert_element_type3A_309 = arith.fptosi %dot_general3A_308 : vector<16x1xf32> to vector<16x1xi32>
    %add3A_310 = arith.constant 128 : i32
    %add3A_311 = vector.broadcast %add3A_310 : i32 to vector<16x1xi32>
    %add3A_312 = arith.addi %convert_element_type3A_309, %add3A_311 : vector<16x1xi32>
    %swap3A_313 = arith.constant 16 : index
    %swap3A_314 = arith.constant 0 : index
    %swap3A_315 = vector.load %arg10[%swap3A_313, %swap3A_314] : memref<128x1xi32, #tpu.memory_space<vmem>>, vector<16x1xi32>
    tpu.vector_store %arg10[%swap3A_313, %swap3A_314], %add3A_312 {strides = array<i32>} : memref<128x1xi32, #tpu.memory_space<vmem>>, vector<16x1xi32>,
    %eq3A_316 = vector.broadcast %convert_element_type3A_309 : vector<16x1xi32> to vector<16x128xi32>
    %eq3A_317 = arith.cmpi eq, %eq3A_316, %iota3A_188 : vector<16x128xi32>
    %convert_element_type3A_318 = arith.extui %eq3A_317 : vector<16x128xi1> to vector<16x128xi32>
    %convert_element_type3A_319 = arith.sitofp %convert_element_type3A_318 : vector<16x128xi32> to vector<16x128xf32>
    %convert_element_type3A_320 = arith.truncf %convert_element_type3A_319 : vector<16x128xf32> to vector<16x128xbf16>
    %get3A_321 = arith.constant 1 : index
    %get3A_322 = arith.constant 0 : index
    %get3A_323 = arith.constant 0 : index
    %get3A_324 = vector.load %arg9[%get3A_321, %get3A_322, %get3A_323] : memref<8x128x1xi32, #tpu.memory_space<vmem>>, vector<1x128x1xi32>
    %get3A_325 = vector.shape_cast %get3A_324 : vector<1x128x1xi32> to vector<128x1xi32>
    %convert_element_type3A_326 = arith.sitofp %get3A_325 : vector<128x1xi32> to vector<128x1xbf16>
    %dot_general3A_327 = arith.constant dense<0.000000e+00> : vector<16x1xf32>
    %dot_general3A_328 = tpu.matmul %convert_element_type3A_320, %convert_element_type3A_326, %dot_general3A_327 {dimension_numbers = #tpu.dot_dimension_numbers<[1], [0], [0], [1], [0, 0, 1, 1], [], []>, transpose_lhs_hint = false} : vector<16x128xbf16>, vector<128x1xbf16>, vector<16x1xf32> -> vector<16x1xf32>
    %convert_element_type3A_329 = arith.fptosi %dot_general3A_328 : vector<16x1xf32> to vector<16x1xi32>
    %add3A_330 = arith.constant 0 : i32
    %add3A_331 = vector.broadcast %add3A_330 : i32 to vector<16x1xi32>
    %add3A_332 = arith.addi %convert_element_type3A_329, %add3A_331 : vector<16x1xi32>
    %swap3A_333 = arith.constant 0 : index
    %swap3A_334 = arith.constant 0 : index
    %swap3A_335 = vector.load %arg10[%swap3A_333, %swap3A_334] : memref<128x1xi32, #tpu.memory_space<vmem>>, vector<16x1xi32>
    tpu.vector_store %arg10[%swap3A_333, %swap3A_334], %add3A_332 {strides = array<i32>} : memref<128x1xi32, #tpu.memory_space<vmem>>, vector<16x1xi32>,
    return
  }
}

</mosaic_0001>

<sc_bundles>
// kernel: kernel.4.cloned.1.call-start
scs
__scs_entry_jumppad:
0x0: {  	(pc) =	sbr.rel $0x88, $3  }
0x1: {  	(tag) =	ssettag $0x0;
	lr =	simm.s32 $0x1  }
0x2: {  	[smem:$0x3F99] =	sst lr;
	_ =	strace $0xD0000000  }
0x3: {  	_ = 	snop  }
0x4: {  	_ = 	snop  }
0x5: {  	_ = 	snop  }
0x6: {  	_ = 	snop  }
0x7: {  	_ = 	snop  }
__scs_overlays_trampoline_lowered:
0x8: {  	[smem:$0x3FA8] =	sst s0  }
0x9: {  	[smem:$0x3FA9] =	sst s1  }
0xa: {  	[smem:$0x3FAA] =	sst s2  }
0xb: {  	[smem:$0x3FAB] =	sst s3  }
0xc: {  	[smem:$0x3FAC] =	sst s4  }
0xd: {  	[smem:$0x3FAD] =	sst s5  }
0xe: {  	[smem:$0x3FAE] =	sst s6  }
0xf: {  	[smem:$0x3FAF] =	sst s7  }
0x10: {  	[smem:$0x3FB0] =	sst s8  }
0x11: {  	[smem:$0x3FB1] =	sst s9;
	s0 =	simm.s32 @!p0 $0x0  }
0x12: {  	s1 =	sld [smem:$0x3F97];
	s0 =	simm.s32 @p0 $0x1  }
0x13: {  	[smem:$0x3FB2] =	sst s0;
	s0 =	simm.s32 @!p1 $0x0  }
0x14: {  	s2 =	sld [smem:$0x3F96];
	s0 =	simm.s32 @p1 $0x1  }
0x15: {  	[smem:$0x3FB3] =	sst s0;
	s0 =	simm.s32 @!p2 $0x0  }
0x16: {  	s3 =	sld [smem:$0x3FDB];
	s0 =	simm.s32 @p2 $0x1  }
0x17: {  	s4 =	simm.s32 $0x1BF5;
	[smem:$0x3FB5] =	sst s0  }
0x18: {  	s0 =	sld [smem:$0x3F98];
	_ =	swait.ge [sflag:s4], $0x0  }
0x19: {  	s7 =	sld [smem:$0x3F99]  }
0x1a: {  	s8 =	sadd.s32 $0xFFFFE003, lr  }
0x1b: {  	s9 =	sadd.s32 $0xFFFFFEF7, lr;
	s5 =	simm.s32 $0xFFFFFFFF;
	p2 =	slt.u32 s8, $0xFFFFF086  }
0x1c: {  	p1 =	slt.u32 s9, $0xF7A;
	s5 =	simm.s32 @!p2 $0x0  }
0x1d: {  	s5 =	simm.s32 @p1 $0x1;
	p0 =	seq.s32 s7, s2  }
0x1e: {  	s7 =	smul.u32 @!p0 $0xF7A, s2;
	p2 =	seq.s32 @!p0 s5, $0x0  }
0x1f: {  	s9 =	smul.u32 $0xF7A, s1;
	s8 =	simm.s32 @!p0 $0x1BF5;
	p2 =	por !p2, p0  }
0x20: {  	[sflag:s8] =	ssyncset.s32 @!p0 $0xFFFFF086;
	s6 =	sadd.s32 @!p0 s3, s7;
	s7 =	simm.s32 @!p0 $0x108  }
0x21: {  	s3 =	sadd.s32 s3, s9;
	s6 =	sadd.s32 @!p0 $0x88, s6;
	s7 =	simm.s32 @p2 $0x1082  }
0x22: {  	[simem:s7], [sflag:s8] =	dma.local @!p0 [hbm:s6], $0xF7A  }
0x23: {  	s9 =	sor.u32 $0xD0000000, s2;
	s6 =	simm.s32 $0x108;
	_ =	swait.ge @!p0 [sflag:s8], $0x0  }
0x24: {  	s3 =	sadd.s32 $0x88, s3;
	s6 =	simm.s32 @!p1 $0x1082;
	[sflag:s4] =	ssyncset.s32 $0xFFFFF086  }
0x25: {  	[simem:s6], [sflag:s4] =	dma.local [hbm:s3], $0xF7A  }
0x26: {  	[smem:$0x3F99] =	sst s1;
	(tag) =	ssettag s2;
	_ =	strace s9  }
0x27: {  	s1 =	sld [smem:$0x3FA9]  }
0x28: {  	s2 =	sld [smem:$0x3FAA]  }
0x29: {  	s4 =	sld [smem:$0x3FAC]  }
0x2a: {  	p0 =	seq.s32 s5, $0x0;
	s5 =	sld [smem:$0x3FAD]  }
0x2b: {  	s6 =	sld [smem:$0x3FAE]  }
0x2c: {  	s7 =	sld [smem:$0x3FAF]  }
0x2d: {  	s3 =	simm.s32 $0x108;
	s8 =	sld [smem:$0x3FB0]  }
0x2e: {  	s3 =	simm.s32 @!p0 $0x1082;
	s9 =	sld [smem:$0x3FB1]  }
0x2f: {  	lr =	sadd.s32 s0, s3;
	s0 =	sld [smem:$0x3FA8]  }
0x30: {  	s3 =	sld [smem:$0x3FAB]  }
0x31: {  	[smem:$0x3FB4] =	sst s10  }
0x32: {  	s10 =	sld [smem:$0x3FB2];
	_ =	sdelay $0x3  }
0x33: {  	p0 =	seq.s32 s10, $0x1;
	s10 =	sld [smem:$0x3FB4];
	_ =	sdelay $0x3  }
0x34: {  	[smem:$0x3FB4] =	sst s10  }
0x35: {  	s10 =	sld [smem:$0x3FB3];
	_ =	sdelay $0x3  }
0x36: {  	p1 =	seq.s32 s10, $0x1;
	s10 =	sld [smem:$0x3FB4];
	_ =	sdelay $0x3  }
0x37: {  	[smem:$0x3FB4] =	sst s10  }
0x38: {  	s10 =	sld [smem:$0x3FB5]  }
0x39: {  	_ = 	snop;
	(pc) =	sbr.ind lr, $3  }
0x3a: {  	_ = 	snop  }
0x3b: {  	_ = 	snop  }
0x3c: {  	p2 =	seq.s32 s10, $0x1;
	s10 =	sld [smem:$0x3FB4]  }
0x3d: {  	_ =	shalt  }
0x3e: {  	_ =	shalt  }
0x3f: {  	_ =	shalt  }
0x40: {  	_ =	shalt  }
0x41: {  	_ =	shalt  }
0x42: {  	_ =	shalt  }
0x43: {  	_ =	shalt  }
0x44: {  	_ =	shalt  }
0x45: {  	_ =	shalt  }
0x46: {  	_ =	shalt  }
0x47: {  	_ =	shalt  }
0x48: {  	_ =	shalt  }
0x49: {  	_ =	shalt  }
0x4a: {  	_ =	shalt  }
0x4b: {  	_ =	shalt  }
0x4c: {  	_ =	shalt  }
0x4d: {  	_ =	shalt  }
0x4e: {  	_ =	shalt  }
0x4f: {  	_ =	shalt  }
0x50: {  	_ =	shalt  }
0x51: {  	_ =	shalt  }
0x52: {  	_ =	shalt  }
0x53: {  	_ =	shalt  }
0x54: {  	_ =	shalt  }
0x55: {  	_ =	shalt  }
0x56: {  	_ =	shalt  }
0x57: {  	_ =	shalt  }
0x58: {  	_ =	shalt  }
0x59: {  	_ =	shalt  }
0x5a: {  	_ =	shalt  }
0x5b: {  	_ =	shalt  }
0x5c: {  	_ =	shalt  }
0x5d: {  	_ =	shalt  }
0x5e: {  	_ =	shalt  }
0x5f: {  	_ =	shalt  }
0x60: {  	_ =	shalt  }
0x61: {  	_ =	shalt  }
0x62: {  	_ =	shalt  }
0x63: {  	_ =	shalt  }
0x64: {  	_ =	shalt  }
0x65: {  	_ =	shalt  }
0x66: {  	_ =	shalt  }
0x67: {  	_ =	shalt  }
0x68: {  	_ =	shalt  }
0x69: {  	_ =	shalt  }
0x6a: {  	_ =	shalt  }
0x6b: {  	_ =	shalt  }
0x6c: {  	_ =	shalt  }
0x6d: {  	_ =	shalt  }
0x6e: {  	_ =	shalt  }
0x6f: {  	_ =	shalt  }
0x70: {  	_ =	shalt  }
0x71: {  	_ =	shalt  }
0x72: {  	_ =	shalt  }
0x73: {  	_ =	shalt  }
0x74: {  	_ =	shalt  }
0x75: {  	_ =	shalt  }
0x76: {  	_ =	shalt  }
0x77: {  	_ =	shalt  }
0x78: {  	_ =	shalt  }
0x79: {  	_ =	shalt  }
0x7a: {  	_ =	shalt  }
0x7b: {  	_ =	shalt  }
0x7c: {  	_ =	shalt  }
0x7d: {  	_ =	shalt  }
0x7e: {  	_ =	shalt  }
0x7f: {  	_ =	shalt  }
0x80: {  	_ =	shalt  }
0x81: {  	_ =	shalt  }
0x82: {  	_ =	shalt  }
0x83: {  	_ =	shalt  }
0x84: {  	_ =	shalt  }
0x85: {  	_ =	shalt  }
0x86: {  	_ =	shalt  }
0x87: {  	_ =	shalt  }
.Lfunc_end0:
.L_simem_size_0:
called_computation_lowered:
.L_overlay_start_0:
0x88: {  	s2 =	sld [smem:$0x3FD9]  }
0x89: {  	s3 =	sld [smem:$0x3FFE];
	_ =	sdelay $0x1  }
0x8a: {  	s1 =	srdreg.scid  }
0x8b: {  	s0 =	sand.u32 $0x1, s1  }
0x8c: {  	s17 =	sshll.u32 s0, $0xA;
	s2 =	sadd.s32 s3, s2  }
0x8d: {  	s2 =	sadd.s32 s2, s17  }
0x8e: {  	[smem:$0x3FC0] =	sst s2  }
0x8f: {  	_ = 	snop  }
0x90: {  	s2 =	sld [smem:$0x3FD0];
	(tm) =	ssettm $0x1  }
0x91: {  	s18 =	sld [smem:$0x3FFB];
	_ =	sdelay $0x3  }
0x92: {  	_ =	strace s18  }
0x93: {  	s3 =	sld [smem:$0x3FFC];
	_ =	sdelay $0x3  }
0x94: {  	_ =	strace s3  }
0x95: {  	s3 =	sld [smem:$0x3FFD];
	_ =	sdelay $0x3  }
0x96: {  	_ =	strace s3  }
0x97: {  	_ =	strace $0x8FFFFFFF  }
0x98: {  	s19 =	sld [smem:$0x3FDB];
	_ =	sdelay $0x1  }
0x99: {  	s4 =	simm.s32 $_scs_section_size  }
0x9a: {  	s5 =	simm.s32 $_size__tile_overlayer_lowered;
	s6 =	simm.s32 $_tile_overlayer_lowered  }
0x9b: {  	s22 =	simm.s32 $0x1BFF;
	s21 =	sshll.u32 s6, $0x1;
	s3 =	sadd.s32 s4, s19  }
0x9c: {  	s7 =	simm.s32 $0x0;
	s20 =	sshll.u32 s5, $0x1;
	s5 =	sadd.s32 s21, s3  }
0x9d: {  	[timem:s7], [sflag:s22] =	dma.local [hbm:s5], s20  }
0x9e: {  	_ =	swait.ge [sflag:s22], s20  }
0x9f: {  	s4 =	ssub.s32 $0x0, s20;
	[sflag:s22] =	ssyncset.done $0x0  }
0xa0: {  	[sflag:s22] =	ssyncadd.s32 s4;
	_ =	sdelay $0x1  }
0xa1: {  	s23 =	simm.s32 $0x1B8B  }
0xa2: {  	_ =	swait.ge [sflag:s23], $0x1  }
0xa3: {  	[sflag:s23] =	ssyncset.done $0x0  }
0xa4: {  	s25 =	simm.s32 $0x1B8E;
	s24 =	sld [smem:$0x3FFE];
	[sflag:s23] =	ssyncadd.s32 $0xFFFFFFFF  }
0xa5: {  	s26 =	simm.s32 $execute0_lowered;
	[smem:$0x3FD2] =	sst s25  }
0xa6: {  	s5 =	sshll.u32 s26, $0x1;
	_ =	strace $0x80000046;
	[dreg:$0x1] =	wrdreg $0xFFFFFFFF  }
0xa7: {  	s28 =	simm.s32 $_size_execute0_lowered;
	s3 =	sadd.s32 s3, s5;
	[dreg:$0x0] =	wrdreg $0x0  }
0xa8: {  	s5 =	sshll.u32 s28, $0x1;
	[dreg:$0x2] =	wrdreg s3  }
0xa9: {  	[dreg:$0x3] =	wrdreg s5  }
0xaa: {  	[dreg:$0x4] =	wrdreg $0xC0  }
0xab: {  	_ =	task [dreg:s7], $0x5FFFF  }
0xac: {  	[dreg:$0x1] =	wrdreg $0xFFFFFFFF  }
0xad: {  	[dreg:$0x0] =	wrdreg $0x60  }
0xae: {  	[dreg:$0x2] =	wrdreg s24  }
0xaf: {  	[dreg:$0x3] =	wrdreg s2  }
0xb0: {  	[dreg:$0x4] =	wrdreg $0x9  }
0xb1: {  	_ =	task.clear_ibuf [dreg:s7], $0x5FFFF;
	_ =	strace $0x90000046  }
0xb2: {  	s29 =	simm.s32 $0x9;
	_ =	strace $0x80000048  }
0xb3: {  	_ =	swait.ge [sflag:s29], $0x1  }
0xb4: {  	[sflag:s29] =	ssyncadd.s32 $0xFFFFFFFF  }
0xb5: {  	_ =	strace $0x90000048  }
0xb6: {  	_ =	sfence  }
0xb7: {  	s30 =	sld [smem:$0x0];
	_ =	sdelay $0x2  }
0xb8: {  	s31 =	sshll.u32 s1, $0xD;
	s1 =	sshrl.u32 s1, $0x2  }
0xb9: {  	s3 =	sand.u32 $0x4000, s31;
	s1 =	sadd.s32 s1, s30  }
0xba: {  	s0 =	sor.u32 s3, s0;
	s1 =	sshll.u32 s1, $0x11  }
0xbb: {  	s0 =	sor.u32 s1, s0  }
0xbc: {  	s0 =	sadd.s32 $0x8F2B, s0  }
0xbd: {  	[sflag:s0] =	ssyncadd.remote.s32 $0x1  }
0xbe: {  	_ =	sfence.sel $0xFFFF  }
0xbf: {  	[dreg:$0x0] =	wrdreg $0xFFFFFFFF;
	(pc) =	sbr.abs _section_cstart, $3  }
0xc0: {  	[dreg:$0x1] =	wrdreg $0xFFFFFFFF  }
0xc1: {  	_ =	task.clear_ibuf [dreg:s7], $0x2FFFF;
	_ =	strace $0x9FFFFFFF  }
0xc2: {  	(tm) =	ssettm $0x7FFFFFFF  }
0xc3: {  	_ =	shalt  }
tec
execute0_lowered:
.L_overlay_start_1:
0x0: {  	(tag) =	ssettag $0x1  }
0x1: {  	s1 =	stileid.u32  }
0x2: {  	p0 =	sgt.u32 s1, $0x7  }
.Ltmp0:
0x3: {  	_ = 	snop;
	(pc) =	sbr.rel @p0 .LBB2_4-.Ltmp0, $4  }
0x4: {  	_ = 	snop  }
0x5: {  	s28 =	rddreg [dreg:$0x0];
	s2 =	simm.s32 $0x0  }
0x6: {  	[smem:$0x7FF] =	sst s2  }
0x7: {  	s0 =	rddreg [dreg:$0x2];
	_ =	strace $0x80000047  }
0x8: {  	s3 =	sadd.s32 $0x142C00, s28  }
0x9: {  	s20 =	sadd.s32 $0x142D00, s28;
	[dreg:$0x3] =	wrdreg s3  }
0xa: {  	s21 =	sadd.s32 $0x142E00, s28;
	[dreg:$0x4] =	wrdreg s20  }
0xb: {  	s4 =	sadd.s32 $0x2400, s28;
	s22 =	sadd.s32 $0x142F00, s28;
	[dreg:$0x5] =	wrdreg s21  }
0xc: {  	s5 =	srdreg.scid;
	s23 =	sadd.s32 $0x143000, s28;
	[dreg:$0x6] =	wrdreg s22  }
0xd: {  	s24 =	sadd.s32 $0x143100, s28;
	s25 =	sshll.u32 s1, $0x1;
	[dreg:$0x7] =	wrdreg s23  }
0xe: {  	s26 =	sadd.s32 $0x143200, s28;
	s30 =	sand.u32 $0x1, s5;
	[dreg:$0x8] =	wrdreg s24  }
0xf: {  	s0 =	sadd.s32 $0x143300, s28;
	[dreg:$0x9] =	wrdreg s26;
	s31 =	sor.u32 s30, s25  }
0x10: {  	[dreg:$0xa] =	wrdreg s0;
	s3 =	simm.s32 $0x2;
	s4 =	sadd.s32 s4, s31  }
0x11: {  	[tilespmem:s2], [sflag:$0x2] =	stream.linear.gather [hbm4b:s4+s2], $0x8, $0x38;
	[tilespmem:$0x8080] =	vst v63  }
0x12: {  	_ =	swait.ge [sflag:s3], $0x8  }
0x13: {  	[sflag:s3] =	ssyncset.done $0x0  }
0x14: {  	[sflag:s3] =	ssyncadd.s32 $0xFFFFFFF8  }
0x15: {  	v0 =	vld.msk [tilespmem:$0x0], $0xff;
	_ =	sdelay $0x4  }
0x16: {  	v1 =	vshll.u32 v0, $0x5  }
0x17: {  	v2 =	vlaneseq.u32;
	v3 =	vand.u32 $0x7, v0;
	v1 =	vand.u32 $0xFFFFFF00, v1  }
0x18: {  	v0 =	vand.u32 $0x7, v2;
	v2 =	vshrl.u32 v2, $0x3;
	v3 =	vor.u32 v3, v1  }
0x19: {  	v1 =	vmul.u32 $0x8, v2;
	v2 =	vperm.xlane v3, v0;
	_ =	sdelay $0x1  }
0x1a: {  	v2 =	vadd.s32 v1, v2;
	_ =	sdelay $0x3  }
0x1b: {  	vm0 =	vmmov $0xffff;
	s5 =	simm.s32 $0x80;
	s6 =	rddreg [dreg:$0x3]  }
0x1c: {  	[tilespmem:s5], [sflag:$0x1] =	stream.indirect_vreg.gather [hbm4b:s6+s2], $0x80, v2, vm0, $0xb8;
	[tilespmem:$0x8080] =	vst v63  }
0x1d: {  	s0 =	simm.s32 $0x880;
	s7 =	rddreg [dreg:$0x4]  }
0x1e: {  	[tilespmem:s0], [sflag:$0x1] =	stream.indirect_vreg.gather [hbm4b:s7+s2], $0x80, v2, vm0, $0xb8;
	[tilespmem:$0x8080] =	vst v63  }
0x1f: {  	s1 =	simm.s32 $0x1080;
	s8 =	rddreg [dreg:$0x5]  }
0x20: {  	[tilespmem:s1], [sflag:$0x1] =	stream.indirect_vreg.gather [hbm4b:s8+s2], $0x80, v2, vm0, $0xb8;
	[tilespmem:$0x8080] =	vst v63  }
0x21: {  	s9 =	rddreg [dreg:$0x6];
	s8 =	simm.s32 $0x1880  }
0x22: {  	[tilespmem:s8], [sflag:$0x1] =	stream.indirect_vreg.gather [hbm4b:s9+s2], $0x80, v2, vm0, $0xb8;
	[tilespmem:$0x8080] =	vst v63  }
0x23: {  	s10 =	rddreg [dreg:$0x7];
	s9 =	simm.s32 $0x2080  }
0x24: {  	[tilespmem:s9], [sflag:$0x1] =	stream.indirect_vreg.gather [hbm4b:s10+s2], $0x80, v2, vm0, $0xb8;
	[tilespmem:$0x8080] =	vst v63  }
0x25: {  	s11 =	rddreg [dreg:$0x8];
	s10 =	simm.s32 $0x2880  }
0x26: {  	[tilespmem:s10], [sflag:$0x1] =	stream.indirect_vreg.gather [hbm4b:s11+s2], $0x80, v2, vm0, $0xb8;
	[tilespmem:$0x8080] =	vst v63  }
0x27: {  	s12 =	rddreg [dreg:$0x9];
	s11 =	simm.s32 $0x3080  }
0x28: {  	[tilespmem:s11], [sflag:$0x1] =	stream.indirect_vreg.gather [hbm4b:s12+s2], $0x80, v2, vm0, $0xb8;
	[tilespmem:$0x8080] =	vst v63  }
0x29: {  	s13 =	rddreg [dreg:$0xa];
	s12 =	simm.s32 $0x3880  }
0x2a: {  	[tilespmem:s12], [sflag:$0x1] =	stream.indirect_vreg.gather [hbm4b:s13+s2], $0x80, v2, vm0, $0xb8;
	[tilespmem:$0x8080] =	vst v63  }
0x2b: {  	s14 =	simm.s32 $0x4080;
	s13 =	sadd.s32 $0x143400, s28  }
0x2c: {  	[tilespmem:s14], [sflag:$0x1] =	stream.indirect_vreg.gather [hbm4b:s13+s2], $0x80, v2, vm0, $0xb8;
	[tilespmem:$0x8080] =	vst v63  }
0x2d: {  	s15 =	sadd.s32 $0x143500, s28;
	s16 =	simm.s32 $0x4880  }
0x2e: {  	[tilespmem:s16], [sflag:$0x1] =	stream.indirect_vreg.gather [hbm4b:s15+s2], $0x80, v2, vm0, $0xb8;
	[tilespmem:$0x8080] =	vst v63  }
0x2f: {  	s17 =	sadd.s32 $0x143600, s28;
	s18 =	simm.s32 $0x5080  }
0x30: {  	[tilespmem:s18], [sflag:$0x1] =	stream.indirect_vreg.gather [hbm4b:s17+s2], $0x80, v2, vm0, $0xb8;
	[tilespmem:$0x8080] =	vst v63  }
0x31: {  	s19 =	sadd.s32 $0x143700, s28;
	s20 =	simm.s32 $0x5880  }
0x32: {  	[tilespmem:s20], [sflag:$0x1] =	stream.indirect_vreg.gather [hbm4b:s19+s2], $0x80, v2, vm0, $0xb8;
	[tilespmem:$0x8080] =	vst v63  }
0x33: {  	s29 =	simm.s32 $0x7880;
	s21 =	sadd.s32 $0x143800, s28;
	s22 =	simm.s32 $0x6080  }
0x34: {  	[tilespmem:s22], [sflag:$0x1] =	stream.indirect_vreg.gather [hbm4b:s21+s2], $0x80, v2, vm0, $0xb8;
	[tilespmem:$0x8080] =	vst v63  }
0x35: {  	s23 =	sadd.s32 $0x143900, s28;
	s24 =	simm.s32 $0x6880;
	s6 =	ssub.s32 $0x2, s30  }
0x36: {  	[tilespmem:s24], [sflag:$0x1] =	stream.indirect_vreg.gather [hbm4b:s23+s2], $0x80, v2, vm0, $0xb8;
	[tilespmem:$0x8080] =	vst v63  }
0x37: {  	s26 =	simm.s32 $0x7080;
	s25 =	sadd.s32 $0x143A00, s28;
	s7 =	sshrl.u32 s6, $0x1  }
0x38: {  	[tilespmem:s26], [sflag:$0x1] =	stream.indirect_vreg.gather [hbm4b:s25+s2], $0x80, v2, vm0, $0xb8;
	[tilespmem:$0x8080] =	vst v63  }
0x39: {  	s30 =	simm.s32 $0x1;
	s0 =	ssub.s32 s6, s7;
	s28 =	sadd.s32 $0x143B00, s28  }
0x3a: {  	[tilespmem:s29], [sflag:$0x1] =	stream.indirect_vreg.gather [hbm4b:s28+s2], $0x80, v2, vm0, $0xb8;
	[tilespmem:$0x8080] =	vst v63  }
0x3b: {  	s0 =	smax.u32 s0, $0x1;
	_ =	swait.ge [sflag:s30], $0x8000  }
0x3c: {  	p0 =	sne.s32 s0, $0x1;
	[sflag:s30] =	ssyncset.done $0x0  }
.Ltmp1:
0x3d: {  	s6 =	sshll.u32 s31, $0xC;
	s7 =	rddreg [dreg:$0x1];
	(pc) =	sbr.rel @!p0 .LBB2_3-.Ltmp1, $4  }
0x3e: {  	[sflag:s30] =	ssyncadd.s32 $0xFFFF8000;
	s31 =	sadd.s32 s7, s6  }
0x3f: {  	[hbm4b:s31+s2] =	stream.linear.scatter [tilespmem:s5], [sflag:$0x2], $0x8000, $0x38;
	[tilespmem:$0x8080] =	vst v63  }
0x40: {  	_ =	swait.ge [sflag:s3], $0x8000  }
0x41: {  	s0 =	sadd.s32 $0xFFFFFFFF, s0;
	[sflag:s3] =	ssyncset.done $0x0  }
.LBB2_2:
0x42: {  	[sflag:s3] =	ssyncadd.s32 $0xFFFF8000  }
0x43: {  	[tilespmem:s2], [sflag:$0x2] =	stream.linear.gather [hbm4b:s4+s2], $0x8, $0x38;
	[tilespmem:$0x8080] =	vst v63  }
0x44: {  	_ =	swait.ge [sflag:s3], $0x8  }
0x45: {  	[sflag:s3] =	ssyncset.done $0x0  }
0x46: {  	[sflag:s3] =	ssyncadd.s32 $0xFFFFFFF8  }
0x47: {  	v2 =	vld.msk [tilespmem:$0x0], $0xff;
	_ =	sdelay $0x4  }
0x48: {  	v3 =	vshll.u32 v2, $0x5  }
0x49: {  	v2 =	vand.u32 $0x7, v2;
	v3 =	vand.u32 $0xFFFFFF00, v3  }
0x4a: {  	v2 =	vor.u32 v2, v3  }
0x4b: {  	v2 =	vperm.xlane v2, v0;
	_ =	sdelay $0x1  }
0x4c: {  	v2 =	vadd.s32 v1, v2;
	_ =	sdelay $0x3  }
0x4d: {  	s1 =	rddreg [dreg:$0x3]  }
0x4e: {  	[tilespmem:s5], [sflag:$0x1] =	stream.indirect_vreg.gather [hbm4b:s1+s2], $0x80, v2, vm0, $0xb8;
	[tilespmem:$0x8080] =	vst v63  }
0x4f: {  	s7 =	simm.s32 $0x880;
	s6 =	rddreg [dreg:$0x4]  }
0x50: {  	[tilespmem:s7], [sflag:$0x1] =	stream.indirect_vreg.gather [hbm4b:s6+s2], $0x80, v2, vm0, $0xb8;
	[tilespmem:$0x8080] =	vst v63  }
0x51: {  	s1 =	rddreg [dreg:$0x5];
	s7 =	simm.s32 $0x1080  }
0x52: {  	[tilespmem:s7], [sflag:$0x1] =	stream.indirect_vreg.gather [hbm4b:s1+s2], $0x80, v2, vm0, $0xb8;
	[tilespmem:$0x8080] =	vst v63  }
0x53: {  	s6 =	rddreg [dreg:$0x6]  }
0x54: {  	[tilespmem:s8], [sflag:$0x1] =	stream.indirect_vreg.gather [hbm4b:s6+s2], $0x80, v2, vm0, $0xb8;
	[tilespmem:$0x8080] =	vst v63  }
0x55: {  	s1 =	rddreg [dreg:$0x7]  }
0x56: {  	[tilespmem:s9], [sflag:$0x1] =	stream.indirect_vreg.gather [hbm4b:s1+s2], $0x80, v2, vm0, $0xb8;
	[tilespmem:$0x8080] =	vst v63  }
0x57: {  	s7 =	rddreg [dreg:$0x8]  }
0x58: {  	[tilespmem:s10], [sflag:$0x1] =	stream.indirect_vreg.gather [hbm4b:s7+s2], $0x80, v2, vm0, $0xb8;
	[tilespmem:$0x8080] =	vst v63  }
0x59: {  	s1 =	rddreg [dreg:$0x9]  }
0x5a: {  	[tilespmem:s11], [sflag:$0x1] =	stream.indirect_vreg.gather [hbm4b:s1+s2], $0x80, v2, vm0, $0xb8;
	[tilespmem:$0x8080] =	vst v63  }
0x5b: {  	s7 =	rddreg [dreg:$0xa]  }
0x5c: {  	[tilespmem:s12], [sflag:$0x1] =	stream.indirect_vreg.gather [hbm4b:s7+s2], $0x80, v2, vm0, $0xb8;
	[tilespmem:$0x8080] =	vst v63  }
0x5d: {  	_ = 	snop  }
0x5e: {  	[tilespmem:s14], [sflag:$0x1] =	stream.indirect_vreg.gather [hbm4b:s13+s2], $0x80, v2, vm0, $0xb8;
	[tilespmem:$0x8080] =	vst v63  }
0x5f: {  	_ = 	snop  }
0x60: {  	[tilespmem:s16], [sflag:$0x1] =	stream.indirect_vreg.gather [hbm4b:s15+s2], $0x80, v2, vm0, $0xb8;
	[tilespmem:$0x8080] =	vst v63  }
0x61: {  	_ = 	snop  }
0x62: {  	[tilespmem:s18], [sflag:$0x1] =	stream.indirect_vreg.gather [hbm4b:s17+s2], $0x80, v2, vm0, $0xb8;
	[tilespmem:$0x8080] =	vst v63  }
0x63: {  	_ = 	snop  }
0x64: {  	[tilespmem:s20], [sflag:$0x1] =	stream.indirect_vreg.gather [hbm4b:s19+s2], $0x80, v2, vm0, $0xb8;
	[tilespmem:$0x8080] =	vst v63  }
0x65: {  	_ = 	snop  }
0x66: {  	[tilespmem:s22], [sflag:$0x1] =	stream.indirect_vreg.gather [hbm4b:s21+s2], $0x80, v2, vm0, $0xb8;
	[tilespmem:$0x8080] =	vst v63  }
0x67: {  	_ = 	snop  }
0x68: {  	[tilespmem:s24], [sflag:$0x1] =	stream.indirect_vreg.gather [hbm4b:s23+s2], $0x80, v2, vm0, $0xb8;
	[tilespmem:$0x8080] =	vst v63  }
0x69: {  	_ = 	snop  }
0x6a: {  	[tilespmem:s26], [sflag:$0x1] =	stream.indirect_vreg.gather [hbm4b:s25+s2], $0x80, v2, vm0, $0xb8;
	[tilespmem:$0x8080] =	vst v63  }
0x6b: {  	_ = 	snop  }
0x6c: {  	[tilespmem:s29], [sflag:$0x1] =	stream.indirect_vreg.gather [hbm4b:s28+s2], $0x80, v2, vm0, $0xb8;
	[tilespmem:$0x8080] =	vst v63  }
0x6d: {  	p0 =	sne.s32 s0, $0x1;
	_ =	swait.ge [sflag:s30], $0x8000  }
.Ltmp2:
0x6e: {  	[sflag:s30] =	ssyncset.done $0x0;
	(pc) =	sbr.rel @p0 .LBB2_2-.Ltmp2, $4  }
0x6f: {  	[sflag:s30] =	ssyncadd.s32 $0xFFFF8000  }
0x70: {  	[hbm4b:s31+s2] =	stream.linear.scatter [tilespmem:s5], [sflag:$0x2], $0x8000, $0x38;
	[tilespmem:$0x8080] =	vst v63  }
0x71: {  	_ =	swait.ge [sflag:s3], $0x8000  }
0x72: {  	s0 =	sadd.s32 $0xFFFFFFFF, s0;
	[sflag:s3] =	ssyncset.done $0x0  }
.LBB2_3:
0x73: {  	[sflag:s3] =	ssyncadd.s32 $0xFFFF8000  }
0x74: {  	s1 =	stileid.u32;
	s0 =	rddreg [dreg:$0x2]  }
.LBB2_4:
0x75: {  	_ =	sfence.sel $0x180000  }
0x76: {  	[bflag:$0x0] =	sbarrier.arrive $0xFFFF  }
0x77: {  	p0 =	sne.s32 s1, $0x0;
	_ =	strace $0x90000047  }
0x78: {  	s0 =	sadd.s32 @!p0 $0x100000, s0;
	[bflag:$0x2] =	sbarrier.arrive $0xFFFF  }
0x79: {  	[sflag:s0] =	ssyncadd.tile.s32 @!p0 $0x1;
	_ =	shalt  }
.Lfunc_end2:
_tile_overlayer_lowered:
.L_overlay_start_2:
0x7a: {  	(tag) =	ssettag $0x2  }
0x7b: {  	s0 =	rddreg [dreg:$0x0];
	s2 =	stileid.u32  }
0x7c: {  	s1 =	rddreg [dreg:$0x1];
	p0 =	sne.s32 s2, $0x0  }
0x7d: {  	s3 =	rddreg [dreg:$0x2];
	[bflag:$0x3] =	sbarrier.arrive $0xFFFF;
	s2 =	simm.s32 @!p0 $0x1C02  }
0x7e: {  	[timem:s3], [sflag:s2] =	dma.local @!p0 [hbm:s0], s1  }
0x7f: {  	s0 =	simm.s32 @!p0 $0x2  }
0x80: {  	_ =	swait.ge @!p0 [sflag:s0], s1  }
0x81: {  	s1 =	ssub.s32 @!p0 $0x0, s1;
	[sflag:s0] =	ssyncset.done @!p0 $0x0  }
0x82: {  	[sflag:s0] =	ssyncadd.s32 @!p0 s1  }
0x83: {  	[bflag:$0x3] =	sbarrier.arrive $0xFFFF  }
0x84: {  	_ =	shalt  }

</sc_bundles>
